<compile_context>
chip_gen: v7x
topology: tpu7x:2x2x1
jax: 0.10.2.dev20260603
libtpu: 0.0.44.dev20260713+nightly
codegen_flags: <defaults>
</compile_context>

<pallas_src>
import functools

import jax
import jax.numpy as jnp
from jax import lax
from jax.experimental import pallas as pl
from jax.experimental.pallas import tpu as pltpu
from jax.experimental.pallas import tpu_sc as plsc

_N = 10000
_NP = 10240
_E = 160000
_CHUNK = 128
_NCHUNKS = 1280
_EPAD = _NCHUNKS * _CHUNK - _E
_NC, _NS = 2, 16
_BM = 256



@functools.cache
def _mesh():
    return plsc.VectorSubcoreMesh(
        core_axis_name="c", subcore_axis_name="s",
        num_cores=_NC, num_subcores=_NS)


@functools.cache
def _sc_degree():
    nck = _NCHUNKS // (_NC * _NS)
    nrw = _NP // _NS

    @functools.partial(
        pl.kernel, mesh=_mesh(),
        out_type=jax.ShapeDtypeStruct((_NC * _NP,), jnp.float32),
        scratch_types=[
            pltpu.VMEM((nck, _CHUNK), jnp.int32),
            pltpu.VMEM((_CHUNK,), jnp.float32),
            pltpu.VMEM_SHARED((_NP,), jnp.float32),
        ],
    )
    def k(dst_hbm, ones_hbm, zero_hbm, out, dstv, onesv, degsh):
        c = lax.axis_index("c")
        s = lax.axis_index("s")
        wid = c * _NS + s
        pltpu.sync_copy(zero_hbm, degsh.at[pl.ds(s * nrw, nrw)])
        pltpu.sync_copy(dst_hbm.at[pl.ds(wid * nck, nck)], dstv)
        pltpu.sync_copy(ones_hbm, onesv)
        plsc.subcore_barrier()

        def body(j, _):
            pltpu.sync_copy(onesv, degsh.at[dstv.at[j]], add=True)
            return 0

        lax.fori_loop(0, nck, body, 0)
        plsc.subcore_barrier()
        pltpu.sync_copy(degsh.at[pl.ds(s * nrw, nrw)],
                        out.at[pl.ds(c * _NP + s * nrw, nrw)])

    return k


@functools.cache
def _sc_agg256():
    nck = _NCHUNKS // _NS
    nrw = _NP // _NS
    nph = 2
    pck = nck // nph

    @functools.partial(
        pl.kernel, mesh=_mesh(),
        out_type=jax.ShapeDtypeStruct((_NC * _NP, 128), jnp.float32),
        scratch_types=[
            pltpu.VMEM((pck + 2, _CHUNK), jnp.int32),
            pltpu.VMEM((pck, _CHUNK), jnp.int32),
            pltpu.VMEM((_CHUNK, 128), jnp.float32),
            pltpu.VMEM((_CHUNK, 128), jnp.float32),
            pltpu.VMEM_SHARED((_NP, 128), jnp.float32),
            pltpu.SemaphoreType.DMA,
            pltpu.SemaphoreType.DMA,
        ],
    )
    def k(g_stack, src_hbm, dst_hbm, out,
          srcv, dstv, rows0, rows1, aggsh, sem0, sem1):
        c = lax.axis_index("c")
        s = lax.axis_index("s")
        pltpu.sync_copy(g_stack.at[pl.ds(c * _NP + s * nrw, nrw)],
                        aggsh.at[pl.ds(s * nrw, nrw)])
        plsc.subcore_barrier()

        for ph in range(nph):
            base = s * nck + ph * pck
            pltpu.sync_copy(src_hbm.at[c, pl.ds(base, pck)],
                            srcv.at[pl.ds(0, pck)])
            pltpu.sync_copy(src_hbm.at[c, pl.ds(0, 2)], srcv.at[pl.ds(pck, 2)])
            pltpu.sync_copy(dst_hbm.at[pl.ds(base, pck)], dstv)

            pltpu.async_copy(g_stack.at[srcv.at[0]], rows0, sem0)
            pltpu.async_copy(g_stack.at[srcv.at[1]], rows1, sem1)

            def body(t, _):
                j = 2 * t
                pltpu.make_async_copy(g_stack.at[srcv.at[j]], rows0, sem0).wait()
                pltpu.sync_copy(rows0, aggsh.at[dstv.at[j]], add=True)
                pltpu.async_copy(g_stack.at[srcv.at[j + 2]], rows0, sem0)
                pltpu.make_async_copy(g_stack.at[srcv.at[j + 1]], rows1,
                                      sem1).wait()
                pltpu.sync_copy(rows1, aggsh.at[dstv.at[j + 1]], add=True)
                pltpu.async_copy(g_stack.at[srcv.at[j + 3]], rows1, sem1)
                return 0

            lax.fori_loop(0, pck // 2, body, 0)
            pltpu.make_async_copy(g_stack.at[srcv.at[0]], rows0, sem0).wait()
            pltpu.make_async_copy(g_stack.at[srcv.at[1]], rows1, sem1).wait()

        plsc.subcore_barrier()
        pltpu.sync_copy(aggsh.at[pl.ds(s * nrw, nrw)],
                        out.at[pl.ds(c * _NP + s * nrw, nrw)])

    return k


@functools.cache
def _sc_agg128():
    nck = _NCHUNKS // (_NC * _NS)
    nrw = _NP // _NS

    @functools.partial(
        pl.kernel, mesh=_mesh(),
        out_type=jax.ShapeDtypeStruct((_NC * _NP, 128), jnp.float32),
        scratch_types=[
            pltpu.VMEM((nck + 2, _CHUNK), jnp.int32),
            pltpu.VMEM((nck, _CHUNK), jnp.int32),
            pltpu.VMEM((_CHUNK, 128), jnp.float32),
            pltpu.VMEM((_CHUNK, 128), jnp.float32),
            pltpu.VMEM_SHARED((_NP, 128), jnp.float32),
            pltpu.SemaphoreType.DMA,
            pltpu.SemaphoreType.DMA,
        ],
    )
    def k(g, src_hbm, dst_hbm, zrows, out,
          srcv, dstv, rows0, rows1, aggsh, sem0, sem1):
        c = lax.axis_index("c")
        s = lax.axis_index("s")
        wid = c * _NS + s

        @pl.when(c == 0)
        def _():
            pltpu.sync_copy(g.at[pl.ds(s * nrw, nrw)],
                            aggsh.at[pl.ds(s * nrw, nrw)])

        @pl.when(c == 1)
        def _():
            pltpu.sync_copy(zrows, aggsh.at[pl.ds(s * nrw, nrw)])

        pltpu.sync_copy(src_hbm.at[pl.ds(wid * nck, nck)],
                        srcv.at[pl.ds(0, nck)])
        pltpu.sync_copy(src_hbm.at[pl.ds(0, 2)], srcv.at[pl.ds(nck, 2)])
        pltpu.sync_copy(dst_hbm.at[pl.ds(wid * nck, nck)], dstv)
        plsc.subcore_barrier()

        pltpu.async_copy(g.at[srcv.at[0]], rows0, sem0)
        pltpu.async_copy(g.at[srcv.at[1]], rows1, sem1)

        def body(t, _):
            j = 2 * t
            pltpu.make_async_copy(g.at[srcv.at[j]], rows0, sem0).wait()
            pltpu.sync_copy(rows0, aggsh.at[dstv.at[j]], add=True)
            pltpu.async_copy(g.at[srcv.at[j + 2]], rows0, sem0)
            pltpu.make_async_copy(g.at[srcv.at[j + 1]], rows1, sem1).wait()
            pltpu.sync_copy(rows1, aggsh.at[dstv.at[j + 1]], add=True)
            pltpu.async_copy(g.at[srcv.at[j + 3]], rows1, sem1)
            return 0

        lax.fori_loop(0, nck // 2, body, 0)
        pltpu.make_async_copy(g.at[srcv.at[0]], rows0, sem0).wait()
        pltpu.make_async_copy(g.at[srcv.at[1]], rows1, sem1).wait()
        plsc.subcore_barrier()
        pltpu.sync_copy(aggsh.at[pl.ds(s * nrw, nrw)],
                        out.at[pl.ds(c * _NP + s * nrw, nrw)])

    return k



_row_spec = pl.BlockSpec((_BM, 128), lambda i: (i, 0))
_dis_spec = pl.BlockSpec((_BM, 1), lambda i: (i, 0))
_half_a = pl.BlockSpec((1, _BM, 128), lambda i: (0, i, 0))
_half_b = pl.BlockSpec((1, _BM, 128), lambda i: (1, i, 0))
_stack_spec = pl.BlockSpec((_NC, _BM, 128), lambda i: (0, i, 0))


def _full(shape):
    return pl.BlockSpec(shape, lambda i: (0,) * len(shape))


def _mm(a, b):
    return jnp.dot(a, b, preferred_element_type=jnp.float32)


def _tc_prep(x, dis):
    def body(x_ref, dis_ref, g_ref):
        g = x_ref[...] * dis_ref[...]
        g_ref[0] = g[:, :128]
        g_ref[1] = g[:, 128:]

    return pl.pallas_call(
        body,
        grid=(_NP // _BM,),
        in_specs=[pl.BlockSpec((_BM, 256), lambda i: (i, 0)), _dis_spec],
        out_specs=_stack_spec,
        out_shape=jax.ShapeDtypeStruct((_NC, _NP, 128), jnp.float32),
    )(x, dis)


def _tc_layer1(agg, dis, W1, b1, W2):
    def body(aa, ab, d, w1, b1_r, w2, o):
        u = jnp.concatenate([aa[0], ab[0]], axis=1) * d[...]
        h = jnp.clip(_mm(u, w1[...]) + b1_r[...], 0.0, 6.0)
        y = _mm(h, w2[...]) * d[...]
        o[0] = y[:, :128]
        o[1] = y[:, 128:]

    return pl.pallas_call(
        body,
        grid=(_NP // _BM,),
        in_specs=[_half_a, _half_b, _dis_spec,
                  _full((256, 512)), _full((1, 512)), _full((512, 256))],
        out_specs=_stack_spec,
        out_shape=jax.ShapeDtypeStruct((_NC, _NP, 128), jnp.float32),
    )(agg, agg, dis, W1, b1, W2)


def _tc_layer2(agg, dis, b2, W3p):
    def body(aa, ab, d, b2_r, w3, o):
        u = jnp.concatenate([aa[0], ab[0]], axis=1) * d[...]
        h = jnp.clip(u + b2_r[...], 0.0, 6.0)
        o[...] = _mm(h, w3[...]) * d[...]

    return pl.pallas_call(
        body,
        grid=(_NP // _BM,),
        in_specs=[_half_a, _half_b, _dis_spec,
                  _full((1, 256)), _full((256, 128))],
        out_specs=_row_spec,
        out_shape=jax.ShapeDtypeStruct((_NP, 128), jnp.float32),
    )(agg, agg, dis, b2, W3p)


def _tc_layer3(agg, dis, b3p, Wcp, bcp):
    def body(aa, ab, d, b3_r, wc, bc_r, o):
        u = (aa[0] + ab[0]) * d[...]
        h = jnp.clip(u + b3_r[...], 0.0, 6.0)
        o[...] = jax.nn.sigmoid(_mm(h, wc[...]) + bc_r[...])

    return pl.pallas_call(
        body,
        grid=(_NP // _BM,),
        in_specs=[_half_a, _half_b, _dis_spec,
                  _full((1, 128)), _full((128, 128)), _full((1, 128))],
        out_specs=_row_spec,
        out_shape=jax.ShapeDtypeStruct((_NP, 128), jnp.float32),
    )(agg, agg, dis, b3p, Wcp, bcp)



def kernel(x, node_layers, intra_layer_edges, cross_layer_edges,
           W1, b1, W2, b2, W3, b3, Wc, bc):
    del node_layers
    src = jnp.concatenate([intra_layer_edges[:, 0], cross_layer_edges[:, 0]])
    dst = jnp.concatenate([intra_layer_edges[:, 1], cross_layer_edges[:, 1]])
    pad_i = jnp.arange(_EPAD, dtype=jnp.int32)
    src2d = jnp.concatenate([src, pad_i % _N]).reshape(_NCHUNKS, _CHUNK)
    dst2d = jnp.concatenate([dst, _N + pad_i % (_NP - _N)]).reshape(_NCHUNKS, _CHUNK)
    src3d = jnp.stack([src2d, src2d + _NP])

    zero1d = jnp.zeros((_NP // _NS,), jnp.float32)
    ones1d = jnp.ones((_CHUNK,), jnp.float32)
    zrows = jnp.zeros((_NP // _NS, 128), jnp.float32)

    deg2 = _sc_degree()(dst2d, ones1d, zero1d)
    dis = lax.rsqrt(deg2[:_NP] + deg2[_NP:] + 1.0).reshape(_NP, 1)
    g1 = _tc_prep(x, dis)
    agg1 = _sc_agg256()(g1.reshape(_NC * _NP, 128), src3d,
                        dst2d).reshape(_NC, _NP, 128)
    g2 = _tc_layer1(agg1, dis, W1, b1.reshape(1, -1), W2)
    agg2 = _sc_agg256()(g2.reshape(_NC * _NP, 128), src3d,
                        dst2d).reshape(_NC, _NP, 128)
    W3p = jnp.zeros((256, 128), jnp.float32).at[:, :52].set(W3)
    g3 = _tc_layer2(agg2, dis, b2.reshape(1, -1), W3p)
    agg3 = _sc_agg128()(g3, src2d, dst2d, zrows).reshape(_NC, _NP, 128)
    b3p = jnp.zeros((1, 128), jnp.float32).at[0, :52].set(b3)
    Wcp = jnp.zeros((128, 128), jnp.float32).at[:52, :3].set(Wc)
    bcp = jnp.zeros((1, 128), jnp.float32).at[0, :3].set(bc)
    outp = _tc_layer3(agg3, dis, b3p, Wcp, bcp)
    return (outp[:_N, :3], intra_layer_edges, cross_layer_edges)

# --- scband reference (transcript-rebuilt; emitter-appended) ---
"""Pipeline reference for scband-mara-45509473469098 (READ-ONLY COPY).

The authoritative reference and input builder live on the scoring server;
editing this copy changes nothing except your own understanding.
"""

import jax, jax.numpy as jnp
import numpy as np

N = 10000
D = 256
H1, H2, H3, C = 512, 256, 52, 3
E_INTRA, E_CROSS = 120000, 40000


def setup_inputs(seed: int = 0) -> dict:
    key = jax.random.key(seed)
    ks = jax.random.split(key, 12)
    inp = {}
    inp['x'] = jax.random.normal(ks[0], (N, D), dtype=jnp.float32)
    inp['node_layers'] = jax.random.randint(ks[1], (N, 1), 0, 3, dtype=jnp.int32)
    inp['intra_layer_edges'] = jax.random.randint(ks[2], (E_INTRA, 2), 0, N, dtype=jnp.int32)
    inp['cross_layer_edges'] = jax.random.randint(ks[3], (E_CROSS, 2), 0, N, dtype=jnp.int32)
    # GCNConv weights (PyG-style: lin weight [in, out] applied as x @ W, plus bias)
    inp['W1'] = jax.random.normal(ks[4], (D, H1), dtype=jnp.float32) * 0.05
    inp['b1'] = jnp.zeros((H1,), dtype=jnp.float32)
    inp['W2'] = jax.random.normal(ks[5], (H1, H2), dtype=jnp.float32) * 0.05
    inp['b2'] = jnp.zeros((H2,), dtype=jnp.float32)
    inp['W3'] = jax.random.normal(ks[6], (H2, H3), dtype=jnp.float32) * 0.05
    inp['b3'] = jnp.zeros((H3,), dtype=jnp.float32)
    inp['Wc'] = jax.random.normal(ks[7], (H3, C), dtype=jnp.float32) * 0.05
    inp['bc'] = jnp.zeros((C,), dtype=jnp.float32)
    return inp


def _gcn_conv(h, edge_index, W, b):
    # PyG GCNConv: add self-loops, symmetric normalization, scatter-add aggregation
    src, dst = edge_index[0], edge_index[1]
    loop = jnp.arange(N, dtype=src.dtype)
    s = jnp.concatenate([src, loop])
    d = jnp.concatenate([dst, loop])
    deg = jnp.zeros((N,), dtype=h.dtype).at[d].add(1.0)
    dis = jnp.where(deg > 0, deg ** -0.5, 0.0)
    norm = dis[s] * dis[d]
    hw = h @ W
    msg = hw[s] * norm[:, None]
    out = jnp.zeros((N, W.shape[1]), dtype=h.dtype).at[d].add(msg)
    return out + b


def reference(x, node_layers, intra_layer_edges, cross_layer_edges, W1, b1, W2, b2, W3, b3, Wc, bc):
    # simplification_strategy='DE', stages='once', DE_p=0.0 -> DropEdge keeps all edges.
    # dropout=0.0 -> identity. ReLU6 = clip(v, 0, 6).
    edge_index = jnp.concatenate([intra_layer_edges, cross_layer_edges], axis=0).T
    relu6 = lambda v: jnp.clip(v, 0.0, 6.0)
    h = relu6(_gcn_conv(x, edge_index, W1, b1))
    h = relu6(_gcn_conv(h, edge_index, W2, b2))
    h = relu6(_gcn_conv(h, edge_index, W3, b3))
    out = jax.nn.sigmoid(h @ Wc + bc)
    return (out, intra_layer_edges, cross_layer_edges)

if __name__ == "__main__":
    import jax
    _d = setup_inputs()
    print(jax.jit(kernel)(*tuple(_d.values())))

</pallas_src>

<mosaic_0001>
#map = affine_map<(d0, d1) -> (0, 0)>
#map1 = affine_map<(d0, d1) -> (0, 0, 0)>
module attributes {stable_mosaic.version = 14 : i64} {
  func.func @k(%arg0: i32, %arg1: i32, %arg2: memref<20480x128xf32, #tpu.memory_space<hbm>>, %arg3: memref<2x1280x128xi32, #tpu.memory_space<hbm>>, %arg4: memref<1280x128xi32, #tpu.memory_space<hbm>>, %arg5: memref<20480x128xf32, #tpu.memory_space<hbm>>, %arg6: memref<42x128xi32, #tpu.memory_space<vmem>>, %arg7: memref<40x128xi32, #tpu.memory_space<vmem>>, %arg8: memref<128x128xf32, #tpu.memory_space<vmem>>, %arg9: memref<128x128xf32, #tpu.memory_space<vmem>>, %arg10: memref<10240x128xf32, #tpu.memory_space<vmem_shared>>, %arg11: memref<!tpu.dma_semaphore, #tpu.memory_space<semaphore_mem>>, %arg12: memref<!tpu.dma_semaphore, #tpu.memory_space<semaphore_mem>>) attributes {dimension_semantics = [#tpu.dimension_semantics<core_parallel>, #tpu.dimension_semantics<subcore_parallel>], iteration_bounds = array<i64: 2, 16>, scalar_prefetch = 0 : i64, scratch_operands = 7 : i64, tpu.core_type = #tpu.core_type<sc_vector_subcore>, window_params = [{transform_indices = #map}, {transform_indices = #map1}, {transform_indices = #map}, {transform_indices = #map}]} {
    %mul3A = arith.constant 10240 : i32
    %mul3A_0 = arith.muli %arg0, %mul3A : i32
    %mul3A_1 = arith.constant 640 : i32
    %mul3A_2 = arith.muli %arg1, %mul3A_1 : i32
    %add3A = arith.addi %mul3A_0, %mul3A_2 : i32
    %mul3A_3 = arith.constant 640 : i32
    %mul3A_4 = arith.muli %arg1, %mul3A_3 : i32
    "tpu.region"() ({
      %run_scoped3A = tpu.sem_alloc : memref<!tpu.dma_semaphore, #tpu.memory_space<semaphore_mem>>
      %dma_start3A_88 = arith.constant 0 : i32
      %dma_start3A_89 = tpu.memref_slice %arg10[%mul3A_4, %dma_start3A_88] : memref<10240x128xf32, #tpu.memory_space<vmem_shared>> -> memref<640x128xf32, #tpu.memory_space<vmem_shared>>
      %dma_start3A_90 = arith.constant 0 : i32
      %dma_start3A_91 = tpu.memref_slice %arg2[%add3A, %dma_start3A_90] : memref<20480x128xf32, #tpu.memory_space<hbm>> -> memref<640x128xf32, #tpu.memory_space<hbm>>
      tpu.enqueue_dma source(%dma_start3A_91 : memref<640x128xf32, #tpu.memory_space<hbm>>) target(%dma_start3A_89 : memref<640x128xf32, #tpu.memory_space<vmem_shared>>) target_semaphore(%run_scoped3A : memref<!tpu.dma_semaphore, #tpu.memory_space<semaphore_mem>>)
      %dma_wait3A_92 = arith.constant 0 : i32
      %dma_wait3A_93 = tpu.memref_slice %arg10[%mul3A_4, %dma_wait3A_92] : memref<10240x128xf32, #tpu.memory_space<vmem_shared>> -> memref<640x128xf32, #tpu.memory_space<vmem_shared>>
      %dma_wait3A_94 = arith.constant 0 : i32
      %dma_wait3A_95 = tpu.memref_slice %arg2[%add3A, %dma_wait3A_94] : memref<20480x128xf32, #tpu.memory_space<hbm>> -> memref<640x128xf32, #tpu.memory_space<hbm>>
      tpu.wait_dma2 semaphore(%run_scoped3A : memref<!tpu.dma_semaphore, #tpu.memory_space<semaphore_mem>>) src(%dma_wait3A_95 : memref<640x128xf32, #tpu.memory_space<hbm>>) dst(%dma_wait3A_93 : memref<640x128xf32, #tpu.memory_space<vmem_shared>>)
      tpu.yield
    }) : () -> ()
    %barrier3A = arith.constant 0 : index
    tpu.barrier barrier_id(%barrier3A)
    %mul3A_5 = arith.constant 80 : i32
    %mul3A_6 = arith.muli %arg1, %mul3A_5 : i32
    %add3A_7 = arith.constant 0 : i32
    %add3A_8 = arith.addi %mul3A_6, %add3A_7 : i32
    "tpu.region"() ({
      %run_scoped3A = tpu.sem_alloc : memref<!tpu.dma_semaphore, #tpu.memory_space<semaphore_mem>>
      %dma_start3A_88 = arith.constant 0 : i32
      %dma_start3A_89 = arith.constant 0 : i32
      %dma_start3A_90 = tpu.memref_slice %arg6[%dma_start3A_88, %dma_start3A_89] : memref<42x128xi32, #tpu.memory_space<vmem>> -> memref<40x128xi32, #tpu.memory_space<vmem>>
      %dma_start3A_91 = arith.constant 0 : i32
      %dma_start3A_92 = tpu.memref_slice %arg3[%arg0, %add3A_8, %dma_start3A_91] : memref<2x1280x128xi32, #tpu.memory_space<hbm>> -> memref<1x40x128xi32, #tpu.memory_space<hbm>>
      %dma_start3A_93 = tpu.memref_squeeze %dma_start3A_92 : memref<1x40x128xi32, #tpu.memory_space<hbm>> -> memref<40x128xi32, #tpu.memory_space<hbm>>
      %dma_start3A_94 = arith.constant 0 : i32
      %dma_start3A_95 = arith.constant 0 : i32
      %dma_start3A_96 = tpu.memref_slice %arg6[%dma_start3A_94, %dma_start3A_95] : memref<42x128xi32, #tpu.memory_space<vmem>> -> memref<40x128xi32, #tpu.memory_space<vmem>>
      %dma_start3A_97 = arith.constant 0 : i32
      %dma_start3A_98 = tpu.memref_slice %arg3[%arg0, %add3A_8, %dma_start3A_97] : memref<2x1280x128xi32, #tpu.memory_space<hbm>> -> memref<1x40x128xi32, #tpu.memory_space<hbm>>
      %dma_start3A_99 = tpu.memref_squeeze %dma_start3A_98 : memref<1x40x128xi32, #tpu.memory_space<hbm>> -> memref<40x128xi32, #tpu.memory_space<hbm>>
      tpu.enqueue_dma source(%dma_start3A_99 : memref<40x128xi32, #tpu.memory_space<hbm>>) target(%dma_start3A_96 : memref<40x128xi32, #tpu.memory_space<vmem>>) target_semaphore(%run_scoped3A : memref<!tpu.dma_semaphore, #tpu.memory_space<semaphore_mem>>)
      %dma_wait3A_100 = arith.constant 0 : i32
      %dma_wait3A_101 = arith.constant 0 : i32
      %dma_wait3A_102 = tpu.memref_slice %arg6[%dma_wait3A_100, %dma_wait3A_101] : memref<42x128xi32, #tpu.memory_space<vmem>> -> memref<40x128xi32, #tpu.memory_space<vmem>>
      %dma_wait3A_103 = arith.constant 0 : i32
      %dma_wait3A_104 = tpu.memref_slice %arg3[%arg0, %add3A_8, %dma_wait3A_103] : memref<2x1280x128xi32, #tpu.memory_space<hbm>> -> memref<1x40x128xi32, #tpu.memory_space<hbm>>
      %dma_wait3A_105 = tpu.memref_squeeze %dma_wait3A_104 : memref<1x40x128xi32, #tpu.memory_space<hbm>> -> memref<40x128xi32, #tpu.memory_space<hbm>>
      %dma_wait3A_106 = arith.constant 0 : i32
      %dma_wait3A_107 = arith.constant 0 : i32
      %dma_wait3A_108 = tpu.memref_slice %arg6[%dma_wait3A_106, %dma_wait3A_107] : memref<42x128xi32, #tpu.memory_space<vmem>> -> memref<40x128xi32, #tpu.memory_space<vmem>>
      %dma_wait3A_109 = arith.constant 0 : i32
      %dma_wait3A_110 = tpu.memref_slice %arg3[%arg0, %add3A_8, %dma_wait3A_109] : memref<2x1280x128xi32, #tpu.memory_space<hbm>> -> memref<1x40x128xi32, #tpu.memory_space<hbm>>
      %dma_wait3A_111 = tpu.memref_squeeze %dma_wait3A_110 : memref<1x40x128xi32, #tpu.memory_space<hbm>> -> memref<40x128xi32, #tpu.memory_space<hbm>>
      tpu.wait_dma2 semaphore(%run_scoped3A : memref<!tpu.dma_semaphore, #tpu.memory_space<semaphore_mem>>) src(%dma_wait3A_111 : memref<40x128xi32, #tpu.memory_space<hbm>>) dst(%dma_wait3A_108 : memref<40x128xi32, #tpu.memory_space<vmem>>)
      tpu.yield
    }) : () -> ()
    "tpu.region"() ({
      %run_scoped3A = tpu.sem_alloc : memref<!tpu.dma_semaphore, #tpu.memory_space<semaphore_mem>>
      %dma_start3A_88 = arith.constant 40 : i32
      %dma_start3A_89 = arith.constant 0 : i32
      %dma_start3A_90 = tpu.memref_slice %arg6[%dma_start3A_88, %dma_start3A_89] : memref<42x128xi32, #tpu.memory_space<vmem>> -> memref<2x128xi32, #tpu.memory_space<vmem>>
      %dma_start3A_91 = arith.constant 0 : i32
      %dma_start3A_92 = arith.constant 0 : i32
      %dma_start3A_93 = tpu.memref_slice %arg3[%arg0, %dma_start3A_91, %dma_start3A_92] : memref<2x1280x128xi32, #tpu.memory_space<hbm>> -> memref<1x2x128xi32, #tpu.memory_space<hbm>>
      %dma_start3A_94 = tpu.memref_squeeze %dma_start3A_93 : memref<1x2x128xi32, #tpu.memory_space<hbm>> -> memref<2x128xi32, #tpu.memory_space<hbm>>
      %dma_start3A_95 = arith.constant 40 : i32
      %dma_start3A_96 = arith.constant 0 : i32
      %dma_start3A_97 = tpu.memref_slice %arg6[%dma_start3A_95, %dma_start3A_96] : memref<42x128xi32, #tpu.memory_space<vmem>> -> memref<2x128xi32, #tpu.memory_space<vmem>>
      %dma_start3A_98 = arith.constant 0 : i32
      %dma_start3A_99 = arith.constant 0 : i32
      %dma_start3A_100 = tpu.memref_slice %arg3[%arg0, %dma_start3A_98, %dma_start3A_99] : memref<2x1280x128xi32, #tpu.memory_space<hbm>> -> memref<1x2x128xi32, #tpu.memory_space<hbm>>
      %dma_start3A_101 = tpu.memref_squeeze %dma_start3A_100 : memref<1x2x128xi32, #tpu.memory_space<hbm>> -> memref<2x128xi32, #tpu.memory_space<hbm>>
      tpu.enqueue_dma source(%dma_start3A_101 : memref<2x128xi32, #tpu.memory_space<hbm>>) target(%dma_start3A_97 : memref<2x128xi32, #tpu.memory_space<vmem>>) target_semaphore(%run_scoped3A : memref<!tpu.dma_semaphore, #tpu.memory_space<semaphore_mem>>)
      %dma_wait3A_102 = arith.constant 40 : i32
      %dma_wait3A_103 = arith.constant 0 : i32
      %dma_wait3A_104 = tpu.memref_slice %arg6[%dma_wait3A_102, %dma_wait3A_103] : memref<42x128xi32, #tpu.memory_space<vmem>> -> memref<2x128xi32, #tpu.memory_space<vmem>>
      %dma_wait3A_105 = arith.constant 0 : i32
      %dma_wait3A_106 = arith.constant 0 : i32
      %dma_wait3A_107 = tpu.memref_slice %arg3[%arg0, %dma_wait3A_105, %dma_wait3A_106] : memref<2x1280x128xi32, #tpu.memory_space<hbm>> -> memref<1x2x128xi32, #tpu.memory_space<hbm>>
      %dma_wait3A_108 = tpu.memref_squeeze %dma_wait3A_107 : memref<1x2x128xi32, #tpu.memory_space<hbm>> -> memref<2x128xi32, #tpu.memory_space<hbm>>
      %dma_wait3A_109 = arith.constant 40 : i32
      %dma_wait3A_110 = arith.constant 0 : i32
      %dma_wait3A_111 = tpu.memref_slice %arg6[%dma_wait3A_109, %dma_wait3A_110] : memref<42x128xi32, #tpu.memory_space<vmem>> -> memref<2x128xi32, #tpu.memory_space<vmem>>
      %dma_wait3A_112 = arith.constant 0 : i32
      %dma_wait3A_113 = arith.constant 0 : i32
      %dma_wait3A_114 = tpu.memref_slice %arg3[%arg0, %dma_wait3A_112, %dma_wait3A_113] : memref<2x1280x128xi32, #tpu.memory_space<hbm>> -> memref<1x2x128xi32, #tpu.memory_space<hbm>>
      %dma_wait3A_115 = tpu.memref_squeeze %dma_wait3A_114 : memref<1x2x128xi32, #tpu.memory_space<hbm>> -> memref<2x128xi32, #tpu.memory_space<hbm>>
      tpu.wait_dma2 semaphore(%run_scoped3A : memref<!tpu.dma_semaphore, #tpu.memory_space<semaphore_mem>>) src(%dma_wait3A_115 : memref<2x128xi32, #tpu.memory_space<hbm>>) dst(%dma_wait3A_111 : memref<2x128xi32, #tpu.memory_space<vmem>>)
      tpu.yield
    }) : () -> ()
    "tpu.region"() ({
      %run_scoped3A = tpu.sem_alloc : memref<!tpu.dma_semaphore, #tpu.memory_space<semaphore_mem>>
      %dma_start3A_88 = arith.constant 0 : i32
      %dma_start3A_89 = tpu.memref_slice %arg4[%add3A_8, %dma_start3A_88] : memref<1280x128xi32, #tpu.memory_space<hbm>> -> memref<40x128xi32, #tpu.memory_space<hbm>>
      %dma_start3A_90 = arith.constant 0 : i32
      %dma_start3A_91 = tpu.memref_slice %arg4[%add3A_8, %dma_start3A_90] : memref<1280x128xi32, #tpu.memory_space<hbm>> -> memref<40x128xi32, #tpu.memory_space<hbm>>
      tpu.enqueue_dma source(%dma_start3A_91 : memref<40x128xi32, #tpu.memory_space<hbm>>) target(%arg7 : memref<40x128xi32, #tpu.memory_space<vmem>>) target_semaphore(%run_scoped3A : memref<!tpu.dma_semaphore, #tpu.memory_space<semaphore_mem>>)
      %dma_wait3A_92 = arith.constant 0 : i32
      %dma_wait3A_93 = tpu.memref_slice %arg4[%add3A_8, %dma_wait3A_92] : memref<1280x128xi32, #tpu.memory_space<hbm>> -> memref<40x128xi32, #tpu.memory_space<hbm>>
      %dma_wait3A_94 = arith.constant 0 : i32
      %dma_wait3A_95 = tpu.memref_slice %arg4[%add3A_8, %dma_wait3A_94] : memref<1280x128xi32, #tpu.memory_space<hbm>> -> memref<40x128xi32, #tpu.memory_space<hbm>>
      tpu.wait_dma2 semaphore(%run_scoped3A : memref<!tpu.dma_semaphore, #tpu.memory_space<semaphore_mem>>) src(%dma_wait3A_95 : memref<40x128xi32, #tpu.memory_space<hbm>>) dst(%arg7 : memref<40x128xi32, #tpu.memory_space<vmem>>)
      tpu.yield
    }) : () -> ()
    %dma_start3A = arith.constant 0 : i32
    %dma_start3A_9 = arith.constant 0 : i32
    %dma_start3A_10 = tpu.memref_slice %arg6[%dma_start3A, %dma_start3A_9] : memref<42x128xi32, #tpu.memory_space<vmem>> -> memref<1x128xi32, #tpu.memory_space<vmem>>
    %dma_start3A_11 = tpu.memref_squeeze %dma_start3A_10 : memref<1x128xi32, #tpu.memory_space<vmem>> -> memref<128xi32, #tpu.memory_space<vmem>>
    %dma_start3A_12 = arith.constant 0 : i32
    %dma_start3A_13 = arith.constant 0 : i32
    %dma_start3A_14 = tpu.memref_slice %arg2[%dma_start3A_12, %dma_start3A_13] : memref<20480x128xf32, #tpu.memory_space<hbm>> -> memref<20480x128xf32, #tpu.memory_space<hbm>>
    tpu.enqueue_indirect_dma source(%dma_start3A_14 : memref<20480x128xf32, #tpu.memory_space<hbm>>) target(%arg8 : memref<128x128xf32, #tpu.memory_space<vmem>>) offsets(%dma_start3A_11 : memref<128xi32, #tpu.memory_space<vmem>>) semaphore(%arg11 : memref<!tpu.dma_semaphore, #tpu.memory_space<semaphore_mem>>)
    %dma_start3A_15 = arith.constant 1 : i32
    %dma_start3A_16 = arith.constant 0 : i32
    %dma_start3A_17 = tpu.memref_slice %arg6[%dma_start3A_15, %dma_start3A_16] : memref<42x128xi32, #tpu.memory_space<vmem>> -> memref<1x128xi32, #tpu.memory_space<vmem>>
    %dma_start3A_18 = tpu.memref_squeeze %dma_start3A_17 : memref<1x128xi32, #tpu.memory_space<vmem>> -> memref<128xi32, #tpu.memory_space<vmem>>
    %dma_start3A_19 = arith.constant 0 : i32
    %dma_start3A_20 = arith.constant 0 : i32
    %dma_start3A_21 = tpu.memref_slice %arg2[%dma_start3A_19, %dma_start3A_20] : memref<20480x128xf32, #tpu.memory_space<hbm>> -> memref<20480x128xf32, #tpu.memory_space<hbm>>
    tpu.enqueue_indirect_dma source(%dma_start3A_21 : memref<20480x128xf32, #tpu.memory_space<hbm>>) target(%arg9 : memref<128x128xf32, #tpu.memory_space<vmem>>) offsets(%dma_start3A_18 : memref<128xi32, #tpu.memory_space<vmem>>) semaphore(%arg12 : memref<!tpu.dma_semaphore, #tpu.memory_space<semaphore_mem>>)
    %scan3A = arith.constant 0 : i32
    %scan3A_22 = arith.constant 0 : i32
    %scan3A_23 = arith.constant 20 : i32
    %scan3A_24 = arith.addi %scan3A_22, %scan3A_23 : i32
    %scan3A_25 = arith.constant 1 : i32
    %scan3A_26 = scf.for %scan3A_88 = %scan3A_22 to %scan3A_24 step %scan3A_25 iter_args(%scan3A_89 = %scan3A) -> (i32)  : i32 {
      %mul3A_90 = arith.constant 2 : i32
      %mul3A_91 = arith.muli %mul3A_90, %scan3A_88 : i32
      %dma_wait3A_92 = arith.constant 0 : i32
      %dma_wait3A_93 = tpu.memref_slice %arg6[%mul3A_91, %dma_wait3A_92] : memref<42x128xi32, #tpu.memory_space<vmem>> -> memref<1x128xi32, #tpu.memory_space<vmem>>
      %dma_wait3A_94 = tpu.memref_squeeze %dma_wait3A_93 : memref<1x128xi32, #tpu.memory_space<vmem>> -> memref<128xi32, #tpu.memory_space<vmem>>
      %dma_wait3A_95 = arith.constant 0 : i32
      %dma_wait3A_96 = arith.constant 0 : i32
      %dma_wait3A_97 = tpu.memref_slice %arg2[%dma_wait3A_95, %dma_wait3A_96] : memref<20480x128xf32, #tpu.memory_space<hbm>> -> memref<20480x128xf32, #tpu.memory_space<hbm>>
      tpu.wait_indirect_dma semaphore(%arg11 : memref<!tpu.dma_semaphore, #tpu.memory_space<semaphore_mem>>) src(%dma_wait3A_97 : memref<20480x128xf32, #tpu.memory_space<hbm>>) dst(%arg8 : memref<128x128xf32, #tpu.memory_space<vmem>>)
      "tpu.region"() ({
        %run_scoped3A = tpu.sem_alloc : memref<!tpu.dma_semaphore, #tpu.memory_space<semaphore_mem>>
        %dma_start3A_125 = arith.constant 0 : i32
        %dma_start3A_126 = tpu.memref_slice %arg7[%mul3A_91, %dma_start3A_125] : memref<40x128xi32, #tpu.memory_space<vmem>> -> memref<1x128xi32, #tpu.memory_space<vmem>>
        %dma_start3A_127 = tpu.memref_squeeze %dma_start3A_126 : memref<1x128xi32, #tpu.memory_space<vmem>> -> memref<128xi32, #tpu.memory_space<vmem>>
        %dma_start3A_128 = arith.constant 0 : i32
        %dma_start3A_129 = arith.constant 0 : i32
        %dma_start3A_130 = tpu.memref_slice %arg10[%dma_start3A_128, %dma_start3A_129] : memref<10240x128xf32, #tpu.memory_space<vmem_shared>> -> memref<10240x128xf32, #tpu.memory_space<vmem_shared>>
        tpu.enqueue_indirect_dma source(%arg8 : memref<128x128xf32, #tpu.memory_space<vmem>>) target(%dma_start3A_130 : memref<10240x128xf32, #tpu.memory_space<vmem_shared>>) offsets(%dma_start3A_127 : memref<128xi32, #tpu.memory_space<vmem>>) semaphore(%run_scoped3A : memref<!tpu.dma_semaphore, #tpu.memory_space<semaphore_mem>>) {add = true}
        %dma_wait3A_131 = arith.constant 0 : i32
        %dma_wait3A_132 = tpu.memref_slice %arg7[%mul3A_91, %dma_wait3A_131] : memref<40x128xi32, #tpu.memory_space<vmem>> -> memref<1x128xi32, #tpu.memory_space<vmem>>
        %dma_wait3A_133 = tpu.memref_squeeze %dma_wait3A_132 : memref<1x128xi32, #tpu.memory_space<vmem>> -> memref<128xi32, #tpu.memory_space<vmem>>
        %dma_wait3A_134 = arith.constant 0 : i32
        %dma_wait3A_135 = arith.constant 0 : i32
        %dma_wait3A_136 = tpu.memref_slice %arg10[%dma_wait3A_134, %dma_wait3A_135] : memref<10240x128xf32, #tpu.memory_space<vmem_shared>> -> memref<10240x128xf32, #tpu.memory_space<vmem_shared>>
        tpu.wait_indirect_dma semaphore(%run_scoped3A : memref<!tpu.dma_semaphore, #tpu.memory_space<semaphore_mem>>) src(%arg8 : memref<128x128xf32, #tpu.memory_space<vmem>>) dst(%dma_wait3A_136 : memref<10240x128xf32, #tpu.memory_space<vmem_shared>>)
        tpu.yield
      }) : () -> ()
      %add3A_98 = arith.constant 2 : i32
      %add3A_99 = arith.addi %mul3A_91, %add3A_98 : i32
      %dma_start3A_100 = arith.constant 0 : i32
      %dma_start3A_101 = tpu.memref_slice %arg6[%add3A_99, %dma_start3A_100] : memref<42x128xi32, #tpu.memory_space<vmem>> -> memref<1x128xi32, #tpu.memory_space<vmem>>
      %dma_start3A_102 = tpu.memref_squeeze %dma_start3A_101 : memref<1x128xi32, #tpu.memory_space<vmem>> -> memref<128xi32, #tpu.memory_space<vmem>>
      %dma_start3A_103 = arith.constant 0 : i32
      %dma_start3A_104 = arith.constant 0 : i32
      %dma_start3A_105 = tpu.memref_slice %arg2[%dma_start3A_103, %dma_start3A_104] : memref<20480x128xf32, #tpu.memory_space<hbm>> -> memref<20480x128xf32, #tpu.memory_space<hbm>>
      tpu.enqueue_indirect_dma source(%dma_start3A_105 : memref<20480x128xf32, #tpu.memory_space<hbm>>) target(%arg8 : memref<128x128xf32, #tpu.memory_space<vmem>>) offsets(%dma_start3A_102 : memref<128xi32, #tpu.memory_space<vmem>>) semaphore(%arg11 : memref<!tpu.dma_semaphore, #tpu.memory_space<semaphore_mem>>)
      %add3A_106 = arith.constant 1 : i32
      %add3A_107 = arith.addi %mul3A_91, %add3A_106 : i32
      %dma_wait3A_108 = arith.constant 0 : i32
      %dma_wait3A_109 = tpu.memref_slice %arg6[%add3A_107, %dma_wait3A_108] : memref<42x128xi32, #tpu.memory_space<vmem>> -> memref<1x128xi32, #tpu.memory_space<vmem>>
      %dma_wait3A_110 = tpu.memref_squeeze %dma_wait3A_109 : memref<1x128xi32, #tpu.memory_space<vmem>> -> memref<128xi32, #tpu.memory_space<vmem>>
      %dma_wait3A_111 = arith.constant 0 : i32
      %dma_wait3A_112 = arith.constant 0 : i32
      %dma_wait3A_113 = tpu.memref_slice %arg2[%dma_wait3A_111, %dma_wait3A_112] : memref<20480x128xf32, #tpu.memory_space<hbm>> -> memref<20480x128xf32, #tpu.memory_space<hbm>>
      tpu.wait_indirect_dma semaphore(%arg12 : memref<!tpu.dma_semaphore, #tpu.memory_space<semaphore_mem>>) src(%dma_wait3A_113 : memref<20480x128xf32, #tpu.memory_space<hbm>>) dst(%arg9 : memref<128x128xf32, #tpu.memory_space<vmem>>)
      %add3A_114 = arith.constant 1 : i32
      %add3A_115 = arith.addi %mul3A_91, %add3A_114 : i32
      "tpu.region"() ({
        %run_scoped3A = tpu.sem_alloc : memref<!tpu.dma_semaphore, #tpu.memory_space<semaphore_mem>>
        %dma_start3A_125 = arith.constant 0 : i32
        %dma_start3A_126 = tpu.memref_slice %arg7[%add3A_115, %dma_start3A_125] : memref<40x128xi32, #tpu.memory_space<vmem>> -> memref<1x128xi32, #tpu.memory_space<vmem>>
        %dma_start3A_127 = tpu.memref_squeeze %dma_start3A_126 : memref<1x128xi32, #tpu.memory_space<vmem>> -> memref<128xi32, #tpu.memory_space<vmem>>
        %dma_start3A_128 = arith.constant 0 : i32
        %dma_start3A_129 = arith.constant 0 : i32
        %dma_start3A_130 = tpu.memref_slice %arg10[%dma_start3A_128, %dma_start3A_129] : memref<10240x128xf32, #tpu.memory_space<vmem_shared>> -> memref<10240x128xf32, #tpu.memory_space<vmem_shared>>
        tpu.enqueue_indirect_dma source(%arg9 : memref<128x128xf32, #tpu.memory_space<vmem>>) target(%dma_start3A_130 : memref<10240x128xf32, #tpu.memory_space<vmem_shared>>) offsets(%dma_start3A_127 : memref<128xi32, #tpu.memory_space<vmem>>) semaphore(%run_scoped3A : memref<!tpu.dma_semaphore, #tpu.memory_space<semaphore_mem>>) {add = true}
        %dma_wait3A_131 = arith.constant 0 : i32
        %dma_wait3A_132 = tpu.memref_slice %arg7[%add3A_115, %dma_wait3A_131] : memref<40x128xi32, #tpu.memory_space<vmem>> -> memref<1x128xi32, #tpu.memory_space<vmem>>
        %dma_wait3A_133 = tpu.memref_squeeze %dma_wait3A_132 : memref<1x128xi32, #tpu.memory_space<vmem>> -> memref<128xi32, #tpu.memory_space<vmem>>
        %dma_wait3A_134 = arith.constant 0 : i32
        %dma_wait3A_135 = arith.constant 0 : i32
        %dma_wait3A_136 = tpu.memref_slice %arg10[%dma_wait3A_134, %dma_wait3A_135] : memref<10240x128xf32, #tpu.memory_space<vmem_shared>> -> memref<10240x128xf32, #tpu.memory_space<vmem_shared>>
        tpu.wait_indirect_dma semaphore(%run_scoped3A : memref<!tpu.dma_semaphore, #tpu.memory_space<semaphore_mem>>) src(%arg9 : memref<128x128xf32, #tpu.memory_space<vmem>>) dst(%dma_wait3A_136 : memref<10240x128xf32, #tpu.memory_space<vmem_shared>>)
        tpu.yield
      }) : () -> ()
      %add3A_116 = arith.constant 3 : i32
      %add3A_117 = arith.addi %mul3A_91, %add3A_116 : i32
      %dma_start3A_118 = arith.constant 0 : i32
      %dma_start3A_119 = tpu.memref_slice %arg6[%add3A_117, %dma_start3A_118] : memref<42x128xi32, #tpu.memory_space<vmem>> -> memref<1x128xi32, #tpu.memory_space<vmem>>
      %dma_start3A_120 = tpu.memref_squeeze %dma_start3A_119 : memref<1x128xi32, #tpu.memory_space<vmem>> -> memref<128xi32, #tpu.memory_space<vmem>>
      %dma_start3A_121 = arith.constant 0 : i32
      %dma_start3A_122 = arith.constant 0 : i32
      %dma_start3A_123 = tpu.memref_slice %arg2[%dma_start3A_121, %dma_start3A_122] : memref<20480x128xf32, #tpu.memory_space<hbm>> -> memref<20480x128xf32, #tpu.memory_space<hbm>>
      tpu.enqueue_indirect_dma source(%dma_start3A_123 : memref<20480x128xf32, #tpu.memory_space<hbm>>) target(%arg9 : memref<128x128xf32, #tpu.memory_space<vmem>>) offsets(%dma_start3A_120 : memref<128xi32, #tpu.memory_space<vmem>>) semaphore(%arg12 : memref<!tpu.dma_semaphore, #tpu.memory_space<semaphore_mem>>)
      %scan3A_124 = arith.constant 0 : i32
      scf.yield %scan3A_124 : i32
    }
    %scan3A_27 = arith.constant 20 : i32
    %dma_wait3A = arith.constant 0 : i32
    %dma_wait3A_28 = arith.constant 0 : i32
    %dma_wait3A_29 = tpu.memref_slice %arg6[%dma_wait3A, %dma_wait3A_28] : memref<42x128xi32, #tpu.memory_space<vmem>> -> memref<1x128xi32, #tpu.memory_space<vmem>>
    %dma_wait3A_30 = tpu.memref_squeeze %dma_wait3A_29 : memref<1x128xi32, #tpu.memory_space<vmem>> -> memref<128xi32, #tpu.memory_space<vmem>>
    %dma_wait3A_31 = arith.constant 0 : i32
    %dma_wait3A_32 = arith.constant 0 : i32
    %dma_wait3A_33 = tpu.memref_slice %arg2[%dma_wait3A_31, %dma_wait3A_32] : memref<20480x128xf32, #tpu.memory_space<hbm>> -> memref<20480x128xf32, #tpu.memory_space<hbm>>
    tpu.wait_indirect_dma semaphore(%arg11 : memref<!tpu.dma_semaphore, #tpu.memory_space<semaphore_mem>>) src(%dma_wait3A_33 : memref<20480x128xf32, #tpu.memory_space<hbm>>) dst(%arg8 : memref<128x128xf32, #tpu.memory_space<vmem>>)
    %dma_wait3A_34 = arith.constant 1 : i32
    %dma_wait3A_35 = arith.constant 0 : i32
    %dma_wait3A_36 = tpu.memref_slice %arg6[%dma_wait3A_34, %dma_wait3A_35] : memref<42x128xi32, #tpu.memory_space<vmem>> -> memref<1x128xi32, #tpu.memory_space<vmem>>
    %dma_wait3A_37 = tpu.memref_squeeze %dma_wait3A_36 : memref<1x128xi32, #tpu.memory_space<vmem>> -> memref<128xi32, #tpu.memory_space<vmem>>
    %dma_wait3A_38 = arith.constant 0 : i32
    %dma_wait3A_39 = arith.constant 0 : i32
    %dma_wait3A_40 = tpu.memref_slice %arg2[%dma_wait3A_38, %dma_wait3A_39] : memref<20480x128xf32, #tpu.memory_space<hbm>> -> memref<20480x128xf32, #tpu.memory_space<hbm>>
    tpu.wait_indirect_dma semaphore(%arg12 : memref<!tpu.dma_semaphore, #tpu.memory_space<semaphore_mem>>) src(%dma_wait3A_40 : memref<20480x128xf32, #tpu.memory_space<hbm>>) dst(%arg9 : memref<128x128xf32, #tpu.memory_space<vmem>>)
    %mul3A_41 = arith.constant 80 : i32
    %mul3A_42 = arith.muli %arg1, %mul3A_41 : i32
    %add3A_43 = arith.constant 40 : i32
    %add3A_44 = arith.addi %mul3A_42, %add3A_43 : i32
    "tpu.region"() ({
      %run_scoped3A = tpu.sem_alloc : memref<!tpu.dma_semaphore, #tpu.memory_space<semaphore_mem>>
      %dma_start3A_88 = arith.constant 0 : i32
      %dma_start3A_89 = arith.constant 0 : i32
      %dma_start3A_90 = tpu.memref_slice %arg6[%dma_start3A_88, %dma_start3A_89] : memref<42x128xi32, #tpu.memory_space<vmem>> -> memref<40x128xi32, #tpu.memory_space<vmem>>
      %dma_start3A_91 = arith.constant 0 : i32
      %dma_start3A_92 = tpu.memref_slice %arg3[%arg0, %add3A_44, %dma_start3A_91] : memref<2x1280x128xi32, #tpu.memory_space<hbm>> -> memref<1x40x128xi32, #tpu.memory_space<hbm>>
      %dma_start3A_93 = tpu.memref_squeeze %dma_start3A_92 : memref<1x40x128xi32, #tpu.memory_space<hbm>> -> memref<40x128xi32, #tpu.memory_space<hbm>>
      %dma_start3A_94 = arith.constant 0 : i32
      %dma_start3A_95 = arith.constant 0 : i32
      %dma_start3A_96 = tpu.memref_slice %arg6[%dma_start3A_94, %dma_start3A_95] : memref<42x128xi32, #tpu.memory_space<vmem>> -> memref<40x128xi32, #tpu.memory_space<vmem>>
      %dma_start3A_97 = arith.constant 0 : i32
      %dma_start3A_98 = tpu.memref_slice %arg3[%arg0, %add3A_44, %dma_start3A_97] : memref<2x1280x128xi32, #tpu.memory_space<hbm>> -> memref<1x40x128xi32, #tpu.memory_space<hbm>>
      %dma_start3A_99 = tpu.memref_squeeze %dma_start3A_98 : memref<1x40x128xi32, #tpu.memory_space<hbm>> -> memref<40x128xi32, #tpu.memory_space<hbm>>
      tpu.enqueue_dma source(%dma_start3A_99 : memref<40x128xi32, #tpu.memory_space<hbm>>) target(%dma_start3A_96 : memref<40x128xi32, #tpu.memory_space<vmem>>) target_semaphore(%run_scoped3A : memref<!tpu.dma_semaphore, #tpu.memory_space<semaphore_mem>>)
      %dma_wait3A_100 = arith.constant 0 : i32
      %dma_wait3A_101 = arith.constant 0 : i32
      %dma_wait3A_102 = tpu.memref_slice %arg6[%dma_wait3A_100, %dma_wait3A_101] : memref<42x128xi32, #tpu.memory_space<vmem>> -> memref<40x128xi32, #tpu.memory_space<vmem>>
      %dma_wait3A_103 = arith.constant 0 : i32
      %dma_wait3A_104 = tpu.memref_slice %arg3[%arg0, %add3A_44, %dma_wait3A_103] : memref<2x1280x128xi32, #tpu.memory_space<hbm>> -> memref<1x40x128xi32, #tpu.memory_space<hbm>>
      %dma_wait3A_105 = tpu.memref_squeeze %dma_wait3A_104 : memref<1x40x128xi32, #tpu.memory_space<hbm>> -> memref<40x128xi32, #tpu.memory_space<hbm>>
      %dma_wait3A_106 = arith.constant 0 : i32
      %dma_wait3A_107 = arith.constant 0 : i32
      %dma_wait3A_108 = tpu.memref_slice %arg6[%dma_wait3A_106, %dma_wait3A_107] : memref<42x128xi32, #tpu.memory_space<vmem>> -> memref<40x128xi32, #tpu.memory_space<vmem>>
      %dma_wait3A_109 = arith.constant 0 : i32
      %dma_wait3A_110 = tpu.memref_slice %arg3[%arg0, %add3A_44, %dma_wait3A_109] : memref<2x1280x128xi32, #tpu.memory_space<hbm>> -> memref<1x40x128xi32, #tpu.memory_space<hbm>>
      %dma_wait3A_111 = tpu.memref_squeeze %dma_wait3A_110 : memref<1x40x128xi32, #tpu.memory_space<hbm>> -> memref<40x128xi32, #tpu.memory_space<hbm>>
      tpu.wait_dma2 semaphore(%run_scoped3A : memref<!tpu.dma_semaphore, #tpu.memory_space<semaphore_mem>>) src(%dma_wait3A_111 : memref<40x128xi32, #tpu.memory_space<hbm>>) dst(%dma_wait3A_108 : memref<40x128xi32, #tpu.memory_space<vmem>>)
      tpu.yield
    }) : () -> ()
    "tpu.region"() ({
      %run_scoped3A = tpu.sem_alloc : memref<!tpu.dma_semaphore, #tpu.memory_space<semaphore_mem>>
      %dma_start3A_88 = arith.constant 40 : i32
      %dma_start3A_89 = arith.constant 0 : i32
      %dma_start3A_90 = tpu.memref_slice %arg6[%dma_start3A_88, %dma_start3A_89] : memref<42x128xi32, #tpu.memory_space<vmem>> -> memref<2x128xi32, #tpu.memory_space<vmem>>
      %dma_start3A_91 = arith.constant 0 : i32
      %dma_start3A_92 = arith.constant 0 : i32
      %dma_start3A_93 = tpu.memref_slice %arg3[%arg0, %dma_start3A_91, %dma_start3A_92] : memref<2x1280x128xi32, #tpu.memory_space<hbm>> -> memref<1x2x128xi32, #tpu.memory_space<hbm>>
      %dma_start3A_94 = tpu.memref_squeeze %dma_start3A_93 : memref<1x2x128xi32, #tpu.memory_space<hbm>> -> memref<2x128xi32, #tpu.memory_space<hbm>>
      %dma_start3A_95 = arith.constant 40 : i32
      %dma_start3A_96 = arith.constant 0 : i32
      %dma_start3A_97 = tpu.memref_slice %arg6[%dma_start3A_95, %dma_start3A_96] : memref<42x128xi32, #tpu.memory_space<vmem>> -> memref<2x128xi32, #tpu.memory_space<vmem>>
      %dma_start3A_98 = arith.constant 0 : i32
      %dma_start3A_99 = arith.constant 0 : i32
      %dma_start3A_100 = tpu.memref_slice %arg3[%arg0, %dma_start3A_98, %dma_start3A_99] : memref<2x1280x128xi32, #tpu.memory_space<hbm>> -> memref<1x2x128xi32, #tpu.memory_space<hbm>>
      %dma_start3A_101 = tpu.memref_squeeze %dma_start3A_100 : memref<1x2x128xi32, #tpu.memory_space<hbm>> -> memref<2x128xi32, #tpu.memory_space<hbm>>
      tpu.enqueue_dma source(%dma_start3A_101 : memref<2x128xi32, #tpu.memory_space<hbm>>) target(%dma_start3A_97 : memref<2x128xi32, #tpu.memory_space<vmem>>) target_semaphore(%run_scoped3A : memref<!tpu.dma_semaphore, #tpu.memory_space<semaphore_mem>>)
      %dma_wait3A_102 = arith.constant 40 : i32
      %dma_wait3A_103 = arith.constant 0 : i32
      %dma_wait3A_104 = tpu.memref_slice %arg6[%dma_wait3A_102, %dma_wait3A_103] : memref<42x128xi32, #tpu.memory_space<vmem>> -> memref<2x128xi32, #tpu.memory_space<vmem>>
      %dma_wait3A_105 = arith.constant 0 : i32
      %dma_wait3A_106 = arith.constant 0 : i32
      %dma_wait3A_107 = tpu.memref_slice %arg3[%arg0, %dma_wait3A_105, %dma_wait3A_106] : memref<2x1280x128xi32, #tpu.memory_space<hbm>> -> memref<1x2x128xi32, #tpu.memory_space<hbm>>
      %dma_wait3A_108 = tpu.memref_squeeze %dma_wait3A_107 : memref<1x2x128xi32, #tpu.memory_space<hbm>> -> memref<2x128xi32, #tpu.memory_space<hbm>>
      %dma_wait3A_109 = arith.constant 40 : i32
      %dma_wait3A_110 = arith.constant 0 : i32
      %dma_wait3A_111 = tpu.memref_slice %arg6[%dma_wait3A_109, %dma_wait3A_110] : memref<42x128xi32, #tpu.memory_space<vmem>> -> memref<2x128xi32, #tpu.memory_space<vmem>>
      %dma_wait3A_112 = arith.constant 0 : i32
      %dma_wait3A_113 = arith.constant 0 : i32
      %dma_wait3A_114 = tpu.memref_slice %arg3[%arg0, %dma_wait3A_112, %dma_wait3A_113] : memref<2x1280x128xi32, #tpu.memory_space<hbm>> -> memref<1x2x128xi32, #tpu.memory_space<hbm>>
      %dma_wait3A_115 = tpu.memref_squeeze %dma_wait3A_114 : memref<1x2x128xi32, #tpu.memory_space<hbm>> -> memref<2x128xi32, #tpu.memory_space<hbm>>
      tpu.wait_dma2 semaphore(%run_scoped3A : memref<!tpu.dma_semaphore, #tpu.memory_space<semaphore_mem>>) src(%dma_wait3A_115 : memref<2x128xi32, #tpu.memory_space<hbm>>) dst(%dma_wait3A_111 : memref<2x128xi32, #tpu.memory_space<vmem>>)
      tpu.yield
    }) : () -> ()
    "tpu.region"() ({
      %run_scoped3A = tpu.sem_alloc : memref<!tpu.dma_semaphore, #tpu.memory_space<semaphore_mem>>
      %dma_start3A_88 = arith.constant 0 : i32
      %dma_start3A_89 = tpu.memref_slice %arg4[%add3A_44, %dma_start3A_88] : memref<1280x128xi32, #tpu.memory_space<hbm>> -> memref<40x128xi32, #tpu.memory_space<hbm>>
      %dma_start3A_90 = arith.constant 0 : i32
      %dma_start3A_91 = tpu.memref_slice %arg4[%add3A_44, %dma_start3A_90] : memref<1280x128xi32, #tpu.memory_space<hbm>> -> memref<40x128xi32, #tpu.memory_space<hbm>>
      tpu.enqueue_dma source(%dma_start3A_91 : memref<40x128xi32, #tpu.memory_space<hbm>>) target(%arg7 : memref<40x128xi32, #tpu.memory_space<vmem>>) target_semaphore(%run_scoped3A : memref<!tpu.dma_semaphore, #tpu.memory_space<semaphore_mem>>)
      %dma_wait3A_92 = arith.constant 0 : i32
      %dma_wait3A_93 = tpu.memref_slice %arg4[%add3A_44, %dma_wait3A_92] : memref<1280x128xi32, #tpu.memory_space<hbm>> -> memref<40x128xi32, #tpu.memory_space<hbm>>
      %dma_wait3A_94 = arith.constant 0 : i32
      %dma_wait3A_95 = tpu.memref_slice %arg4[%add3A_44, %dma_wait3A_94] : memref<1280x128xi32, #tpu.memory_space<hbm>> -> memref<40x128xi32, #tpu.memory_space<hbm>>
      tpu.wait_dma2 semaphore(%run_scoped3A : memref<!tpu.dma_semaphore, #tpu.memory_space<semaphore_mem>>) src(%dma_wait3A_95 : memref<40x128xi32, #tpu.memory_space<hbm>>) dst(%arg7 : memref<40x128xi32, #tpu.memory_space<vmem>>)
      tpu.yield
    }) : () -> ()
    %dma_start3A_45 = arith.constant 0 : i32
    %dma_start3A_46 = arith.constant 0 : i32
    %dma_start3A_47 = tpu.memref_slice %arg6[%dma_start3A_45, %dma_start3A_46] : memref<42x128xi32, #tpu.memory_space<vmem>> -> memref<1x128xi32, #tpu.memory_space<vmem>>
    %dma_start3A_48 = tpu.memref_squeeze %dma_start3A_47 : memref<1x128xi32, #tpu.memory_space<vmem>> -> memref<128xi32, #tpu.memory_space<vmem>>
    %dma_start3A_49 = arith.constant 0 : i32
    %dma_start3A_50 = arith.constant 0 : i32
    %dma_start3A_51 = tpu.memref_slice %arg2[%dma_start3A_49, %dma_start3A_50] : memref<20480x128xf32, #tpu.memory_space<hbm>> -> memref<20480x128xf32, #tpu.memory_space<hbm>>
    tpu.enqueue_indirect_dma source(%dma_start3A_51 : memref<20480x128xf32, #tpu.memory_space<hbm>>) target(%arg8 : memref<128x128xf32, #tpu.memory_space<vmem>>) offsets(%dma_start3A_48 : memref<128xi32, #tpu.memory_space<vmem>>) semaphore(%arg11 : memref<!tpu.dma_semaphore, #tpu.memory_space<semaphore_mem>>)
    %dma_start3A_52 = arith.constant 1 : i32
    %dma_start3A_53 = arith.constant 0 : i32
    %dma_start3A_54 = tpu.memref_slice %arg6[%dma_start3A_52, %dma_start3A_53] : memref<42x128xi32, #tpu.memory_space<vmem>> -> memref<1x128xi32, #tpu.memory_space<vmem>>
    %dma_start3A_55 = tpu.memref_squeeze %dma_start3A_54 : memref<1x128xi32, #tpu.memory_space<vmem>> -> memref<128xi32, #tpu.memory_space<vmem>>
    %dma_start3A_56 = arith.constant 0 : i32
    %dma_start3A_57 = arith.constant 0 : i32
    %dma_start3A_58 = tpu.memref_slice %arg2[%dma_start3A_56, %dma_start3A_57] : memref<20480x128xf32, #tpu.memory_space<hbm>> -> memref<20480x128xf32, #tpu.memory_space<hbm>>
    tpu.enqueue_indirect_dma source(%dma_start3A_58 : memref<20480x128xf32, #tpu.memory_space<hbm>>) target(%arg9 : memref<128x128xf32, #tpu.memory_space<vmem>>) offsets(%dma_start3A_55 : memref<128xi32, #tpu.memory_space<vmem>>) semaphore(%arg12 : memref<!tpu.dma_semaphore, #tpu.memory_space<semaphore_mem>>)
    %scan3A_59 = arith.constant 0 : i32
    %scan3A_60 = arith.constant 0 : i32
    %scan3A_61 = arith.constant 20 : i32
    %scan3A_62 = arith.addi %scan3A_60, %scan3A_61 : i32
    %scan3A_63 = arith.constant 1 : i32
    %scan3A_64 = scf.for %scan3A_88 = %scan3A_60 to %scan3A_62 step %scan3A_63 iter_args(%scan3A_89 = %scan3A_59) -> (i32)  : i32 {
      %mul3A_90 = arith.constant 2 : i32
      %mul3A_91 = arith.muli %mul3A_90, %scan3A_88 : i32
      %dma_wait3A_92 = arith.constant 0 : i32
      %dma_wait3A_93 = tpu.memref_slice %arg6[%mul3A_91, %dma_wait3A_92] : memref<42x128xi32, #tpu.memory_space<vmem>> -> memref<1x128xi32, #tpu.memory_space<vmem>>
      %dma_wait3A_94 = tpu.memref_squeeze %dma_wait3A_93 : memref<1x128xi32, #tpu.memory_space<vmem>> -> memref<128xi32, #tpu.memory_space<vmem>>
      %dma_wait3A_95 = arith.constant 0 : i32
      %dma_wait3A_96 = arith.constant 0 : i32
      %dma_wait3A_97 = tpu.memref_slice %arg2[%dma_wait3A_95, %dma_wait3A_96] : memref<20480x128xf32, #tpu.memory_space<hbm>> -> memref<20480x128xf32, #tpu.memory_space<hbm>>
      tpu.wait_indirect_dma semaphore(%arg11 : memref<!tpu.dma_semaphore, #tpu.memory_space<semaphore_mem>>) src(%dma_wait3A_97 : memref<20480x128xf32, #tpu.memory_space<hbm>>) dst(%arg8 : memref<128x128xf32, #tpu.memory_space<vmem>>)
      "tpu.region"() ({
        %run_scoped3A = tpu.sem_alloc : memref<!tpu.dma_semaphore, #tpu.memory_space<semaphore_mem>>
        %dma_start3A_125 = arith.constant 0 : i32
        %dma_start3A_126 = tpu.memref_slice %arg7[%mul3A_91, %dma_start3A_125] : memref<40x128xi32, #tpu.memory_space<vmem>> -> memref<1x128xi32, #tpu.memory_space<vmem>>
        %dma_start3A_127 = tpu.memref_squeeze %dma_start3A_126 : memref<1x128xi32, #tpu.memory_space<vmem>> -> memref<128xi32, #tpu.memory_space<vmem>>
        %dma_start3A_128 = arith.constant 0 : i32
        %dma_start3A_129 = arith.constant 0 : i32
        %dma_start3A_130 = tpu.memref_slice %arg10[%dma_start3A_128, %dma_start3A_129] : memref<10240x128xf32, #tpu.memory_space<vmem_shared>> -> memref<10240x128xf32, #tpu.memory_space<vmem_shared>>
        tpu.enqueue_indirect_dma source(%arg8 : memref<128x128xf32, #tpu.memory_space<vmem>>) target(%dma_start3A_130 : memref<10240x128xf32, #tpu.memory_space<vmem_shared>>) offsets(%dma_start3A_127 : memref<128xi32, #tpu.memory_space<vmem>>) semaphore(%run_scoped3A : memref<!tpu.dma_semaphore, #tpu.memory_space<semaphore_mem>>) {add = true}
        %dma_wait3A_131 = arith.constant 0 : i32
        %dma_wait3A_132 = tpu.memref_slice %arg7[%mul3A_91, %dma_wait3A_131] : memref<40x128xi32, #tpu.memory_space<vmem>> -> memref<1x128xi32, #tpu.memory_space<vmem>>
        %dma_wait3A_133 = tpu.memref_squeeze %dma_wait3A_132 : memref<1x128xi32, #tpu.memory_space<vmem>> -> memref<128xi32, #tpu.memory_space<vmem>>
        %dma_wait3A_134 = arith.constant 0 : i32
        %dma_wait3A_135 = arith.constant 0 : i32
        %dma_wait3A_136 = tpu.memref_slice %arg10[%dma_wait3A_134, %dma_wait3A_135] : memref<10240x128xf32, #tpu.memory_space<vmem_shared>> -> memref<10240x128xf32, #tpu.memory_space<vmem_shared>>
        tpu.wait_indirect_dma semaphore(%run_scoped3A : memref<!tpu.dma_semaphore, #tpu.memory_space<semaphore_mem>>) src(%arg8 : memref<128x128xf32, #tpu.memory_space<vmem>>) dst(%dma_wait3A_136 : memref<10240x128xf32, #tpu.memory_space<vmem_shared>>)
        tpu.yield
      }) : () -> ()
      %add3A_98 = arith.constant 2 : i32
      %add3A_99 = arith.addi %mul3A_91, %add3A_98 : i32
      %dma_start3A_100 = arith.constant 0 : i32
      %dma_start3A_101 = tpu.memref_slice %arg6[%add3A_99, %dma_start3A_100] : memref<42x128xi32, #tpu.memory_space<vmem>> -> memref<1x128xi32, #tpu.memory_space<vmem>>
      %dma_start3A_102 = tpu.memref_squeeze %dma_start3A_101 : memref<1x128xi32, #tpu.memory_space<vmem>> -> memref<128xi32, #tpu.memory_space<vmem>>
      %dma_start3A_103 = arith.constant 0 : i32
      %dma_start3A_104 = arith.constant 0 : i32
      %dma_start3A_105 = tpu.memref_slice %arg2[%dma_start3A_103, %dma_start3A_104] : memref<20480x128xf32, #tpu.memory_space<hbm>> -> memref<20480x128xf32, #tpu.memory_space<hbm>>
      tpu.enqueue_indirect_dma source(%dma_start3A_105 : memref<20480x128xf32, #tpu.memory_space<hbm>>) target(%arg8 : memref<128x128xf32, #tpu.memory_space<vmem>>) offsets(%dma_start3A_102 : memref<128xi32, #tpu.memory_space<vmem>>) semaphore(%arg11 : memref<!tpu.dma_semaphore, #tpu.memory_space<semaphore_mem>>)
      %add3A_106 = arith.constant 1 : i32
      %add3A_107 = arith.addi %mul3A_91, %add3A_106 : i32
      %dma_wait3A_108 = arith.constant 0 : i32
      %dma_wait3A_109 = tpu.memref_slice %arg6[%add3A_107, %dma_wait3A_108] : memref<42x128xi32, #tpu.memory_space<vmem>> -> memref<1x128xi32, #tpu.memory_space<vmem>>
      %dma_wait3A_110 = tpu.memref_squeeze %dma_wait3A_109 : memref<1x128xi32, #tpu.memory_space<vmem>> -> memref<128xi32, #tpu.memory_space<vmem>>
      %dma_wait3A_111 = arith.constant 0 : i32
      %dma_wait3A_112 = arith.constant 0 : i32
      %dma_wait3A_113 = tpu.memref_slice %arg2[%dma_wait3A_111, %dma_wait3A_112] : memref<20480x128xf32, #tpu.memory_space<hbm>> -> memref<20480x128xf32, #tpu.memory_space<hbm>>
      tpu.wait_indirect_dma semaphore(%arg12 : memref<!tpu.dma_semaphore, #tpu.memory_space<semaphore_mem>>) src(%dma_wait3A_113 : memref<20480x128xf32, #tpu.memory_space<hbm>>) dst(%arg9 : memref<128x128xf32, #tpu.memory_space<vmem>>)
      %add3A_114 = arith.constant 1 : i32
      %add3A_115 = arith.addi %mul3A_91, %add3A_114 : i32
      "tpu.region"() ({
        %run_scoped3A = tpu.sem_alloc : memref<!tpu.dma_semaphore, #tpu.memory_space<semaphore_mem>>
        %dma_start3A_125 = arith.constant 0 : i32
        %dma_start3A_126 = tpu.memref_slice %arg7[%add3A_115, %dma_start3A_125] : memref<40x128xi32, #tpu.memory_space<vmem>> -> memref<1x128xi32, #tpu.memory_space<vmem>>
        %dma_start3A_127 = tpu.memref_squeeze %dma_start3A_126 : memref<1x128xi32, #tpu.memory_space<vmem>> -> memref<128xi32, #tpu.memory_space<vmem>>
        %dma_start3A_128 = arith.constant 0 : i32
        %dma_start3A_129 = arith.constant 0 : i32
        %dma_start3A_130 = tpu.memref_slice %arg10[%dma_start3A_128, %dma_start3A_129] : memref<10240x128xf32, #tpu.memory_space<vmem_shared>> -> memref<10240x128xf32, #tpu.memory_space<vmem_shared>>
        tpu.enqueue_indirect_dma source(%arg9 : memref<128x128xf32, #tpu.memory_space<vmem>>) target(%dma_start3A_130 : memref<10240x128xf32, #tpu.memory_space<vmem_shared>>) offsets(%dma_start3A_127 : memref<128xi32, #tpu.memory_space<vmem>>) semaphore(%run_scoped3A : memref<!tpu.dma_semaphore, #tpu.memory_space<semaphore_mem>>) {add = true}
        %dma_wait3A_131 = arith.constant 0 : i32
        %dma_wait3A_132 = tpu.memref_slice %arg7[%add3A_115, %dma_wait3A_131] : memref<40x128xi32, #tpu.memory_space<vmem>> -> memref<1x128xi32, #tpu.memory_space<vmem>>
        %dma_wait3A_133 = tpu.memref_squeeze %dma_wait3A_132 : memref<1x128xi32, #tpu.memory_space<vmem>> -> memref<128xi32, #tpu.memory_space<vmem>>
        %dma_wait3A_134 = arith.constant 0 : i32
        %dma_wait3A_135 = arith.constant 0 : i32
        %dma_wait3A_136 = tpu.memref_slice %arg10[%dma_wait3A_134, %dma_wait3A_135] : memref<10240x128xf32, #tpu.memory_space<vmem_shared>> -> memref<10240x128xf32, #tpu.memory_space<vmem_shared>>
        tpu.wait_indirect_dma semaphore(%run_scoped3A : memref<!tpu.dma_semaphore, #tpu.memory_space<semaphore_mem>>) src(%arg9 : memref<128x128xf32, #tpu.memory_space<vmem>>) dst(%dma_wait3A_136 : memref<10240x128xf32, #tpu.memory_space<vmem_shared>>)
        tpu.yield
      }) : () -> ()
      %add3A_116 = arith.constant 3 : i32
      %add3A_117 = arith.addi %mul3A_91, %add3A_116 : i32
      %dma_start3A_118 = arith.constant 0 : i32
      %dma_start3A_119 = tpu.memref_slice %arg6[%add3A_117, %dma_start3A_118] : memref<42x128xi32, #tpu.memory_space<vmem>> -> memref<1x128xi32, #tpu.memory_space<vmem>>
      %dma_start3A_120 = tpu.memref_squeeze %dma_start3A_119 : memref<1x128xi32, #tpu.memory_space<vmem>> -> memref<128xi32, #tpu.memory_space<vmem>>
      %dma_start3A_121 = arith.constant 0 : i32
      %dma_start3A_122 = arith.constant 0 : i32
      %dma_start3A_123 = tpu.memref_slice %arg2[%dma_start3A_121, %dma_start3A_122] : memref<20480x128xf32, #tpu.memory_space<hbm>> -> memref<20480x128xf32, #tpu.memory_space<hbm>>
      tpu.enqueue_indirect_dma source(%dma_start3A_123 : memref<20480x128xf32, #tpu.memory_space<hbm>>) target(%arg9 : memref<128x128xf32, #tpu.memory_space<vmem>>) offsets(%dma_start3A_120 : memref<128xi32, #tpu.memory_space<vmem>>) semaphore(%arg12 : memref<!tpu.dma_semaphore, #tpu.memory_space<semaphore_mem>>)
      %scan3A_124 = arith.constant 0 : i32
      scf.yield %scan3A_124 : i32
    }
    %scan3A_65 = arith.constant 20 : i32
    %dma_wait3A_66 = arith.constant 0 : i32
    %dma_wait3A_67 = arith.constant 0 : i32
    %dma_wait3A_68 = tpu.memref_slice %arg6[%dma_wait3A_66, %dma_wait3A_67] : memref<42x128xi32, #tpu.memory_space<vmem>> -> memref<1x128xi32, #tpu.memory_space<vmem>>
    %dma_wait3A_69 = tpu.memref_squeeze %dma_wait3A_68 : memref<1x128xi32, #tpu.memory_space<vmem>> -> memref<128xi32, #tpu.memory_space<vmem>>
    %dma_wait3A_70 = arith.constant 0 : i32
    %dma_wait3A_71 = arith.constant 0 : i32
    %dma_wait3A_72 = tpu.memref_slice %arg2[%dma_wait3A_70, %dma_wait3A_71] : memref<20480x128xf32, #tpu.memory_space<hbm>> -> memref<20480x128xf32, #tpu.memory_space<hbm>>
    tpu.wait_indirect_dma semaphore(%arg11 : memref<!tpu.dma_semaphore, #tpu.memory_space<semaphore_mem>>) src(%dma_wait3A_72 : memref<20480x128xf32, #tpu.memory_space<hbm>>) dst(%arg8 : memref<128x128xf32, #tpu.memory_space<vmem>>)
    %dma_wait3A_73 = arith.constant 1 : i32
    %dma_wait3A_74 = arith.constant 0 : i32
    %dma_wait3A_75 = tpu.memref_slice %arg6[%dma_wait3A_73, %dma_wait3A_74] : memref<42x128xi32, #tpu.memory_space<vmem>> -> memref<1x128xi32, #tpu.memory_space<vmem>>
    %dma_wait3A_76 = tpu.memref_squeeze %dma_wait3A_75 : memref<1x128xi32, #tpu.memory_space<vmem>> -> memref<128xi32, #tpu.memory_space<vmem>>
    %dma_wait3A_77 = arith.constant 0 : i32
    %dma_wait3A_78 = arith.constant 0 : i32
    %dma_wait3A_79 = tpu.memref_slice %arg2[%dma_wait3A_77, %dma_wait3A_78] : memref<20480x128xf32, #tpu.memory_space<hbm>> -> memref<20480x128xf32, #tpu.memory_space<hbm>>
    tpu.wait_indirect_dma semaphore(%arg12 : memref<!tpu.dma_semaphore, #tpu.memory_space<semaphore_mem>>) src(%dma_wait3A_79 : memref<20480x128xf32, #tpu.memory_space<hbm>>) dst(%arg9 : memref<128x128xf32, #tpu.memory_space<vmem>>)
    %barrier3A_80 = arith.constant 0 : index
    tpu.barrier barrier_id(%barrier3A_80)
    %mul3A_81 = arith.constant 640 : i32
    %mul3A_82 = arith.muli %arg1, %mul3A_81 : i32
    %mul3A_83 = arith.constant 10240 : i32
    %mul3A_84 = arith.muli %arg0, %mul3A_83 : i32
    %mul3A_85 = arith.constant 640 : i32
    %mul3A_86 = arith.muli %arg1, %mul3A_85 : i32
    %add3A_87 = arith.addi %mul3A_84, %mul3A_86 : i32
    "tpu.region"() ({
      %run_scoped3A = tpu.sem_alloc : memref<!tpu.dma_semaphore, #tpu.memory_space<semaphore_mem>>
      %dma_start3A_88 = arith.constant 0 : i32
      %dma_start3A_89 = tpu.memref_slice %arg5[%add3A_87, %dma_start3A_88] : memref<20480x128xf32, #tpu.memory_space<hbm>> -> memref<640x128xf32, #tpu.memory_space<hbm>>
      %dma_start3A_90 = arith.constant 0 : i32
      %dma_start3A_91 = tpu.memref_slice %arg10[%mul3A_82, %dma_start3A_90] : memref<10240x128xf32, #tpu.memory_space<vmem_shared>> -> memref<640x128xf32, #tpu.memory_space<vmem_shared>>
      tpu.enqueue_dma source(%dma_start3A_91 : memref<640x128xf32, #tpu.memory_space<vmem_shared>>) target(%dma_start3A_89 : memref<640x128xf32, #tpu.memory_space<hbm>>) target_semaphore(%run_scoped3A : memref<!tpu.dma_semaphore, #tpu.memory_space<semaphore_mem>>)
      %dma_wait3A_92 = arith.constant 0 : i32
      %dma_wait3A_93 = tpu.memref_slice %arg5[%add3A_87, %dma_wait3A_92] : memref<20480x128xf32, #tpu.memory_space<hbm>> -> memref<640x128xf32, #tpu.memory_space<hbm>>
      %dma_wait3A_94 = arith.constant 0 : i32
      %dma_wait3A_95 = tpu.memref_slice %arg10[%mul3A_82, %dma_wait3A_94] : memref<10240x128xf32, #tpu.memory_space<vmem_shared>> -> memref<640x128xf32, #tpu.memory_space<vmem_shared>>
      tpu.wait_dma2 semaphore(%run_scoped3A : memref<!tpu.dma_semaphore, #tpu.memory_space<semaphore_mem>>) src(%dma_wait3A_95 : memref<640x128xf32, #tpu.memory_space<vmem_shared>>) dst(%dma_wait3A_93 : memref<640x128xf32, #tpu.memory_space<hbm>>)
      tpu.yield
    }) : () -> ()
    return
  }
}

#map = affine_map<(d0, d1) -> (0, 0)>
#map1 = affine_map<(d0, d1) -> (0)>
module attributes {stable_mosaic.version = 14 : i64} {
  func.func @k(%arg0: i32, %arg1: i32, %arg2: memref<1280x128xi32, #tpu.memory_space<hbm>>, %arg3: memref<128xf32, #tpu.memory_space<hbm>>, %arg4: memref<640xf32, #tpu.memory_space<hbm>>, %arg5: memref<20480xf32, #tpu.memory_space<hbm>>, %arg6: memref<40x128xi32, #tpu.memory_space<vmem>>, %arg7: memref<128xf32, #tpu.memory_space<vmem>>, %arg8: memref<10240xf32, #tpu.memory_space<vmem_shared>>) attributes {dimension_semantics = [#tpu.dimension_semantics<core_parallel>, #tpu.dimension_semantics<subcore_parallel>], iteration_bounds = array<i64: 2, 16>, scalar_prefetch = 0 : i64, scratch_operands = 3 : i64, tpu.core_type = #tpu.core_type<sc_vector_subcore>, window_params = [{transform_indices = #map}, {transform_indices = #map1}, {transform_indices = #map1}, {transform_indices = #map1}]} {
    %mul3A = arith.constant 16 : i32
    %mul3A_0 = arith.muli %arg0, %mul3A : i32
    %add3A = arith.addi %mul3A_0, %arg1 : i32
    %mul3A_1 = arith.constant 640 : i32
    %mul3A_2 = arith.muli %arg1, %mul3A_1 : i32
    "tpu.region"() ({
      %run_scoped3A = tpu.sem_alloc : memref<!tpu.dma_semaphore, #tpu.memory_space<semaphore_mem>>
      %dma_start3A = tpu.memref_slice %arg8[%mul3A_2] : memref<10240xf32, #tpu.memory_space<vmem_shared>> -> memref<640xf32, #tpu.memory_space<vmem_shared>>
      tpu.enqueue_dma source(%arg4 : memref<640xf32, #tpu.memory_space<hbm>>) target(%dma_start3A : memref<640xf32, #tpu.memory_space<vmem_shared>>) target_semaphore(%run_scoped3A : memref<!tpu.dma_semaphore, #tpu.memory_space<semaphore_mem>>)
      %dma_wait3A = tpu.memref_slice %arg8[%mul3A_2] : memref<10240xf32, #tpu.memory_space<vmem_shared>> -> memref<640xf32, #tpu.memory_space<vmem_shared>>
      tpu.wait_dma2 semaphore(%run_scoped3A : memref<!tpu.dma_semaphore, #tpu.memory_space<semaphore_mem>>) src(%arg4 : memref<640xf32, #tpu.memory_space<hbm>>) dst(%dma_wait3A : memref<640xf32, #tpu.memory_space<vmem_shared>>)
      tpu.yield
    }) : () -> ()
    %mul3A_3 = arith.constant 40 : i32
    %mul3A_4 = arith.muli %add3A, %mul3A_3 : i32
    "tpu.region"() ({
      %run_scoped3A = tpu.sem_alloc : memref<!tpu.dma_semaphore, #tpu.memory_space<semaphore_mem>>
      %dma_start3A = arith.constant 0 : i32
      %dma_start3A_19 = tpu.memref_slice %arg2[%mul3A_4, %dma_start3A] : memref<1280x128xi32, #tpu.memory_space<hbm>> -> memref<40x128xi32, #tpu.memory_space<hbm>>
      %dma_start3A_20 = arith.constant 0 : i32
      %dma_start3A_21 = tpu.memref_slice %arg2[%mul3A_4, %dma_start3A_20] : memref<1280x128xi32, #tpu.memory_space<hbm>> -> memref<40x128xi32, #tpu.memory_space<hbm>>
      tpu.enqueue_dma source(%dma_start3A_21 : memref<40x128xi32, #tpu.memory_space<hbm>>) target(%arg6 : memref<40x128xi32, #tpu.memory_space<vmem>>) target_semaphore(%run_scoped3A : memref<!tpu.dma_semaphore, #tpu.memory_space<semaphore_mem>>)
      %dma_wait3A = arith.constant 0 : i32
      %dma_wait3A_22 = tpu.memref_slice %arg2[%mul3A_4, %dma_wait3A] : memref<1280x128xi32, #tpu.memory_space<hbm>> -> memref<40x128xi32, #tpu.memory_space<hbm>>
      %dma_wait3A_23 = arith.constant 0 : i32
      %dma_wait3A_24 = tpu.memref_slice %arg2[%mul3A_4, %dma_wait3A_23] : memref<1280x128xi32, #tpu.memory_space<hbm>> -> memref<40x128xi32, #tpu.memory_space<hbm>>
      tpu.wait_dma2 semaphore(%run_scoped3A : memref<!tpu.dma_semaphore, #tpu.memory_space<semaphore_mem>>) src(%dma_wait3A_24 : memref<40x128xi32, #tpu.memory_space<hbm>>) dst(%arg6 : memref<40x128xi32, #tpu.memory_space<vmem>>)
      tpu.yield
    }) : () -> ()
    "tpu.region"() ({
      %run_scoped3A = tpu.sem_alloc : memref<!tpu.dma_semaphore, #tpu.memory_space<semaphore_mem>>
      tpu.enqueue_dma source(%arg3 : memref<128xf32, #tpu.memory_space<hbm>>) target(%arg7 : memref<128xf32, #tpu.memory_space<vmem>>) target_semaphore(%run_scoped3A : memref<!tpu.dma_semaphore, #tpu.memory_space<semaphore_mem>>)
      tpu.wait_dma2 semaphore(%run_scoped3A : memref<!tpu.dma_semaphore, #tpu.memory_space<semaphore_mem>>) src(%arg3 : memref<128xf32, #tpu.memory_space<hbm>>) dst(%arg7 : memref<128xf32, #tpu.memory_space<vmem>>)
      tpu.yield
    }) : () -> ()
    %barrier3A = arith.constant 0 : index
    tpu.barrier barrier_id(%barrier3A)
    %scan3A = arith.constant 0 : i32
    %scan3A_5 = arith.constant 0 : i32
    %scan3A_6 = arith.constant 40 : i32
    %scan3A_7 = arith.addi %scan3A_5, %scan3A_6 : i32
    %scan3A_8 = arith.constant 1 : i32
    %scan3A_9 = scf.for %scan3A_19 = %scan3A_5 to %scan3A_7 step %scan3A_8 iter_args(%scan3A_20 = %scan3A) -> (i32)  : i32 {
      "tpu.region"() ({
        %run_scoped3A = tpu.sem_alloc : memref<!tpu.dma_semaphore, #tpu.memory_space<semaphore_mem>>
        %dma_start3A = arith.constant 0 : i32
        %dma_start3A_22 = tpu.memref_slice %arg6[%scan3A_19, %dma_start3A] : memref<40x128xi32, #tpu.memory_space<vmem>> -> memref<1x128xi32, #tpu.memory_space<vmem>>
        %dma_start3A_23 = tpu.memref_squeeze %dma_start3A_22 : memref<1x128xi32, #tpu.memory_space<vmem>> -> memref<128xi32, #tpu.memory_space<vmem>>
        %dma_start3A_24 = arith.constant 0 : i32
        %dma_start3A_25 = tpu.memref_slice %arg8[%dma_start3A_24] : memref<10240xf32, #tpu.memory_space<vmem_shared>> -> memref<10240xf32, #tpu.memory_space<vmem_shared>>
        tpu.enqueue_indirect_dma source(%arg7 : memref<128xf32, #tpu.memory_space<vmem>>) target(%dma_start3A_25 : memref<10240xf32, #tpu.memory_space<vmem_shared>>) offsets(%dma_start3A_23 : memref<128xi32, #tpu.memory_space<vmem>>) semaphore(%run_scoped3A : memref<!tpu.dma_semaphore, #tpu.memory_space<semaphore_mem>>) {add = true}
        %dma_wait3A = arith.constant 0 : i32
        %dma_wait3A_26 = tpu.memref_slice %arg6[%scan3A_19, %dma_wait3A] : memref<40x128xi32, #tpu.memory_space<vmem>> -> memref<1x128xi32, #tpu.memory_space<vmem>>
        %dma_wait3A_27 = tpu.memref_squeeze %dma_wait3A_26 : memref<1x128xi32, #tpu.memory_space<vmem>> -> memref<128xi32, #tpu.memory_space<vmem>>
        %dma_wait3A_28 = arith.constant 0 : i32
        %dma_wait3A_29 = tpu.memref_slice %arg8[%dma_wait3A_28] : memref<10240xf32, #tpu.memory_space<vmem_shared>> -> memref<10240xf32, #tpu.memory_space<vmem_shared>>
        tpu.wait_indirect_dma semaphore(%run_scoped3A : memref<!tpu.dma_semaphore, #tpu.memory_space<semaphore_mem>>) src(%arg7 : memref<128xf32, #tpu.memory_space<vmem>>) dst(%dma_wait3A_29 : memref<10240xf32, #tpu.memory_space<vmem_shared>>)
        tpu.yield
      }) : () -> ()
      %scan3A_21 = arith.constant 0 : i32
      scf.yield %scan3A_21 : i32
    }
    %scan3A_10 = arith.constant 40 : i32
    %barrier3A_11 = arith.constant 0 : index
    tpu.barrier barrier_id(%barrier3A_11)
    %mul3A_12 = arith.constant 640 : i32
    %mul3A_13 = arith.muli %arg1, %mul3A_12 : i32
    %mul3A_14 = arith.constant 10240 : i32
    %mul3A_15 = arith.muli %arg0, %mul3A_14 : i32
    %mul3A_16 = arith.constant 640 : i32
    %mul3A_17 = arith.muli %arg1, %mul3A_16 : i32
    %add3A_18 = arith.addi %mul3A_15, %mul3A_17 : i32
    "tpu.region"() ({
      %run_scoped3A = tpu.sem_alloc : memref<!tpu.dma_semaphore, #tpu.memory_space<semaphore_mem>>
      %dma_start3A = tpu.memref_slice %arg5[%add3A_18] : memref<20480xf32, #tpu.memory_space<hbm>> -> memref<640xf32, #tpu.memory_space<hbm>>
      %dma_start3A_19 = tpu.memref_slice %arg8[%mul3A_13] : memref<10240xf32, #tpu.memory_space<vmem_shared>> -> memref<640xf32, #tpu.memory_space<vmem_shared>>
      tpu.enqueue_dma source(%dma_start3A_19 : memref<640xf32, #tpu.memory_space<vmem_shared>>) target(%dma_start3A : memref<640xf32, #tpu.memory_space<hbm>>) target_semaphore(%run_scoped3A : memref<!tpu.dma_semaphore, #tpu.memory_space<semaphore_mem>>)
      %dma_wait3A = tpu.memref_slice %arg5[%add3A_18] : memref<20480xf32, #tpu.memory_space<hbm>> -> memref<640xf32, #tpu.memory_space<hbm>>
      %dma_wait3A_20 = tpu.memref_slice %arg8[%mul3A_13] : memref<10240xf32, #tpu.memory_space<vmem_shared>> -> memref<640xf32, #tpu.memory_space<vmem_shared>>
      tpu.wait_dma2 semaphore(%run_scoped3A : memref<!tpu.dma_semaphore, #tpu.memory_space<semaphore_mem>>) src(%dma_wait3A_20 : memref<640xf32, #tpu.memory_space<vmem_shared>>) dst(%dma_wait3A : memref<640xf32, #tpu.memory_space<hbm>>)
      tpu.yield
    }) : () -> ()
    return
  }
}

#map = affine_map<(d0, d1) -> (0, 0)>
module attributes {stable_mosaic.version = 14 : i64} {
  func.func @k(%arg0: i32, %arg1: i32, %arg2: memref<10240x128xf32, #tpu.memory_space<hbm>>, %arg3: memref<1280x128xi32, #tpu.memory_space<hbm>>, %arg4: memref<1280x128xi32, #tpu.memory_space<hbm>>, %arg5: memref<640x128xf32, #tpu.memory_space<hbm>>, %arg6: memref<20480x128xf32, #tpu.memory_space<hbm>>, %arg7: memref<42x128xi32, #tpu.memory_space<vmem>>, %arg8: memref<40x128xi32, #tpu.memory_space<vmem>>, %arg9: memref<128x128xf32, #tpu.memory_space<vmem>>, %arg10: memref<128x128xf32, #tpu.memory_space<vmem>>, %arg11: memref<10240x128xf32, #tpu.memory_space<vmem_shared>>, %arg12: memref<!tpu.dma_semaphore, #tpu.memory_space<semaphore_mem>>, %arg13: memref<!tpu.dma_semaphore, #tpu.memory_space<semaphore_mem>>) attributes {dimension_semantics = [#tpu.dimension_semantics<core_parallel>, #tpu.dimension_semantics<subcore_parallel>], iteration_bounds = array<i64: 2, 16>, scalar_prefetch = 0 : i64, scratch_operands = 7 : i64, tpu.core_type = #tpu.core_type<sc_vector_subcore>, window_params = [{transform_indices = #map}, {transform_indices = #map}, {transform_indices = #map}, {transform_indices = #map}, {transform_indices = #map}]} {
    %mul3A = arith.constant 16 : i32
    %mul3A_0 = arith.muli %arg0, %mul3A : i32
    %add3A = arith.addi %mul3A_0, %arg1 : i32
    %eq3A = arith.constant 0 : i32
    %eq3A_1 = arith.cmpi eq, %arg0, %eq3A : i32
    %convert_element_type3A = arith.extui %eq3A_1 : i1 to i32
    %cond3A = arith.constant 0 : i32
    %cond3A_2 = arith.cmpi ne, %convert_element_type3A, %cond3A : i32
    scf.if %cond3A_2 {
      %mul3A_52 = arith.constant 640 : i32
      %mul3A_53 = arith.muli %arg1, %mul3A_52 : i32
      %mul3A_54 = arith.constant 640 : i32
      %mul3A_55 = arith.muli %arg1, %mul3A_54 : i32
      "tpu.region"() ({
        %run_scoped3A = tpu.sem_alloc : memref<!tpu.dma_semaphore, #tpu.memory_space<semaphore_mem>>
        %dma_start3A_56 = arith.constant 0 : i32
        %dma_start3A_57 = tpu.memref_slice %arg11[%mul3A_55, %dma_start3A_56] : memref<10240x128xf32, #tpu.memory_space<vmem_shared>> -> memref<640x128xf32, #tpu.memory_space<vmem_shared>>
        %dma_start3A_58 = arith.constant 0 : i32
        %dma_start3A_59 = tpu.memref_slice %arg2[%mul3A_53, %dma_start3A_58] : memref<10240x128xf32, #tpu.memory_space<hbm>> -> memref<640x128xf32, #tpu.memory_space<hbm>>
        tpu.enqueue_dma source(%dma_start3A_59 : memref<640x128xf32, #tpu.memory_space<hbm>>) target(%dma_start3A_57 : memref<640x128xf32, #tpu.memory_space<vmem_shared>>) target_semaphore(%run_scoped3A : memref<!tpu.dma_semaphore, #tpu.memory_space<semaphore_mem>>)
        %dma_wait3A_60 = arith.constant 0 : i32
        %dma_wait3A_61 = tpu.memref_slice %arg11[%mul3A_55, %dma_wait3A_60] : memref<10240x128xf32, #tpu.memory_space<vmem_shared>> -> memref<640x128xf32, #tpu.memory_space<vmem_shared>>
        %dma_wait3A_62 = arith.constant 0 : i32
        %dma_wait3A_63 = tpu.memref_slice %arg2[%mul3A_53, %dma_wait3A_62] : memref<10240x128xf32, #tpu.memory_space<hbm>> -> memref<640x128xf32, #tpu.memory_space<hbm>>
        tpu.wait_dma2 semaphore(%run_scoped3A : memref<!tpu.dma_semaphore, #tpu.memory_space<semaphore_mem>>) src(%dma_wait3A_63 : memref<640x128xf32, #tpu.memory_space<hbm>>) dst(%dma_wait3A_61 : memref<640x128xf32, #tpu.memory_space<vmem_shared>>)
        tpu.yield
      }) : () -> ()
    } else {
    }
    %eq3A_3 = arith.constant 1 : i32
    %eq3A_4 = arith.cmpi eq, %arg0, %eq3A_3 : i32
    %convert_element_type3A_5 = arith.extui %eq3A_4 : i1 to i32
    %cond3A_6 = arith.constant 0 : i32
    %cond3A_7 = arith.cmpi ne, %convert_element_type3A_5, %cond3A_6 : i32
    scf.if %cond3A_7 {
      %mul3A_52 = arith.constant 640 : i32
      %mul3A_53 = arith.muli %arg1, %mul3A_52 : i32
      "tpu.region"() ({
        %run_scoped3A = tpu.sem_alloc : memref<!tpu.dma_semaphore, #tpu.memory_space<semaphore_mem>>
        %dma_start3A_54 = arith.constant 0 : i32
        %dma_start3A_55 = tpu.memref_slice %arg11[%mul3A_53, %dma_start3A_54] : memref<10240x128xf32, #tpu.memory_space<vmem_shared>> -> memref<640x128xf32, #tpu.memory_space<vmem_shared>>
        tpu.enqueue_dma source(%arg5 : memref<640x128xf32, #tpu.memory_space<hbm>>) target(%dma_start3A_55 : memref<640x128xf32, #tpu.memory_space<vmem_shared>>) target_semaphore(%run_scoped3A : memref<!tpu.dma_semaphore, #tpu.memory_space<semaphore_mem>>)
        %dma_wait3A_56 = arith.constant 0 : i32
        %dma_wait3A_57 = tpu.memref_slice %arg11[%mul3A_53, %dma_wait3A_56] : memref<10240x128xf32, #tpu.memory_space<vmem_shared>> -> memref<640x128xf32, #tpu.memory_space<vmem_shared>>
        tpu.wait_dma2 semaphore(%run_scoped3A : memref<!tpu.dma_semaphore, #tpu.memory_space<semaphore_mem>>) src(%arg5 : memref<640x128xf32, #tpu.memory_space<hbm>>) dst(%dma_wait3A_57 : memref<640x128xf32, #tpu.memory_space<vmem_shared>>)
        tpu.yield
      }) : () -> ()
    } else {
    }
    %mul3A_8 = arith.constant 40 : i32
    %mul3A_9 = arith.muli %add3A, %mul3A_8 : i32
    "tpu.region"() ({
      %run_scoped3A = tpu.sem_alloc : memref<!tpu.dma_semaphore, #tpu.memory_space<semaphore_mem>>
      %dma_start3A_52 = arith.constant 0 : i32
      %dma_start3A_53 = arith.constant 0 : i32
      %dma_start3A_54 = tpu.memref_slice %arg7[%dma_start3A_52, %dma_start3A_53] : memref<42x128xi32, #tpu.memory_space<vmem>> -> memref<40x128xi32, #tpu.memory_space<vmem>>
      %dma_start3A_55 = arith.constant 0 : i32
      %dma_start3A_56 = tpu.memref_slice %arg3[%mul3A_9, %dma_start3A_55] : memref<1280x128xi32, #tpu.memory_space<hbm>> -> memref<40x128xi32, #tpu.memory_space<hbm>>
      %dma_start3A_57 = arith.constant 0 : i32
      %dma_start3A_58 = arith.constant 0 : i32
      %dma_start3A_59 = tpu.memref_slice %arg7[%dma_start3A_57, %dma_start3A_58] : memref<42x128xi32, #tpu.memory_space<vmem>> -> memref<40x128xi32, #tpu.memory_space<vmem>>
      %dma_start3A_60 = arith.constant 0 : i32
      %dma_start3A_61 = tpu.memref_slice %arg3[%mul3A_9, %dma_start3A_60] : memref<1280x128xi32, #tpu.memory_space<hbm>> -> memref<40x128xi32, #tpu.memory_space<hbm>>
      tpu.enqueue_dma source(%dma_start3A_61 : memref<40x128xi32, #tpu.memory_space<hbm>>) target(%dma_start3A_59 : memref<40x128xi32, #tpu.memory_space<vmem>>) target_semaphore(%run_scoped3A : memref<!tpu.dma_semaphore, #tpu.memory_space<semaphore_mem>>)
      %dma_wait3A_62 = arith.constant 0 : i32
      %dma_wait3A_63 = arith.constant 0 : i32
      %dma_wait3A_64 = tpu.memref_slice %arg7[%dma_wait3A_62, %dma_wait3A_63] : memref<42x128xi32, #tpu.memory_space<vmem>> -> memref<40x128xi32, #tpu.memory_space<vmem>>
      %dma_wait3A_65 = arith.constant 0 : i32
      %dma_wait3A_66 = tpu.memref_slice %arg3[%mul3A_9, %dma_wait3A_65] : memref<1280x128xi32, #tpu.memory_space<hbm>> -> memref<40x128xi32, #tpu.memory_space<hbm>>
      %dma_wait3A_67 = arith.constant 0 : i32
      %dma_wait3A_68 = arith.constant 0 : i32
      %dma_wait3A_69 = tpu.memref_slice %arg7[%dma_wait3A_67, %dma_wait3A_68] : memref<42x128xi32, #tpu.memory_space<vmem>> -> memref<40x128xi32, #tpu.memory_space<vmem>>
      %dma_wait3A_70 = arith.constant 0 : i32
      %dma_wait3A_71 = tpu.memref_slice %arg3[%mul3A_9, %dma_wait3A_70] : memref<1280x128xi32, #tpu.memory_space<hbm>> -> memref<40x128xi32, #tpu.memory_space<hbm>>
      tpu.wait_dma2 semaphore(%run_scoped3A : memref<!tpu.dma_semaphore, #tpu.memory_space<semaphore_mem>>) src(%dma_wait3A_71 : memref<40x128xi32, #tpu.memory_space<hbm>>) dst(%dma_wait3A_69 : memref<40x128xi32, #tpu.memory_space<vmem>>)
      tpu.yield
    }) : () -> ()
    "tpu.region"() ({
      %run_scoped3A = tpu.sem_alloc : memref<!tpu.dma_semaphore, #tpu.memory_space<semaphore_mem>>
      %dma_start3A_52 = arith.constant 40 : i32
      %dma_start3A_53 = arith.constant 0 : i32
      %dma_start3A_54 = tpu.memref_slice %arg7[%dma_start3A_52, %dma_start3A_53] : memref<42x128xi32, #tpu.memory_space<vmem>> -> memref<2x128xi32, #tpu.memory_space<vmem>>
      %dma_start3A_55 = arith.constant 0 : i32
      %dma_start3A_56 = arith.constant 0 : i32
      %dma_start3A_57 = tpu.memref_slice %arg3[%dma_start3A_55, %dma_start3A_56] : memref<1280x128xi32, #tpu.memory_space<hbm>> -> memref<2x128xi32, #tpu.memory_space<hbm>>
      %dma_start3A_58 = arith.constant 40 : i32
      %dma_start3A_59 = arith.constant 0 : i32
      %dma_start3A_60 = tpu.memref_slice %arg7[%dma_start3A_58, %dma_start3A_59] : memref<42x128xi32, #tpu.memory_space<vmem>> -> memref<2x128xi32, #tpu.memory_space<vmem>>
      %dma_start3A_61 = arith.constant 0 : i32
      %dma_start3A_62 = arith.constant 0 : i32
      %dma_start3A_63 = tpu.memref_slice %arg3[%dma_start3A_61, %dma_start3A_62] : memref<1280x128xi32, #tpu.memory_space<hbm>> -> memref<2x128xi32, #tpu.memory_space<hbm>>
      tpu.enqueue_dma source(%dma_start3A_63 : memref<2x128xi32, #tpu.memory_space<hbm>>) target(%dma_start3A_60 : memref<2x128xi32, #tpu.memory_space<vmem>>) target_semaphore(%run_scoped3A : memref<!tpu.dma_semaphore, #tpu.memory_space<semaphore_mem>>)
      %dma_wait3A_64 = arith.constant 40 : i32
      %dma_wait3A_65 = arith.constant 0 : i32
      %dma_wait3A_66 = tpu.memref_slice %arg7[%dma_wait3A_64, %dma_wait3A_65] : memref<42x128xi32, #tpu.memory_space<vmem>> -> memref<2x128xi32, #tpu.memory_space<vmem>>
      %dma_wait3A_67 = arith.constant 0 : i32
      %dma_wait3A_68 = arith.constant 0 : i32
      %dma_wait3A_69 = tpu.memref_slice %arg3[%dma_wait3A_67, %dma_wait3A_68] : memref<1280x128xi32, #tpu.memory_space<hbm>> -> memref<2x128xi32, #tpu.memory_space<hbm>>
      %dma_wait3A_70 = arith.constant 40 : i32
      %dma_wait3A_71 = arith.constant 0 : i32
      %dma_wait3A_72 = tpu.memref_slice %arg7[%dma_wait3A_70, %dma_wait3A_71] : memref<42x128xi32, #tpu.memory_space<vmem>> -> memref<2x128xi32, #tpu.memory_space<vmem>>
      %dma_wait3A_73 = arith.constant 0 : i32
      %dma_wait3A_74 = arith.constant 0 : i32
      %dma_wait3A_75 = tpu.memref_slice %arg3[%dma_wait3A_73, %dma_wait3A_74] : memref<1280x128xi32, #tpu.memory_space<hbm>> -> memref<2x128xi32, #tpu.memory_space<hbm>>
      tpu.wait_dma2 semaphore(%run_scoped3A : memref<!tpu.dma_semaphore, #tpu.memory_space<semaphore_mem>>) src(%dma_wait3A_75 : memref<2x128xi32, #tpu.memory_space<hbm>>) dst(%dma_wait3A_72 : memref<2x128xi32, #tpu.memory_space<vmem>>)
      tpu.yield
    }) : () -> ()
    %mul3A_10 = arith.constant 40 : i32
    %mul3A_11 = arith.muli %add3A, %mul3A_10 : i32
    "tpu.region"() ({
      %run_scoped3A = tpu.sem_alloc : memref<!tpu.dma_semaphore, #tpu.memory_space<semaphore_mem>>
      %dma_start3A_52 = arith.constant 0 : i32
      %dma_start3A_53 = tpu.memref_slice %arg4[%mul3A_11, %dma_start3A_52] : memref<1280x128xi32, #tpu.memory_space<hbm>> -> memref<40x128xi32, #tpu.memory_space<hbm>>
      %dma_start3A_54 = arith.constant 0 : i32
      %dma_start3A_55 = tpu.memref_slice %arg4[%mul3A_11, %dma_start3A_54] : memref<1280x128xi32, #tpu.memory_space<hbm>> -> memref<40x128xi32, #tpu.memory_space<hbm>>
      tpu.enqueue_dma source(%dma_start3A_55 : memref<40x128xi32, #tpu.memory_space<hbm>>) target(%arg8 : memref<40x128xi32, #tpu.memory_space<vmem>>) target_semaphore(%run_scoped3A : memref<!tpu.dma_semaphore, #tpu.memory_space<semaphore_mem>>)
      %dma_wait3A_56 = arith.constant 0 : i32
      %dma_wait3A_57 = tpu.memref_slice %arg4[%mul3A_11, %dma_wait3A_56] : memref<1280x128xi32, #tpu.memory_space<hbm>> -> memref<40x128xi32, #tpu.memory_space<hbm>>
      %dma_wait3A_58 = arith.constant 0 : i32
      %dma_wait3A_59 = tpu.memref_slice %arg4[%mul3A_11, %dma_wait3A_58] : memref<1280x128xi32, #tpu.memory_space<hbm>> -> memref<40x128xi32, #tpu.memory_space<hbm>>
      tpu.wait_dma2 semaphore(%run_scoped3A : memref<!tpu.dma_semaphore, #tpu.memory_space<semaphore_mem>>) src(%dma_wait3A_59 : memref<40x128xi32, #tpu.memory_space<hbm>>) dst(%arg8 : memref<40x128xi32, #tpu.memory_space<vmem>>)
      tpu.yield
    }) : () -> ()
    %barrier3A = arith.constant 0 : index
    tpu.barrier barrier_id(%barrier3A)
    %dma_start3A = arith.constant 0 : i32
    %dma_start3A_12 = arith.constant 0 : i32
    %dma_start3A_13 = tpu.memref_slice %arg7[%dma_start3A, %dma_start3A_12] : memref<42x128xi32, #tpu.memory_space<vmem>> -> memref<1x128xi32, #tpu.memory_space<vmem>>
    %dma_start3A_14 = tpu.memref_squeeze %dma_start3A_13 : memref<1x128xi32, #tpu.memory_space<vmem>> -> memref<128xi32, #tpu.memory_space<vmem>>
    %dma_start3A_15 = arith.constant 0 : i32
    %dma_start3A_16 = arith.constant 0 : i32
    %dma_start3A_17 = tpu.memref_slice %arg2[%dma_start3A_15, %dma_start3A_16] : memref<10240x128xf32, #tpu.memory_space<hbm>> -> memref<10240x128xf32, #tpu.memory_space<hbm>>
    tpu.enqueue_indirect_dma source(%dma_start3A_17 : memref<10240x128xf32, #tpu.memory_space<hbm>>) target(%arg9 : memref<128x128xf32, #tpu.memory_space<vmem>>) offsets(%dma_start3A_14 : memref<128xi32, #tpu.memory_space<vmem>>) semaphore(%arg12 : memref<!tpu.dma_semaphore, #tpu.memory_space<semaphore_mem>>)
    %dma_start3A_18 = arith.constant 1 : i32
    %dma_start3A_19 = arith.constant 0 : i32
    %dma_start3A_20 = tpu.memref_slice %arg7[%dma_start3A_18, %dma_start3A_19] : memref<42x128xi32, #tpu.memory_space<vmem>> -> memref<1x128xi32, #tpu.memory_space<vmem>>
    %dma_start3A_21 = tpu.memref_squeeze %dma_start3A_20 : memref<1x128xi32, #tpu.memory_space<vmem>> -> memref<128xi32, #tpu.memory_space<vmem>>
    %dma_start3A_22 = arith.constant 0 : i32
    %dma_start3A_23 = arith.constant 0 : i32
    %dma_start3A_24 = tpu.memref_slice %arg2[%dma_start3A_22, %dma_start3A_23] : memref<10240x128xf32, #tpu.memory_space<hbm>> -> memref<10240x128xf32, #tpu.memory_space<hbm>>
    tpu.enqueue_indirect_dma source(%dma_start3A_24 : memref<10240x128xf32, #tpu.memory_space<hbm>>) target(%arg10 : memref<128x128xf32, #tpu.memory_space<vmem>>) offsets(%dma_start3A_21 : memref<128xi32, #tpu.memory_space<vmem>>) semaphore(%arg13 : memref<!tpu.dma_semaphore, #tpu.memory_space<semaphore_mem>>)
    %scan3A = arith.constant 0 : i32
    %scan3A_25 = arith.constant 0 : i32
    %scan3A_26 = arith.constant 20 : i32
    %scan3A_27 = arith.addi %scan3A_25, %scan3A_26 : i32
    %scan3A_28 = arith.constant 1 : i32
    %scan3A_29 = scf.for %scan3A_52 = %scan3A_25 to %scan3A_27 step %scan3A_28 iter_args(%scan3A_53 = %scan3A) -> (i32)  : i32 {
      %mul3A_54 = arith.constant 2 : i32
      %mul3A_55 = arith.muli %mul3A_54, %scan3A_52 : i32
      %dma_wait3A_56 = arith.constant 0 : i32
      %dma_wait3A_57 = tpu.memref_slice %arg7[%mul3A_55, %dma_wait3A_56] : memref<42x128xi32, #tpu.memory_space<vmem>> -> memref<1x128xi32, #tpu.memory_space<vmem>>
      %dma_wait3A_58 = tpu.memref_squeeze %dma_wait3A_57 : memref<1x128xi32, #tpu.memory_space<vmem>> -> memref<128xi32, #tpu.memory_space<vmem>>
      %dma_wait3A_59 = arith.constant 0 : i32
      %dma_wait3A_60 = arith.constant 0 : i32
      %dma_wait3A_61 = tpu.memref_slice %arg2[%dma_wait3A_59, %dma_wait3A_60] : memref<10240x128xf32, #tpu.memory_space<hbm>> -> memref<10240x128xf32, #tpu.memory_space<hbm>>
      tpu.wait_indirect_dma semaphore(%arg12 : memref<!tpu.dma_semaphore, #tpu.memory_space<semaphore_mem>>) src(%dma_wait3A_61 : memref<10240x128xf32, #tpu.memory_space<hbm>>) dst(%arg9 : memref<128x128xf32, #tpu.memory_space<vmem>>)
      "tpu.region"() ({
        %run_scoped3A = tpu.sem_alloc : memref<!tpu.dma_semaphore, #tpu.memory_space<semaphore_mem>>
        %dma_start3A_89 = arith.constant 0 : i32
        %dma_start3A_90 = tpu.memref_slice %arg8[%mul3A_55, %dma_start3A_89] : memref<40x128xi32, #tpu.memory_space<vmem>> -> memref<1x128xi32, #tpu.memory_space<vmem>>
        %dma_start3A_91 = tpu.memref_squeeze %dma_start3A_90 : memref<1x128xi32, #tpu.memory_space<vmem>> -> memref<128xi32, #tpu.memory_space<vmem>>
        %dma_start3A_92 = arith.constant 0 : i32
        %dma_start3A_93 = arith.constant 0 : i32
        %dma_start3A_94 = tpu.memref_slice %arg11[%dma_start3A_92, %dma_start3A_93] : memref<10240x128xf32, #tpu.memory_space<vmem_shared>> -> memref<10240x128xf32, #tpu.memory_space<vmem_shared>>
        tpu.enqueue_indirect_dma source(%arg9 : memref<128x128xf32, #tpu.memory_space<vmem>>) target(%dma_start3A_94 : memref<10240x128xf32, #tpu.memory_space<vmem_shared>>) offsets(%dma_start3A_91 : memref<128xi32, #tpu.memory_space<vmem>>) semaphore(%run_scoped3A : memref<!tpu.dma_semaphore, #tpu.memory_space<semaphore_mem>>) {add = true}
        %dma_wait3A_95 = arith.constant 0 : i32
        %dma_wait3A_96 = tpu.memref_slice %arg8[%mul3A_55, %dma_wait3A_95] : memref<40x128xi32, #tpu.memory_space<vmem>> -> memref<1x128xi32, #tpu.memory_space<vmem>>
        %dma_wait3A_97 = tpu.memref_squeeze %dma_wait3A_96 : memref<1x128xi32, #tpu.memory_space<vmem>> -> memref<128xi32, #tpu.memory_space<vmem>>
        %dma_wait3A_98 = arith.constant 0 : i32
        %dma_wait3A_99 = arith.constant 0 : i32
        %dma_wait3A_100 = tpu.memref_slice %arg11[%dma_wait3A_98, %dma_wait3A_99] : memref<10240x128xf32, #tpu.memory_space<vmem_shared>> -> memref<10240x128xf32, #tpu.memory_space<vmem_shared>>
        tpu.wait_indirect_dma semaphore(%run_scoped3A : memref<!tpu.dma_semaphore, #tpu.memory_space<semaphore_mem>>) src(%arg9 : memref<128x128xf32, #tpu.memory_space<vmem>>) dst(%dma_wait3A_100 : memref<10240x128xf32, #tpu.memory_space<vmem_shared>>)
        tpu.yield
      }) : () -> ()
      %add3A_62 = arith.constant 2 : i32
      %add3A_63 = arith.addi %mul3A_55, %add3A_62 : i32
      %dma_start3A_64 = arith.constant 0 : i32
      %dma_start3A_65 = tpu.memref_slice %arg7[%add3A_63, %dma_start3A_64] : memref<42x128xi32, #tpu.memory_space<vmem>> -> memref<1x128xi32, #tpu.memory_space<vmem>>
      %dma_start3A_66 = tpu.memref_squeeze %dma_start3A_65 : memref<1x128xi32, #tpu.memory_space<vmem>> -> memref<128xi32, #tpu.memory_space<vmem>>
      %dma_start3A_67 = arith.constant 0 : i32
      %dma_start3A_68 = arith.constant 0 : i32
      %dma_start3A_69 = tpu.memref_slice %arg2[%dma_start3A_67, %dma_start3A_68] : memref<10240x128xf32, #tpu.memory_space<hbm>> -> memref<10240x128xf32, #tpu.memory_space<hbm>>
      tpu.enqueue_indirect_dma source(%dma_start3A_69 : memref<10240x128xf32, #tpu.memory_space<hbm>>) target(%arg9 : memref<128x128xf32, #tpu.memory_space<vmem>>) offsets(%dma_start3A_66 : memref<128xi32, #tpu.memory_space<vmem>>) semaphore(%arg12 : memref<!tpu.dma_semaphore, #tpu.memory_space<semaphore_mem>>)
      %add3A_70 = arith.constant 1 : i32
      %add3A_71 = arith.addi %mul3A_55, %add3A_70 : i32
      %dma_wait3A_72 = arith.constant 0 : i32
      %dma_wait3A_73 = tpu.memref_slice %arg7[%add3A_71, %dma_wait3A_72] : memref<42x128xi32, #tpu.memory_space<vmem>> -> memref<1x128xi32, #tpu.memory_space<vmem>>
      %dma_wait3A_74 = tpu.memref_squeeze %dma_wait3A_73 : memref<1x128xi32, #tpu.memory_space<vmem>> -> memref<128xi32, #tpu.memory_space<vmem>>
      %dma_wait3A_75 = arith.constant 0 : i32
      %dma_wait3A_76 = arith.constant 0 : i32
      %dma_wait3A_77 = tpu.memref_slice %arg2[%dma_wait3A_75, %dma_wait3A_76] : memref<10240x128xf32, #tpu.memory_space<hbm>> -> memref<10240x128xf32, #tpu.memory_space<hbm>>
      tpu.wait_indirect_dma semaphore(%arg13 : memref<!tpu.dma_semaphore, #tpu.memory_space<semaphore_mem>>) src(%dma_wait3A_77 : memref<10240x128xf32, #tpu.memory_space<hbm>>) dst(%arg10 : memref<128x128xf32, #tpu.memory_space<vmem>>)
      %add3A_78 = arith.constant 1 : i32
      %add3A_79 = arith.addi %mul3A_55, %add3A_78 : i32
      "tpu.region"() ({
        %run_scoped3A = tpu.sem_alloc : memref<!tpu.dma_semaphore, #tpu.memory_space<semaphore_mem>>
        %dma_start3A_89 = arith.constant 0 : i32
        %dma_start3A_90 = tpu.memref_slice %arg8[%add3A_79, %dma_start3A_89] : memref<40x128xi32, #tpu.memory_space<vmem>> -> memref<1x128xi32, #tpu.memory_space<vmem>>
        %dma_start3A_91 = tpu.memref_squeeze %dma_start3A_90 : memref<1x128xi32, #tpu.memory_space<vmem>> -> memref<128xi32, #tpu.memory_space<vmem>>
        %dma_start3A_92 = arith.constant 0 : i32
        %dma_start3A_93 = arith.constant 0 : i32
        %dma_start3A_94 = tpu.memref_slice %arg11[%dma_start3A_92, %dma_start3A_93] : memref<10240x128xf32, #tpu.memory_space<vmem_shared>> -> memref<10240x128xf32, #tpu.memory_space<vmem_shared>>
        tpu.enqueue_indirect_dma source(%arg10 : memref<128x128xf32, #tpu.memory_space<vmem>>) target(%dma_start3A_94 : memref<10240x128xf32, #tpu.memory_space<vmem_shared>>) offsets(%dma_start3A_91 : memref<128xi32, #tpu.memory_space<vmem>>) semaphore(%run_scoped3A : memref<!tpu.dma_semaphore, #tpu.memory_space<semaphore_mem>>) {add = true}
        %dma_wait3A_95 = arith.constant 0 : i32
        %dma_wait3A_96 = tpu.memref_slice %arg8[%add3A_79, %dma_wait3A_95] : memref<40x128xi32, #tpu.memory_space<vmem>> -> memref<1x128xi32, #tpu.memory_space<vmem>>
        %dma_wait3A_97 = tpu.memref_squeeze %dma_wait3A_96 : memref<1x128xi32, #tpu.memory_space<vmem>> -> memref<128xi32, #tpu.memory_space<vmem>>
        %dma_wait3A_98 = arith.constant 0 : i32
        %dma_wait3A_99 = arith.constant 0 : i32
        %dma_wait3A_100 = tpu.memref_slice %arg11[%dma_wait3A_98, %dma_wait3A_99] : memref<10240x128xf32, #tpu.memory_space<vmem_shared>> -> memref<10240x128xf32, #tpu.memory_space<vmem_shared>>
        tpu.wait_indirect_dma semaphore(%run_scoped3A : memref<!tpu.dma_semaphore, #tpu.memory_space<semaphore_mem>>) src(%arg10 : memref<128x128xf32, #tpu.memory_space<vmem>>) dst(%dma_wait3A_100 : memref<10240x128xf32, #tpu.memory_space<vmem_shared>>)
        tpu.yield
      }) : () -> ()
      %add3A_80 = arith.constant 3 : i32
      %add3A_81 = arith.addi %mul3A_55, %add3A_80 : i32
      %dma_start3A_82 = arith.constant 0 : i32
      %dma_start3A_83 = tpu.memref_slice %arg7[%add3A_81, %dma_start3A_82] : memref<42x128xi32, #tpu.memory_space<vmem>> -> memref<1x128xi32, #tpu.memory_space<vmem>>
      %dma_start3A_84 = tpu.memref_squeeze %dma_start3A_83 : memref<1x128xi32, #tpu.memory_space<vmem>> -> memref<128xi32, #tpu.memory_space<vmem>>
      %dma_start3A_85 = arith.constant 0 : i32
      %dma_start3A_86 = arith.constant 0 : i32
      %dma_start3A_87 = tpu.memref_slice %arg2[%dma_start3A_85, %dma_start3A_86] : memref<10240x128xf32, #tpu.memory_space<hbm>> -> memref<10240x128xf32, #tpu.memory_space<hbm>>
      tpu.enqueue_indirect_dma source(%dma_start3A_87 : memref<10240x128xf32, #tpu.memory_space<hbm>>) target(%arg10 : memref<128x128xf32, #tpu.memory_space<vmem>>) offsets(%dma_start3A_84 : memref<128xi32, #tpu.memory_space<vmem>>) semaphore(%arg13 : memref<!tpu.dma_semaphore, #tpu.memory_space<semaphore_mem>>)
      %scan3A_88 = arith.constant 0 : i32
      scf.yield %scan3A_88 : i32
    }
    %scan3A_30 = arith.constant 20 : i32
    %dma_wait3A = arith.constant 0 : i32
    %dma_wait3A_31 = arith.constant 0 : i32
    %dma_wait3A_32 = tpu.memref_slice %arg7[%dma_wait3A, %dma_wait3A_31] : memref<42x128xi32, #tpu.memory_space<vmem>> -> memref<1x128xi32, #tpu.memory_space<vmem>>
    %dma_wait3A_33 = tpu.memref_squeeze %dma_wait3A_32 : memref<1x128xi32, #tpu.memory_space<vmem>> -> memref<128xi32, #tpu.memory_space<vmem>>
    %dma_wait3A_34 = arith.constant 0 : i32
    %dma_wait3A_35 = arith.constant 0 : i32
    %dma_wait3A_36 = tpu.memref_slice %arg2[%dma_wait3A_34, %dma_wait3A_35] : memref<10240x128xf32, #tpu.memory_space<hbm>> -> memref<10240x128xf32, #tpu.memory_space<hbm>>
    tpu.wait_indirect_dma semaphore(%arg12 : memref<!tpu.dma_semaphore, #tpu.memory_space<semaphore_mem>>) src(%dma_wait3A_36 : memref<10240x128xf32, #tpu.memory_space<hbm>>) dst(%arg9 : memref<128x128xf32, #tpu.memory_space<vmem>>)
    %dma_wait3A_37 = arith.constant 1 : i32
    %dma_wait3A_38 = arith.constant 0 : i32
    %dma_wait3A_39 = tpu.memref_slice %arg7[%dma_wait3A_37, %dma_wait3A_38] : memref<42x128xi32, #tpu.memory_space<vmem>> -> memref<1x128xi32, #tpu.memory_space<vmem>>
    %dma_wait3A_40 = tpu.memref_squeeze %dma_wait3A_39 : memref<1x128xi32, #tpu.memory_space<vmem>> -> memref<128xi32, #tpu.memory_space<vmem>>
    %dma_wait3A_41 = arith.constant 0 : i32
    %dma_wait3A_42 = arith.constant 0 : i32
    %dma_wait3A_43 = tpu.memref_slice %arg2[%dma_wait3A_41, %dma_wait3A_42] : memref<10240x128xf32, #tpu.memory_space<hbm>> -> memref<10240x128xf32, #tpu.memory_space<hbm>>
    tpu.wait_indirect_dma semaphore(%arg13 : memref<!tpu.dma_semaphore, #tpu.memory_space<semaphore_mem>>) src(%dma_wait3A_43 : memref<10240x128xf32, #tpu.memory_space<hbm>>) dst(%arg10 : memref<128x128xf32, #tpu.memory_space<vmem>>)
    %barrier3A_44 = arith.constant 0 : index
    tpu.barrier barrier_id(%barrier3A_44)
    %mul3A_45 = arith.constant 640 : i32
    %mul3A_46 = arith.muli %arg1, %mul3A_45 : i32
    %mul3A_47 = arith.constant 10240 : i32
    %mul3A_48 = arith.muli %arg0, %mul3A_47 : i32
    %mul3A_49 = arith.constant 640 : i32
    %mul3A_50 = arith.muli %arg1, %mul3A_49 : i32
    %add3A_51 = arith.addi %mul3A_48, %mul3A_50 : i32
    "tpu.region"() ({
      %run_scoped3A = tpu.sem_alloc : memref<!tpu.dma_semaphore, #tpu.memory_space<semaphore_mem>>
      %dma_start3A_52 = arith.constant 0 : i32
      %dma_start3A_53 = tpu.memref_slice %arg6[%add3A_51, %dma_start3A_52] : memref<20480x128xf32, #tpu.memory_space<hbm>> -> memref<640x128xf32, #tpu.memory_space<hbm>>
      %dma_start3A_54 = arith.constant 0 : i32
      %dma_start3A_55 = tpu.memref_slice %arg11[%mul3A_46, %dma_start3A_54] : memref<10240x128xf32, #tpu.memory_space<vmem_shared>> -> memref<640x128xf32, #tpu.memory_space<vmem_shared>>
      tpu.enqueue_dma source(%dma_start3A_55 : memref<640x128xf32, #tpu.memory_space<vmem_shared>>) target(%dma_start3A_53 : memref<640x128xf32, #tpu.memory_space<hbm>>) target_semaphore(%run_scoped3A : memref<!tpu.dma_semaphore, #tpu.memory_space<semaphore_mem>>)
      %dma_wait3A_56 = arith.constant 0 : i32
      %dma_wait3A_57 = tpu.memref_slice %arg6[%add3A_51, %dma_wait3A_56] : memref<20480x128xf32, #tpu.memory_space<hbm>> -> memref<640x128xf32, #tpu.memory_space<hbm>>
      %dma_wait3A_58 = arith.constant 0 : i32
      %dma_wait3A_59 = tpu.memref_slice %arg11[%mul3A_46, %dma_wait3A_58] : memref<10240x128xf32, #tpu.memory_space<vmem_shared>> -> memref<640x128xf32, #tpu.memory_space<vmem_shared>>
      tpu.wait_dma2 semaphore(%run_scoped3A : memref<!tpu.dma_semaphore, #tpu.memory_space<semaphore_mem>>) src(%dma_wait3A_59 : memref<640x128xf32, #tpu.memory_space<vmem_shared>>) dst(%dma_wait3A_57 : memref<640x128xf32, #tpu.memory_space<hbm>>)
      tpu.yield
    }) : () -> ()
    return
  }
}

#map = affine_map<(d0, d1) -> (0, 0)>
#map1 = affine_map<(d0, d1) -> (0, 0, 0)>
module attributes {stable_mosaic.version = 14 : i64} {
  func.func @k(%arg0: i32, %arg1: i32, %arg2: memref<20480x128xf32, #tpu.memory_space<hbm>>, %arg3: memref<2x1280x128xi32, #tpu.memory_space<hbm>>, %arg4: memref<1280x128xi32, #tpu.memory_space<hbm>>, %arg5: memref<20480x128xf32, #tpu.memory_space<hbm>>, %arg6: memref<42x128xi32, #tpu.memory_space<vmem>>, %arg7: memref<40x128xi32, #tpu.memory_space<vmem>>, %arg8: memref<128x128xf32, #tpu.memory_space<vmem>>, %arg9: memref<128x128xf32, #tpu.memory_space<vmem>>, %arg10: memref<10240x128xf32, #tpu.memory_space<vmem_shared>>, %arg11: memref<!tpu.dma_semaphore, #tpu.memory_space<semaphore_mem>>, %arg12: memref<!tpu.dma_semaphore, #tpu.memory_space<semaphore_mem>>) attributes {dimension_semantics = [#tpu.dimension_semantics<core_parallel>, #tpu.dimension_semantics<subcore_parallel>], iteration_bounds = array<i64: 2, 16>, scalar_prefetch = 0 : i64, scratch_operands = 7 : i64, tpu.core_type = #tpu.core_type<sc_vector_subcore>, window_params = [{transform_indices = #map}, {transform_indices = #map1}, {transform_indices = #map}, {transform_indices = #map}]} {
    %mul3A = arith.constant 10240 : i32
    %mul3A_0 = arith.muli %arg0, %mul3A : i32
    %mul3A_1 = arith.constant 640 : i32
    %mul3A_2 = arith.muli %arg1, %mul3A_1 : i32
    %add3A = arith.addi %mul3A_0, %mul3A_2 : i32
    %mul3A_3 = arith.constant 640 : i32
    %mul3A_4 = arith.muli %arg1, %mul3A_3 : i32
    "tpu.region"() ({
      %run_scoped3A = tpu.sem_alloc : memref<!tpu.dma_semaphore, #tpu.memory_space<semaphore_mem>>
      %dma_start3A_88 = arith.constant 0 : i32
      %dma_start3A_89 = tpu.memref_slice %arg10[%mul3A_4, %dma_start3A_88] : memref<10240x128xf32, #tpu.memory_space<vmem_shared>> -> memref<640x128xf32, #tpu.memory_space<vmem_shared>>
      %dma_start3A_90 = arith.constant 0 : i32
      %dma_start3A_91 = tpu.memref_slice %arg2[%add3A, %dma_start3A_90] : memref<20480x128xf32, #tpu.memory_space<hbm>> -> memref<640x128xf32, #tpu.memory_space<hbm>>
      tpu.enqueue_dma source(%dma_start3A_91 : memref<640x128xf32, #tpu.memory_space<hbm>>) target(%dma_start3A_89 : memref<640x128xf32, #tpu.memory_space<vmem_shared>>) target_semaphore(%run_scoped3A : memref<!tpu.dma_semaphore, #tpu.memory_space<semaphore_mem>>)
      %dma_wait3A_92 = arith.constant 0 : i32
      %dma_wait3A_93 = tpu.memref_slice %arg10[%mul3A_4, %dma_wait3A_92] : memref<10240x128xf32, #tpu.memory_space<vmem_shared>> -> memref<640x128xf32, #tpu.memory_space<vmem_shared>>
      %dma_wait3A_94 = arith.constant 0 : i32
      %dma_wait3A_95 = tpu.memref_slice %arg2[%add3A, %dma_wait3A_94] : memref<20480x128xf32, #tpu.memory_space<hbm>> -> memref<640x128xf32, #tpu.memory_space<hbm>>
      tpu.wait_dma2 semaphore(%run_scoped3A : memref<!tpu.dma_semaphore, #tpu.memory_space<semaphore_mem>>) src(%dma_wait3A_95 : memref<640x128xf32, #tpu.memory_space<hbm>>) dst(%dma_wait3A_93 : memref<640x128xf32, #tpu.memory_space<vmem_shared>>)
      tpu.yield
    }) : () -> ()
    %barrier3A = arith.constant 0 : index
    tpu.barrier barrier_id(%barrier3A)
    %mul3A_5 = arith.constant 80 : i32
    %mul3A_6 = arith.muli %arg1, %mul3A_5 : i32
    %add3A_7 = arith.constant 0 : i32
    %add3A_8 = arith.addi %mul3A_6, %add3A_7 : i32
    "tpu.region"() ({
      %run_scoped3A = tpu.sem_alloc : memref<!tpu.dma_semaphore, #tpu.memory_space<semaphore_mem>>
      %dma_start3A_88 = arith.constant 0 : i32
      %dma_start3A_89 = arith.constant 0 : i32
      %dma_start3A_90 = tpu.memref_slice %arg6[%dma_start3A_88, %dma_start3A_89] : memref<42x128xi32, #tpu.memory_space<vmem>> -> memref<40x128xi32, #tpu.memory_space<vmem>>
      %dma_start3A_91 = arith.constant 0 : i32
      %dma_start3A_92 = tpu.memref_slice %arg3[%arg0, %add3A_8, %dma_start3A_91] : memref<2x1280x128xi32, #tpu.memory_space<hbm>> -> memref<1x40x128xi32, #tpu.memory_space<hbm>>
      %dma_start3A_93 = tpu.memref_squeeze %dma_start3A_92 : memref<1x40x128xi32, #tpu.memory_space<hbm>> -> memref<40x128xi32, #tpu.memory_space<hbm>>
      %dma_start3A_94 = arith.constant 0 : i32
      %dma_start3A_95 = arith.constant 0 : i32
      %dma_start3A_96 = tpu.memref_slice %arg6[%dma_start3A_94, %dma_start3A_95] : memref<42x128xi32, #tpu.memory_space<vmem>> -> memref<40x128xi32, #tpu.memory_space<vmem>>
      %dma_start3A_97 = arith.constant 0 : i32
      %dma_start3A_98 = tpu.memref_slice %arg3[%arg0, %add3A_8, %dma_start3A_97] : memref<2x1280x128xi32, #tpu.memory_space<hbm>> -> memref<1x40x128xi32, #tpu.memory_space<hbm>>
      %dma_start3A_99 = tpu.memref_squeeze %dma_start3A_98 : memref<1x40x128xi32, #tpu.memory_space<hbm>> -> memref<40x128xi32, #tpu.memory_space<hbm>>
      tpu.enqueue_dma source(%dma_start3A_99 : memref<40x128xi32, #tpu.memory_space<hbm>>) target(%dma_start3A_96 : memref<40x128xi32, #tpu.memory_space<vmem>>) target_semaphore(%run_scoped3A : memref<!tpu.dma_semaphore, #tpu.memory_space<semaphore_mem>>)
      %dma_wait3A_100 = arith.constant 0 : i32
      %dma_wait3A_101 = arith.constant 0 : i32
      %dma_wait3A_102 = tpu.memref_slice %arg6[%dma_wait3A_100, %dma_wait3A_101] : memref<42x128xi32, #tpu.memory_space<vmem>> -> memref<40x128xi32, #tpu.memory_space<vmem>>
      %dma_wait3A_103 = arith.constant 0 : i32
      %dma_wait3A_104 = tpu.memref_slice %arg3[%arg0, %add3A_8, %dma_wait3A_103] : memref<2x1280x128xi32, #tpu.memory_space<hbm>> -> memref<1x40x128xi32, #tpu.memory_space<hbm>>
      %dma_wait3A_105 = tpu.memref_squeeze %dma_wait3A_104 : memref<1x40x128xi32, #tpu.memory_space<hbm>> -> memref<40x128xi32, #tpu.memory_space<hbm>>
      %dma_wait3A_106 = arith.constant 0 : i32
      %dma_wait3A_107 = arith.constant 0 : i32
      %dma_wait3A_108 = tpu.memref_slice %arg6[%dma_wait3A_106, %dma_wait3A_107] : memref<42x128xi32, #tpu.memory_space<vmem>> -> memref<40x128xi32, #tpu.memory_space<vmem>>
      %dma_wait3A_109 = arith.constant 0 : i32
      %dma_wait3A_110 = tpu.memref_slice %arg3[%arg0, %add3A_8, %dma_wait3A_109] : memref<2x1280x128xi32, #tpu.memory_space<hbm>> -> memref<1x40x128xi32, #tpu.memory_space<hbm>>
      %dma_wait3A_111 = tpu.memref_squeeze %dma_wait3A_110 : memref<1x40x128xi32, #tpu.memory_space<hbm>> -> memref<40x128xi32, #tpu.memory_space<hbm>>
      tpu.wait_dma2 semaphore(%run_scoped3A : memref<!tpu.dma_semaphore, #tpu.memory_space<semaphore_mem>>) src(%dma_wait3A_111 : memref<40x128xi32, #tpu.memory_space<hbm>>) dst(%dma_wait3A_108 : memref<40x128xi32, #tpu.memory_space<vmem>>)
      tpu.yield
    }) : () -> ()
    "tpu.region"() ({
      %run_scoped3A = tpu.sem_alloc : memref<!tpu.dma_semaphore, #tpu.memory_space<semaphore_mem>>
      %dma_start3A_88 = arith.constant 40 : i32
      %dma_start3A_89 = arith.constant 0 : i32
      %dma_start3A_90 = tpu.memref_slice %arg6[%dma_start3A_88, %dma_start3A_89] : memref<42x128xi32, #tpu.memory_space<vmem>> -> memref<2x128xi32, #tpu.memory_space<vmem>>
      %dma_start3A_91 = arith.constant 0 : i32
      %dma_start3A_92 = arith.constant 0 : i32
      %dma_start3A_93 = tpu.memref_slice %arg3[%arg0, %dma_start3A_91, %dma_start3A_92] : memref<2x1280x128xi32, #tpu.memory_space<hbm>> -> memref<1x2x128xi32, #tpu.memory_space<hbm>>
      %dma_start3A_94 = tpu.memref_squeeze %dma_start3A_93 : memref<1x2x128xi32, #tpu.memory_space<hbm>> -> memref<2x128xi32, #tpu.memory_space<hbm>>
      %dma_start3A_95 = arith.constant 40 : i32
      %dma_start3A_96 = arith.constant 0 : i32
      %dma_start3A_97 = tpu.memref_slice %arg6[%dma_start3A_95, %dma_start3A_96] : memref<42x128xi32, #tpu.memory_space<vmem>> -> memref<2x128xi32, #tpu.memory_space<vmem>>
      %dma_start3A_98 = arith.constant 0 : i32
      %dma_start3A_99 = arith.constant 0 : i32
      %dma_start3A_100 = tpu.memref_slice %arg3[%arg0, %dma_start3A_98, %dma_start3A_99] : memref<2x1280x128xi32, #tpu.memory_space<hbm>> -> memref<1x2x128xi32, #tpu.memory_space<hbm>>
      %dma_start3A_101 = tpu.memref_squeeze %dma_start3A_100 : memref<1x2x128xi32, #tpu.memory_space<hbm>> -> memref<2x128xi32, #tpu.memory_space<hbm>>
      tpu.enqueue_dma source(%dma_start3A_101 : memref<2x128xi32, #tpu.memory_space<hbm>>) target(%dma_start3A_97 : memref<2x128xi32, #tpu.memory_space<vmem>>) target_semaphore(%run_scoped3A : memref<!tpu.dma_semaphore, #tpu.memory_space<semaphore_mem>>)
      %dma_wait3A_102 = arith.constant 40 : i32
      %dma_wait3A_103 = arith.constant 0 : i32
      %dma_wait3A_104 = tpu.memref_slice %arg6[%dma_wait3A_102, %dma_wait3A_103] : memref<42x128xi32, #tpu.memory_space<vmem>> -> memref<2x128xi32, #tpu.memory_space<vmem>>
      %dma_wait3A_105 = arith.constant 0 : i32
      %dma_wait3A_106 = arith.constant 0 : i32
      %dma_wait3A_107 = tpu.memref_slice %arg3[%arg0, %dma_wait3A_105, %dma_wait3A_106] : memref<2x1280x128xi32, #tpu.memory_space<hbm>> -> memref<1x2x128xi32, #tpu.memory_space<hbm>>
      %dma_wait3A_108 = tpu.memref_squeeze %dma_wait3A_107 : memref<1x2x128xi32, #tpu.memory_space<hbm>> -> memref<2x128xi32, #tpu.memory_space<hbm>>
      %dma_wait3A_109 = arith.constant 40 : i32
      %dma_wait3A_110 = arith.constant 0 : i32
      %dma_wait3A_111 = tpu.memref_slice %arg6[%dma_wait3A_109, %dma_wait3A_110] : memref<42x128xi32, #tpu.memory_space<vmem>> -> memref<2x128xi32, #tpu.memory_space<vmem>>
      %dma_wait3A_112 = arith.constant 0 : i32
      %dma_wait3A_113 = arith.constant 0 : i32
      %dma_wait3A_114 = tpu.memref_slice %arg3[%arg0, %dma_wait3A_112, %dma_wait3A_113] : memref<2x1280x128xi32, #tpu.memory_space<hbm>> -> memref<1x2x128xi32, #tpu.memory_space<hbm>>
      %dma_wait3A_115 = tpu.memref_squeeze %dma_wait3A_114 : memref<1x2x128xi32, #tpu.memory_space<hbm>> -> memref<2x128xi32, #tpu.memory_space<hbm>>
      tpu.wait_dma2 semaphore(%run_scoped3A : memref<!tpu.dma_semaphore, #tpu.memory_space<semaphore_mem>>) src(%dma_wait3A_115 : memref<2x128xi32, #tpu.memory_space<hbm>>) dst(%dma_wait3A_111 : memref<2x128xi32, #tpu.memory_space<vmem>>)
      tpu.yield
    }) : () -> ()
    "tpu.region"() ({
      %run_scoped3A = tpu.sem_alloc : memref<!tpu.dma_semaphore, #tpu.memory_space<semaphore_mem>>
      %dma_start3A_88 = arith.constant 0 : i32
      %dma_start3A_89 = tpu.memref_slice %arg4[%add3A_8, %dma_start3A_88] : memref<1280x128xi32, #tpu.memory_space<hbm>> -> memref<40x128xi32, #tpu.memory_space<hbm>>
      %dma_start3A_90 = arith.constant 0 : i32
      %dma_start3A_91 = tpu.memref_slice %arg4[%add3A_8, %dma_start3A_90] : memref<1280x128xi32, #tpu.memory_space<hbm>> -> memref<40x128xi32, #tpu.memory_space<hbm>>
      tpu.enqueue_dma source(%dma_start3A_91 : memref<40x128xi32, #tpu.memory_space<hbm>>) target(%arg7 : memref<40x128xi32, #tpu.memory_space<vmem>>) target_semaphore(%run_scoped3A : memref<!tpu.dma_semaphore, #tpu.memory_space<semaphore_mem>>)
      %dma_wait3A_92 = arith.constant 0 : i32
      %dma_wait3A_93 = tpu.memref_slice %arg4[%add3A_8, %dma_wait3A_92] : memref<1280x128xi32, #tpu.memory_space<hbm>> -> memref<40x128xi32, #tpu.memory_space<hbm>>
      %dma_wait3A_94 = arith.constant 0 : i32
      %dma_wait3A_95 = tpu.memref_slice %arg4[%add3A_8, %dma_wait3A_94] : memref<1280x128xi32, #tpu.memory_space<hbm>> -> memref<40x128xi32, #tpu.memory_space<hbm>>
      tpu.wait_dma2 semaphore(%run_scoped3A : memref<!tpu.dma_semaphore, #tpu.memory_space<semaphore_mem>>) src(%dma_wait3A_95 : memref<40x128xi32, #tpu.memory_space<hbm>>) dst(%arg7 : memref<40x128xi32, #tpu.memory_space<vmem>>)
      tpu.yield
    }) : () -> ()
    %dma_start3A = arith.constant 0 : i32
    %dma_start3A_9 = arith.constant 0 : i32
    %dma_start3A_10 = tpu.memref_slice %arg6[%dma_start3A, %dma_start3A_9] : memref<42x128xi32, #tpu.memory_space<vmem>> -> memref<1x128xi32, #tpu.memory_space<vmem>>
    %dma_start3A_11 = tpu.memref_squeeze %dma_start3A_10 : memref<1x128xi32, #tpu.memory_space<vmem>> -> memref<128xi32, #tpu.memory_space<vmem>>
    %dma_start3A_12 = arith.constant 0 : i32
    %dma_start3A_13 = arith.constant 0 : i32
    %dma_start3A_14 = tpu.memref_slice %arg2[%dma_start3A_12, %dma_start3A_13] : memref<20480x128xf32, #tpu.memory_space<hbm>> -> memref<20480x128xf32, #tpu.memory_space<hbm>>
    tpu.enqueue_indirect_dma source(%dma_start3A_14 : memref<20480x128xf32, #tpu.memory_space<hbm>>) target(%arg8 : memref<128x128xf32, #tpu.memory_space<vmem>>) offsets(%dma_start3A_11 : memref<128xi32, #tpu.memory_space<vmem>>) semaphore(%arg11 : memref<!tpu.dma_semaphore, #tpu.memory_space<semaphore_mem>>)
    %dma_start3A_15 = arith.constant 1 : i32
    %dma_start3A_16 = arith.constant 0 : i32
    %dma_start3A_17 = tpu.memref_slice %arg6[%dma_start3A_15, %dma_start3A_16] : memref<42x128xi32, #tpu.memory_space<vmem>> -> memref<1x128xi32, #tpu.memory_space<vmem>>
    %dma_start3A_18 = tpu.memref_squeeze %dma_start3A_17 : memref<1x128xi32, #tpu.memory_space<vmem>> -> memref<128xi32, #tpu.memory_space<vmem>>
    %dma_start3A_19 = arith.constant 0 : i32
    %dma_start3A_20 = arith.constant 0 : i32
    %dma_start3A_21 = tpu.memref_slice %arg2[%dma_start3A_19, %dma_start3A_20] : memref<20480x128xf32, #tpu.memory_space<hbm>> -> memref<20480x128xf32, #tpu.memory_space<hbm>>
    tpu.enqueue_indirect_dma source(%dma_start3A_21 : memref<20480x128xf32, #tpu.memory_space<hbm>>) target(%arg9 : memref<128x128xf32, #tpu.memory_space<vmem>>) offsets(%dma_start3A_18 : memref<128xi32, #tpu.memory_space<vmem>>) semaphore(%arg12 : memref<!tpu.dma_semaphore, #tpu.memory_space<semaphore_mem>>)
    %scan3A = arith.constant 0 : i32
    %scan3A_22 = arith.constant 0 : i32
    %scan3A_23 = arith.constant 20 : i32
    %scan3A_24 = arith.addi %scan3A_22, %scan3A_23 : i32
    %scan3A_25 = arith.constant 1 : i32
    %scan3A_26 = scf.for %scan3A_88 = %scan3A_22 to %scan3A_24 step %scan3A_25 iter_args(%scan3A_89 = %scan3A) -> (i32)  : i32 {
      %mul3A_90 = arith.constant 2 : i32
      %mul3A_91 = arith.muli %mul3A_90, %scan3A_88 : i32
      %dma_wait3A_92 = arith.constant 0 : i32
      %dma_wait3A_93 = tpu.memref_slice %arg6[%mul3A_91, %dma_wait3A_92] : memref<42x128xi32, #tpu.memory_space<vmem>> -> memref<1x128xi32, #tpu.memory_space<vmem>>
      %dma_wait3A_94 = tpu.memref_squeeze %dma_wait3A_93 : memref<1x128xi32, #tpu.memory_space<vmem>> -> memref<128xi32, #tpu.memory_space<vmem>>
      %dma_wait3A_95 = arith.constant 0 : i32
      %dma_wait3A_96 = arith.constant 0 : i32
      %dma_wait3A_97 = tpu.memref_slice %arg2[%dma_wait3A_95, %dma_wait3A_96] : memref<20480x128xf32, #tpu.memory_space<hbm>> -> memref<20480x128xf32, #tpu.memory_space<hbm>>
      tpu.wait_indirect_dma semaphore(%arg11 : memref<!tpu.dma_semaphore, #tpu.memory_space<semaphore_mem>>) src(%dma_wait3A_97 : memref<20480x128xf32, #tpu.memory_space<hbm>>) dst(%arg8 : memref<128x128xf32, #tpu.memory_space<vmem>>)
      "tpu.region"() ({
        %run_scoped3A = tpu.sem_alloc : memref<!tpu.dma_semaphore, #tpu.memory_space<semaphore_mem>>
        %dma_start3A_125 = arith.constant 0 : i32
        %dma_start3A_126 = tpu.memref_slice %arg7[%mul3A_91, %dma_start3A_125] : memref<40x128xi32, #tpu.memory_space<vmem>> -> memref<1x128xi32, #tpu.memory_space<vmem>>
        %dma_start3A_127 = tpu.memref_squeeze %dma_start3A_126 : memref<1x128xi32, #tpu.memory_space<vmem>> -> memref<128xi32, #tpu.memory_space<vmem>>
        %dma_start3A_128 = arith.constant 0 : i32
        %dma_start3A_129 = arith.constant 0 : i32
        %dma_start3A_130 = tpu.memref_slice %arg10[%dma_start3A_128, %dma_start3A_129] : memref<10240x128xf32, #tpu.memory_space<vmem_shared>> -> memref<10240x128xf32, #tpu.memory_space<vmem_shared>>
        tpu.enqueue_indirect_dma source(%arg8 : memref<128x128xf32, #tpu.memory_space<vmem>>) target(%dma_start3A_130 : memref<10240x128xf32, #tpu.memory_space<vmem_shared>>) offsets(%dma_start3A_127 : memref<128xi32, #tpu.memory_space<vmem>>) semaphore(%run_scoped3A : memref<!tpu.dma_semaphore, #tpu.memory_space<semaphore_mem>>) {add = true}
        %dma_wait3A_131 = arith.constant 0 : i32
        %dma_wait3A_132 = tpu.memref_slice %arg7[%mul3A_91, %dma_wait3A_131] : memref<40x128xi32, #tpu.memory_space<vmem>> -> memref<1x128xi32, #tpu.memory_space<vmem>>
        %dma_wait3A_133 = tpu.memref_squeeze %dma_wait3A_132 : memref<1x128xi32, #tpu.memory_space<vmem>> -> memref<128xi32, #tpu.memory_space<vmem>>
        %dma_wait3A_134 = arith.constant 0 : i32
        %dma_wait3A_135 = arith.constant 0 : i32
        %dma_wait3A_136 = tpu.memref_slice %arg10[%dma_wait3A_134, %dma_wait3A_135] : memref<10240x128xf32, #tpu.memory_space<vmem_shared>> -> memref<10240x128xf32, #tpu.memory_space<vmem_shared>>
        tpu.wait_indirect_dma semaphore(%run_scoped3A : memref<!tpu.dma_semaphore, #tpu.memory_space<semaphore_mem>>) src(%arg8 : memref<128x128xf32, #tpu.memory_space<vmem>>) dst(%dma_wait3A_136 : memref<10240x128xf32, #tpu.memory_space<vmem_shared>>)
        tpu.yield
      }) : () -> ()
      %add3A_98 = arith.constant 2 : i32
      %add3A_99 = arith.addi %mul3A_91, %add3A_98 : i32
      %dma_start3A_100 = arith.constant 0 : i32
      %dma_start3A_101 = tpu.memref_slice %arg6[%add3A_99, %dma_start3A_100] : memref<42x128xi32, #tpu.memory_space<vmem>> -> memref<1x128xi32, #tpu.memory_space<vmem>>
      %dma_start3A_102 = tpu.memref_squeeze %dma_start3A_101 : memref<1x128xi32, #tpu.memory_space<vmem>> -> memref<128xi32, #tpu.memory_space<vmem>>
      %dma_start3A_103 = arith.constant 0 : i32
      %dma_start3A_104 = arith.constant 0 : i32
      %dma_start3A_105 = tpu.memref_slice %arg2[%dma_start3A_103, %dma_start3A_104] : memref<20480x128xf32, #tpu.memory_space<hbm>> -> memref<20480x128xf32, #tpu.memory_space<hbm>>
      tpu.enqueue_indirect_dma source(%dma_start3A_105 : memref<20480x128xf32, #tpu.memory_space<hbm>>) target(%arg8 : memref<128x128xf32, #tpu.memory_space<vmem>>) offsets(%dma_start3A_102 : memref<128xi32, #tpu.memory_space<vmem>>) semaphore(%arg11 : memref<!tpu.dma_semaphore, #tpu.memory_space<semaphore_mem>>)
      %add3A_106 = arith.constant 1 : i32
      %add3A_107 = arith.addi %mul3A_91, %add3A_106 : i32
      %dma_wait3A_108 = arith.constant 0 : i32
      %dma_wait3A_109 = tpu.memref_slice %arg6[%add3A_107, %dma_wait3A_108] : memref<42x128xi32, #tpu.memory_space<vmem>> -> memref<1x128xi32, #tpu.memory_space<vmem>>
      %dma_wait3A_110 = tpu.memref_squeeze %dma_wait3A_109 : memref<1x128xi32, #tpu.memory_space<vmem>> -> memref<128xi32, #tpu.memory_space<vmem>>
      %dma_wait3A_111 = arith.constant 0 : i32
      %dma_wait3A_112 = arith.constant 0 : i32
      %dma_wait3A_113 = tpu.memref_slice %arg2[%dma_wait3A_111, %dma_wait3A_112] : memref<20480x128xf32, #tpu.memory_space<hbm>> -> memref<20480x128xf32, #tpu.memory_space<hbm>>
      tpu.wait_indirect_dma semaphore(%arg12 : memref<!tpu.dma_semaphore, #tpu.memory_space<semaphore_mem>>) src(%dma_wait3A_113 : memref<20480x128xf32, #tpu.memory_space<hbm>>) dst(%arg9 : memref<128x128xf32, #tpu.memory_space<vmem>>)
      %add3A_114 = arith.constant 1 : i32
      %add3A_115 = arith.addi %mul3A_91, %add3A_114 : i32
      "tpu.region"() ({
        %run_scoped3A = tpu.sem_alloc : memref<!tpu.dma_semaphore, #tpu.memory_space<semaphore_mem>>
        %dma_start3A_125 = arith.constant 0 : i32
        %dma_start3A_126 = tpu.memref_slice %arg7[%add3A_115, %dma_start3A_125] : memref<40x128xi32, #tpu.memory_space<vmem>> -> memref<1x128xi32, #tpu.memory_space<vmem>>
        %dma_start3A_127 = tpu.memref_squeeze %dma_start3A_126 : memref<1x128xi32, #tpu.memory_space<vmem>> -> memref<128xi32, #tpu.memory_space<vmem>>
        %dma_start3A_128 = arith.constant 0 : i32
        %dma_start3A_129 = arith.constant 0 : i32
        %dma_start3A_130 = tpu.memref_slice %arg10[%dma_start3A_128, %dma_start3A_129] : memref<10240x128xf32, #tpu.memory_space<vmem_shared>> -> memref<10240x128xf32, #tpu.memory_space<vmem_shared>>
        tpu.enqueue_indirect_dma source(%arg9 : memref<128x128xf32, #tpu.memory_space<vmem>>) target(%dma_start3A_130 : memref<10240x128xf32, #tpu.memory_space<vmem_shared>>) offsets(%dma_start3A_127 : memref<128xi32, #tpu.memory_space<vmem>>) semaphore(%run_scoped3A : memref<!tpu.dma_semaphore, #tpu.memory_space<semaphore_mem>>) {add = true}
        %dma_wait3A_131 = arith.constant 0 : i32
        %dma_wait3A_132 = tpu.memref_slice %arg7[%add3A_115, %dma_wait3A_131] : memref<40x128xi32, #tpu.memory_space<vmem>> -> memref<1x128xi32, #tpu.memory_space<vmem>>
        %dma_wait3A_133 = tpu.memref_squeeze %dma_wait3A_132 : memref<1x128xi32, #tpu.memory_space<vmem>> -> memref<128xi32, #tpu.memory_space<vmem>>
        %dma_wait3A_134 = arith.constant 0 : i32
        %dma_wait3A_135 = arith.constant 0 : i32
        %dma_wait3A_136 = tpu.memref_slice %arg10[%dma_wait3A_134, %dma_wait3A_135] : memref<10240x128xf32, #tpu.memory_space<vmem_shared>> -> memref<10240x128xf32, #tpu.memory_space<vmem_shared>>
        tpu.wait_indirect_dma semaphore(%run_scoped3A : memref<!tpu.dma_semaphore, #tpu.memory_space<semaphore_mem>>) src(%arg9 : memref<128x128xf32, #tpu.memory_space<vmem>>) dst(%dma_wait3A_136 : memref<10240x128xf32, #tpu.memory_space<vmem_shared>>)
        tpu.yield
      }) : () -> ()
      %add3A_116 = arith.constant 3 : i32
      %add3A_117 = arith.addi %mul3A_91, %add3A_116 : i32
      %dma_start3A_118 = arith.constant 0 : i32
      %dma_start3A_119 = tpu.memref_slice %arg6[%add3A_117, %dma_start3A_118] : memref<42x128xi32, #tpu.memory_space<vmem>> -> memref<1x128xi32, #tpu.memory_space<vmem>>
      %dma_start3A_120 = tpu.memref_squeeze %dma_start3A_119 : memref<1x128xi32, #tpu.memory_space<vmem>> -> memref<128xi32, #tpu.memory_space<vmem>>
      %dma_start3A_121 = arith.constant 0 : i32
      %dma_start3A_122 = arith.constant 0 : i32
      %dma_start3A_123 = tpu.memref_slice %arg2[%dma_start3A_121, %dma_start3A_122] : memref<20480x128xf32, #tpu.memory_space<hbm>> -> memref<20480x128xf32, #tpu.memory_space<hbm>>
      tpu.enqueue_indirect_dma source(%dma_start3A_123 : memref<20480x128xf32, #tpu.memory_space<hbm>>) target(%arg9 : memref<128x128xf32, #tpu.memory_space<vmem>>) offsets(%dma_start3A_120 : memref<128xi32, #tpu.memory_space<vmem>>) semaphore(%arg12 : memref<!tpu.dma_semaphore, #tpu.memory_space<semaphore_mem>>)
      %scan3A_124 = arith.constant 0 : i32
      scf.yield %scan3A_124 : i32
    }
    %scan3A_27 = arith.constant 20 : i32
    %dma_wait3A = arith.constant 0 : i32
    %dma_wait3A_28 = arith.constant 0 : i32
    %dma_wait3A_29 = tpu.memref_slice %arg6[%dma_wait3A, %dma_wait3A_28] : memref<42x128xi32, #tpu.memory_space<vmem>> -> memref<1x128xi32, #tpu.memory_space<vmem>>
    %dma_wait3A_30 = tpu.memref_squeeze %dma_wait3A_29 : memref<1x128xi32, #tpu.memory_space<vmem>> -> memref<128xi32, #tpu.memory_space<vmem>>
    %dma_wait3A_31 = arith.constant 0 : i32
    %dma_wait3A_32 = arith.constant 0 : i32
    %dma_wait3A_33 = tpu.memref_slice %arg2[%dma_wait3A_31, %dma_wait3A_32] : memref<20480x128xf32, #tpu.memory_space<hbm>> -> memref<20480x128xf32, #tpu.memory_space<hbm>>
    tpu.wait_indirect_dma semaphore(%arg11 : memref<!tpu.dma_semaphore, #tpu.memory_space<semaphore_mem>>) src(%dma_wait3A_33 : memref<20480x128xf32, #tpu.memory_space<hbm>>) dst(%arg8 : memref<128x128xf32, #tpu.memory_space<vmem>>)
    %dma_wait3A_34 = arith.constant 1 : i32
    %dma_wait3A_35 = arith.constant 0 : i32
    %dma_wait3A_36 = tpu.memref_slice %arg6[%dma_wait3A_34, %dma_wait3A_35] : memref<42x128xi32, #tpu.memory_space<vmem>> -> memref<1x128xi32, #tpu.memory_space<vmem>>
    %dma_wait3A_37 = tpu.memref_squeeze %dma_wait3A_36 : memref<1x128xi32, #tpu.memory_space<vmem>> -> memref<128xi32, #tpu.memory_space<vmem>>
    %dma_wait3A_38 = arith.constant 0 : i32
    %dma_wait3A_39 = arith.constant 0 : i32
    %dma_wait3A_40 = tpu.memref_slice %arg2[%dma_wait3A_38, %dma_wait3A_39] : memref<20480x128xf32, #tpu.memory_space<hbm>> -> memref<20480x128xf32, #tpu.memory_space<hbm>>
    tpu.wait_indirect_dma semaphore(%arg12 : memref<!tpu.dma_semaphore, #tpu.memory_space<semaphore_mem>>) src(%dma_wait3A_40 : memref<20480x128xf32, #tpu.memory_space<hbm>>) dst(%arg9 : memref<128x128xf32, #tpu.memory_space<vmem>>)
    %mul3A_41 = arith.constant 80 : i32
    %mul3A_42 = arith.muli %arg1, %mul3A_41 : i32
    %add3A_43 = arith.constant 40 : i32
    %add3A_44 = arith.addi %mul3A_42, %add3A_43 : i32
    "tpu.region"() ({
      %run_scoped3A = tpu.sem_alloc : memref<!tpu.dma_semaphore, #tpu.memory_space<semaphore_mem>>
      %dma_start3A_88 = arith.constant 0 : i32
      %dma_start3A_89 = arith.constant 0 : i32
      %dma_start3A_90 = tpu.memref_slice %arg6[%dma_start3A_88, %dma_start3A_89] : memref<42x128xi32, #tpu.memory_space<vmem>> -> memref<40x128xi32, #tpu.memory_space<vmem>>
      %dma_start3A_91 = arith.constant 0 : i32
      %dma_start3A_92 = tpu.memref_slice %arg3[%arg0, %add3A_44, %dma_start3A_91] : memref<2x1280x128xi32, #tpu.memory_space<hbm>> -> memref<1x40x128xi32, #tpu.memory_space<hbm>>
      %dma_start3A_93 = tpu.memref_squeeze %dma_start3A_92 : memref<1x40x128xi32, #tpu.memory_space<hbm>> -> memref<40x128xi32, #tpu.memory_space<hbm>>
      %dma_start3A_94 = arith.constant 0 : i32
      %dma_start3A_95 = arith.constant 0 : i32
      %dma_start3A_96 = tpu.memref_slice %arg6[%dma_start3A_94, %dma_start3A_95] : memref<42x128xi32, #tpu.memory_space<vmem>> -> memref<40x128xi32, #tpu.memory_space<vmem>>
      %dma_start3A_97 = arith.constant 0 : i32
      %dma_start3A_98 = tpu.memref_slice %arg3[%arg0, %add3A_44, %dma_start3A_97] : memref<2x1280x128xi32, #tpu.memory_space<hbm>> -> memref<1x40x128xi32, #tpu.memory_space<hbm>>
      %dma_start3A_99 = tpu.memref_squeeze %dma_start3A_98 : memref<1x40x128xi32, #tpu.memory_space<hbm>> -> memref<40x128xi32, #tpu.memory_space<hbm>>
      tpu.enqueue_dma source(%dma_start3A_99 : memref<40x128xi32, #tpu.memory_space<hbm>>) target(%dma_start3A_96 : memref<40x128xi32, #tpu.memory_space<vmem>>) target_semaphore(%run_scoped3A : memref<!tpu.dma_semaphore, #tpu.memory_space<semaphore_mem>>)
      %dma_wait3A_100 = arith.constant 0 : i32
      %dma_wait3A_101 = arith.constant 0 : i32
      %dma_wait3A_102 = tpu.memref_slice %arg6[%dma_wait3A_100, %dma_wait3A_101] : memref<42x128xi32, #tpu.memory_space<vmem>> -> memref<40x128xi32, #tpu.memory_space<vmem>>
      %dma_wait3A_103 = arith.constant 0 : i32
      %dma_wait3A_104 = tpu.memref_slice %arg3[%arg0, %add3A_44, %dma_wait3A_103] : memref<2x1280x128xi32, #tpu.memory_space<hbm>> -> memref<1x40x128xi32, #tpu.memory_space<hbm>>
      %dma_wait3A_105 = tpu.memref_squeeze %dma_wait3A_104 : memref<1x40x128xi32, #tpu.memory_space<hbm>> -> memref<40x128xi32, #tpu.memory_space<hbm>>
      %dma_wait3A_106 = arith.constant 0 : i32
      %dma_wait3A_107 = arith.constant 0 : i32
      %dma_wait3A_108 = tpu.memref_slice %arg6[%dma_wait3A_106, %dma_wait3A_107] : memref<42x128xi32, #tpu.memory_space<vmem>> -> memref<40x128xi32, #tpu.memory_space<vmem>>
      %dma_wait3A_109 = arith.constant 0 : i32
      %dma_wait3A_110 = tpu.memref_slice %arg3[%arg0, %add3A_44, %dma_wait3A_109] : memref<2x1280x128xi32, #tpu.memory_space<hbm>> -> memref<1x40x128xi32, #tpu.memory_space<hbm>>
      %dma_wait3A_111 = tpu.memref_squeeze %dma_wait3A_110 : memref<1x40x128xi32, #tpu.memory_space<hbm>> -> memref<40x128xi32, #tpu.memory_space<hbm>>
      tpu.wait_dma2 semaphore(%run_scoped3A : memref<!tpu.dma_semaphore, #tpu.memory_space<semaphore_mem>>) src(%dma_wait3A_111 : memref<40x128xi32, #tpu.memory_space<hbm>>) dst(%dma_wait3A_108 : memref<40x128xi32, #tpu.memory_space<vmem>>)
      tpu.yield
    }) : () -> ()
    "tpu.region"() ({
      %run_scoped3A = tpu.sem_alloc : memref<!tpu.dma_semaphore, #tpu.memory_space<semaphore_mem>>
      %dma_start3A_88 = arith.constant 40 : i32
      %dma_start3A_89 = arith.constant 0 : i32
      %dma_start3A_90 = tpu.memref_slice %arg6[%dma_start3A_88, %dma_start3A_89] : memref<42x128xi32, #tpu.memory_space<vmem>> -> memref<2x128xi32, #tpu.memory_space<vmem>>
      %dma_start3A_91 = arith.constant 0 : i32
      %dma_start3A_92 = arith.constant 0 : i32
      %dma_start3A_93 = tpu.memref_slice %arg3[%arg0, %dma_start3A_91, %dma_start3A_92] : memref<2x1280x128xi32, #tpu.memory_space<hbm>> -> memref<1x2x128xi32, #tpu.memory_space<hbm>>
      %dma_start3A_94 = tpu.memref_squeeze %dma_start3A_93 : memref<1x2x128xi32, #tpu.memory_space<hbm>> -> memref<2x128xi32, #tpu.memory_space<hbm>>
      %dma_start3A_95 = arith.constant 40 : i32
      %dma_start3A_96 = arith.constant 0 : i32
      %dma_start3A_97 = tpu.memref_slice %arg6[%dma_start3A_95, %dma_start3A_96] : memref<42x128xi32, #tpu.memory_space<vmem>> -> memref<2x128xi32, #tpu.memory_space<vmem>>
      %dma_start3A_98 = arith.constant 0 : i32
      %dma_start3A_99 = arith.constant 0 : i32
      %dma_start3A_100 = tpu.memref_slice %arg3[%arg0, %dma_start3A_98, %dma_start3A_99] : memref<2x1280x128xi32, #tpu.memory_space<hbm>> -> memref<1x2x128xi32, #tpu.memory_space<hbm>>
      %dma_start3A_101 = tpu.memref_squeeze %dma_start3A_100 : memref<1x2x128xi32, #tpu.memory_space<hbm>> -> memref<2x128xi32, #tpu.memory_space<hbm>>
      tpu.enqueue_dma source(%dma_start3A_101 : memref<2x128xi32, #tpu.memory_space<hbm>>) target(%dma_start3A_97 : memref<2x128xi32, #tpu.memory_space<vmem>>) target_semaphore(%run_scoped3A : memref<!tpu.dma_semaphore, #tpu.memory_space<semaphore_mem>>)
      %dma_wait3A_102 = arith.constant 40 : i32
      %dma_wait3A_103 = arith.constant 0 : i32
      %dma_wait3A_104 = tpu.memref_slice %arg6[%dma_wait3A_102, %dma_wait3A_103] : memref<42x128xi32, #tpu.memory_space<vmem>> -> memref<2x128xi32, #tpu.memory_space<vmem>>
      %dma_wait3A_105 = arith.constant 0 : i32
      %dma_wait3A_106 = arith.constant 0 : i32
      %dma_wait3A_107 = tpu.memref_slice %arg3[%arg0, %dma_wait3A_105, %dma_wait3A_106] : memref<2x1280x128xi32, #tpu.memory_space<hbm>> -> memref<1x2x128xi32, #tpu.memory_space<hbm>>
      %dma_wait3A_108 = tpu.memref_squeeze %dma_wait3A_107 : memref<1x2x128xi32, #tpu.memory_space<hbm>> -> memref<2x128xi32, #tpu.memory_space<hbm>>
      %dma_wait3A_109 = arith.constant 40 : i32
      %dma_wait3A_110 = arith.constant 0 : i32
      %dma_wait3A_111 = tpu.memref_slice %arg6[%dma_wait3A_109, %dma_wait3A_110] : memref<42x128xi32, #tpu.memory_space<vmem>> -> memref<2x128xi32, #tpu.memory_space<vmem>>
      %dma_wait3A_112 = arith.constant 0 : i32
      %dma_wait3A_113 = arith.constant 0 : i32
      %dma_wait3A_114 = tpu.memref_slice %arg3[%arg0, %dma_wait3A_112, %dma_wait3A_113] : memref<2x1280x128xi32, #tpu.memory_space<hbm>> -> memref<1x2x128xi32, #tpu.memory_space<hbm>>
      %dma_wait3A_115 = tpu.memref_squeeze %dma_wait3A_114 : memref<1x2x128xi32, #tpu.memory_space<hbm>> -> memref<2x128xi32, #tpu.memory_space<hbm>>
      tpu.wait_dma2 semaphore(%run_scoped3A : memref<!tpu.dma_semaphore, #tpu.memory_space<semaphore_mem>>) src(%dma_wait3A_115 : memref<2x128xi32, #tpu.memory_space<hbm>>) dst(%dma_wait3A_111 : memref<2x128xi32, #tpu.memory_space<vmem>>)
      tpu.yield
    }) : () -> ()
    "tpu.region"() ({
      %run_scoped3A = tpu.sem_alloc : memref<!tpu.dma_semaphore, #tpu.memory_space<semaphore_mem>>
      %dma_start3A_88 = arith.constant 0 : i32
      %dma_start3A_89 = tpu.memref_slice %arg4[%add3A_44, %dma_start3A_88] : memref<1280x128xi32, #tpu.memory_space<hbm>> -> memref<40x128xi32, #tpu.memory_space<hbm>>
      %dma_start3A_90 = arith.constant 0 : i32
      %dma_start3A_91 = tpu.memref_slice %arg4[%add3A_44, %dma_start3A_90] : memref<1280x128xi32, #tpu.memory_space<hbm>> -> memref<40x128xi32, #tpu.memory_space<hbm>>
      tpu.enqueue_dma source(%dma_start3A_91 : memref<40x128xi32, #tpu.memory_space<hbm>>) target(%arg7 : memref<40x128xi32, #tpu.memory_space<vmem>>) target_semaphore(%run_scoped3A : memref<!tpu.dma_semaphore, #tpu.memory_space<semaphore_mem>>)
      %dma_wait3A_92 = arith.constant 0 : i32
      %dma_wait3A_93 = tpu.memref_slice %arg4[%add3A_44, %dma_wait3A_92] : memref<1280x128xi32, #tpu.memory_space<hbm>> -> memref<40x128xi32, #tpu.memory_space<hbm>>
      %dma_wait3A_94 = arith.constant 0 : i32
      %dma_wait3A_95 = tpu.memref_slice %arg4[%add3A_44, %dma_wait3A_94] : memref<1280x128xi32, #tpu.memory_space<hbm>> -> memref<40x128xi32, #tpu.memory_space<hbm>>
      tpu.wait_dma2 semaphore(%run_scoped3A : memref<!tpu.dma_semaphore, #tpu.memory_space<semaphore_mem>>) src(%dma_wait3A_95 : memref<40x128xi32, #tpu.memory_space<hbm>>) dst(%arg7 : memref<40x128xi32, #tpu.memory_space<vmem>>)
      tpu.yield
    }) : () -> ()
    %dma_start3A_45 = arith.constant 0 : i32
    %dma_start3A_46 = arith.constant 0 : i32
    %dma_start3A_47 = tpu.memref_slice %arg6[%dma_start3A_45, %dma_start3A_46] : memref<42x128xi32, #tpu.memory_space<vmem>> -> memref<1x128xi32, #tpu.memory_space<vmem>>
    %dma_start3A_48 = tpu.memref_squeeze %dma_start3A_47 : memref<1x128xi32, #tpu.memory_space<vmem>> -> memref<128xi32, #tpu.memory_space<vmem>>
    %dma_start3A_49 = arith.constant 0 : i32
    %dma_start3A_50 = arith.constant 0 : i32
    %dma_start3A_51 = tpu.memref_slice %arg2[%dma_start3A_49, %dma_start3A_50] : memref<20480x128xf32, #tpu.memory_space<hbm>> -> memref<20480x128xf32, #tpu.memory_space<hbm>>
    tpu.enqueue_indirect_dma source(%dma_start3A_51 : memref<20480x128xf32, #tpu.memory_space<hbm>>) target(%arg8 : memref<128x128xf32, #tpu.memory_space<vmem>>) offsets(%dma_start3A_48 : memref<128xi32, #tpu.memory_space<vmem>>) semaphore(%arg11 : memref<!tpu.dma_semaphore, #tpu.memory_space<semaphore_mem>>)
    %dma_start3A_52 = arith.constant 1 : i32
    %dma_start3A_53 = arith.constant 0 : i32
    %dma_start3A_54 = tpu.memref_slice %arg6[%dma_start3A_52, %dma_start3A_53] : memref<42x128xi32, #tpu.memory_space<vmem>> -> memref<1x128xi32, #tpu.memory_space<vmem>>
    %dma_start3A_55 = tpu.memref_squeeze %dma_start3A_54 : memref<1x128xi32, #tpu.memory_space<vmem>> -> memref<128xi32, #tpu.memory_space<vmem>>
    %dma_start3A_56 = arith.constant 0 : i32
    %dma_start3A_57 = arith.constant 0 : i32
    %dma_start3A_58 = tpu.memref_slice %arg2[%dma_start3A_56, %dma_start3A_57] : memref<20480x128xf32, #tpu.memory_space<hbm>> -> memref<20480x128xf32, #tpu.memory_space<hbm>>
    tpu.enqueue_indirect_dma source(%dma_start3A_58 : memref<20480x128xf32, #tpu.memory_space<hbm>>) target(%arg9 : memref<128x128xf32, #tpu.memory_space<vmem>>) offsets(%dma_start3A_55 : memref<128xi32, #tpu.memory_space<vmem>>) semaphore(%arg12 : memref<!tpu.dma_semaphore, #tpu.memory_space<semaphore_mem>>)
    %scan3A_59 = arith.constant 0 : i32
    %scan3A_60 = arith.constant 0 : i32
    %scan3A_61 = arith.constant 20 : i32
    %scan3A_62 = arith.addi %scan3A_60, %scan3A_61 : i32
    %scan3A_63 = arith.constant 1 : i32
    %scan3A_64 = scf.for %scan3A_88 = %scan3A_60 to %scan3A_62 step %scan3A_63 iter_args(%scan3A_89 = %scan3A_59) -> (i32)  : i32 {
      %mul3A_90 = arith.constant 2 : i32
      %mul3A_91 = arith.muli %mul3A_90, %scan3A_88 : i32
      %dma_wait3A_92 = arith.constant 0 : i32
      %dma_wait3A_93 = tpu.memref_slice %arg6[%mul3A_91, %dma_wait3A_92] : memref<42x128xi32, #tpu.memory_space<vmem>> -> memref<1x128xi32, #tpu.memory_space<vmem>>
      %dma_wait3A_94 = tpu.memref_squeeze %dma_wait3A_93 : memref<1x128xi32, #tpu.memory_space<vmem>> -> memref<128xi32, #tpu.memory_space<vmem>>
      %dma_wait3A_95 = arith.constant 0 : i32
      %dma_wait3A_96 = arith.constant 0 : i32
      %dma_wait3A_97 = tpu.memref_slice %arg2[%dma_wait3A_95, %dma_wait3A_96] : memref<20480x128xf32, #tpu.memory_space<hbm>> -> memref<20480x128xf32, #tpu.memory_space<hbm>>
      tpu.wait_indirect_dma semaphore(%arg11 : memref<!tpu.dma_semaphore, #tpu.memory_space<semaphore_mem>>) src(%dma_wait3A_97 : memref<20480x128xf32, #tpu.memory_space<hbm>>) dst(%arg8 : memref<128x128xf32, #tpu.memory_space<vmem>>)
      "tpu.region"() ({
        %run_scoped3A = tpu.sem_alloc : memref<!tpu.dma_semaphore, #tpu.memory_space<semaphore_mem>>
        %dma_start3A_125 = arith.constant 0 : i32
        %dma_start3A_126 = tpu.memref_slice %arg7[%mul3A_91, %dma_start3A_125] : memref<40x128xi32, #tpu.memory_space<vmem>> -> memref<1x128xi32, #tpu.memory_space<vmem>>
        %dma_start3A_127 = tpu.memref_squeeze %dma_start3A_126 : memref<1x128xi32, #tpu.memory_space<vmem>> -> memref<128xi32, #tpu.memory_space<vmem>>
        %dma_start3A_128 = arith.constant 0 : i32
        %dma_start3A_129 = arith.constant 0 : i32
        %dma_start3A_130 = tpu.memref_slice %arg10[%dma_start3A_128, %dma_start3A_129] : memref<10240x128xf32, #tpu.memory_space<vmem_shared>> -> memref<10240x128xf32, #tpu.memory_space<vmem_shared>>
        tpu.enqueue_indirect_dma source(%arg8 : memref<128x128xf32, #tpu.memory_space<vmem>>) target(%dma_start3A_130 : memref<10240x128xf32, #tpu.memory_space<vmem_shared>>) offsets(%dma_start3A_127 : memref<128xi32, #tpu.memory_space<vmem>>) semaphore(%run_scoped3A : memref<!tpu.dma_semaphore, #tpu.memory_space<semaphore_mem>>) {add = true}
        %dma_wait3A_131 = arith.constant 0 : i32
        %dma_wait3A_132 = tpu.memref_slice %arg7[%mul3A_91, %dma_wait3A_131] : memref<40x128xi32, #tpu.memory_space<vmem>> -> memref<1x128xi32, #tpu.memory_space<vmem>>
        %dma_wait3A_133 = tpu.memref_squeeze %dma_wait3A_132 : memref<1x128xi32, #tpu.memory_space<vmem>> -> memref<128xi32, #tpu.memory_space<vmem>>
        %dma_wait3A_134 = arith.constant 0 : i32
        %dma_wait3A_135 = arith.constant 0 : i32
        %dma_wait3A_136 = tpu.memref_slice %arg10[%dma_wait3A_134, %dma_wait3A_135] : memref<10240x128xf32, #tpu.memory_space<vmem_shared>> -> memref<10240x128xf32, #tpu.memory_space<vmem_shared>>
        tpu.wait_indirect_dma semaphore(%run_scoped3A : memref<!tpu.dma_semaphore, #tpu.memory_space<semaphore_mem>>) src(%arg8 : memref<128x128xf32, #tpu.memory_space<vmem>>) dst(%dma_wait3A_136 : memref<10240x128xf32, #tpu.memory_space<vmem_shared>>)
        tpu.yield
      }) : () -> ()
      %add3A_98 = arith.constant 2 : i32
      %add3A_99 = arith.addi %mul3A_91, %add3A_98 : i32
      %dma_start3A_100 = arith.constant 0 : i32
      %dma_start3A_101 = tpu.memref_slice %arg6[%add3A_99, %dma_start3A_100] : memref<42x128xi32, #tpu.memory_space<vmem>> -> memref<1x128xi32, #tpu.memory_space<vmem>>
      %dma_start3A_102 = tpu.memref_squeeze %dma_start3A_101 : memref<1x128xi32, #tpu.memory_space<vmem>> -> memref<128xi32, #tpu.memory_space<vmem>>
      %dma_start3A_103 = arith.constant 0 : i32
      %dma_start3A_104 = arith.constant 0 : i32
      %dma_start3A_105 = tpu.memref_slice %arg2[%dma_start3A_103, %dma_start3A_104] : memref<20480x128xf32, #tpu.memory_space<hbm>> -> memref<20480x128xf32, #tpu.memory_space<hbm>>
      tpu.enqueue_indirect_dma source(%dma_start3A_105 : memref<20480x128xf32, #tpu.memory_space<hbm>>) target(%arg8 : memref<128x128xf32, #tpu.memory_space<vmem>>) offsets(%dma_start3A_102 : memref<128xi32, #tpu.memory_space<vmem>>) semaphore(%arg11 : memref<!tpu.dma_semaphore, #tpu.memory_space<semaphore_mem>>)
      %add3A_106 = arith.constant 1 : i32
      %add3A_107 = arith.addi %mul3A_91, %add3A_106 : i32
      %dma_wait3A_108 = arith.constant 0 : i32
      %dma_wait3A_109 = tpu.memref_slice %arg6[%add3A_107, %dma_wait3A_108] : memref<42x128xi32, #tpu.memory_space<vmem>> -> memref<1x128xi32, #tpu.memory_space<vmem>>
      %dma_wait3A_110 = tpu.memref_squeeze %dma_wait3A_109 : memref<1x128xi32, #tpu.memory_space<vmem>> -> memref<128xi32, #tpu.memory_space<vmem>>
      %dma_wait3A_111 = arith.constant 0 : i32
      %dma_wait3A_112 = arith.constant 0 : i32
      %dma_wait3A_113 = tpu.memref_slice %arg2[%dma_wait3A_111, %dma_wait3A_112] : memref<20480x128xf32, #tpu.memory_space<hbm>> -> memref<20480x128xf32, #tpu.memory_space<hbm>>
      tpu.wait_indirect_dma semaphore(%arg12 : memref<!tpu.dma_semaphore, #tpu.memory_space<semaphore_mem>>) src(%dma_wait3A_113 : memref<20480x128xf32, #tpu.memory_space<hbm>>) dst(%arg9 : memref<128x128xf32, #tpu.memory_space<vmem>>)
      %add3A_114 = arith.constant 1 : i32
      %add3A_115 = arith.addi %mul3A_91, %add3A_114 : i32
      "tpu.region"() ({
        %run_scoped3A = tpu.sem_alloc : memref<!tpu.dma_semaphore, #tpu.memory_space<semaphore_mem>>
        %dma_start3A_125 = arith.constant 0 : i32
        %dma_start3A_126 = tpu.memref_slice %arg7[%add3A_115, %dma_start3A_125] : memref<40x128xi32, #tpu.memory_space<vmem>> -> memref<1x128xi32, #tpu.memory_space<vmem>>
        %dma_start3A_127 = tpu.memref_squeeze %dma_start3A_126 : memref<1x128xi32, #tpu.memory_space<vmem>> -> memref<128xi32, #tpu.memory_space<vmem>>
        %dma_start3A_128 = arith.constant 0 : i32
        %dma_start3A_129 = arith.constant 0 : i32
        %dma_start3A_130 = tpu.memref_slice %arg10[%dma_start3A_128, %dma_start3A_129] : memref<10240x128xf32, #tpu.memory_space<vmem_shared>> -> memref<10240x128xf32, #tpu.memory_space<vmem_shared>>
        tpu.enqueue_indirect_dma source(%arg9 : memref<128x128xf32, #tpu.memory_space<vmem>>) target(%dma_start3A_130 : memref<10240x128xf32, #tpu.memory_space<vmem_shared>>) offsets(%dma_start3A_127 : memref<128xi32, #tpu.memory_space<vmem>>) semaphore(%run_scoped3A : memref<!tpu.dma_semaphore, #tpu.memory_space<semaphore_mem>>) {add = true}
        %dma_wait3A_131 = arith.constant 0 : i32
        %dma_wait3A_132 = tpu.memref_slice %arg7[%add3A_115, %dma_wait3A_131] : memref<40x128xi32, #tpu.memory_space<vmem>> -> memref<1x128xi32, #tpu.memory_space<vmem>>
        %dma_wait3A_133 = tpu.memref_squeeze %dma_wait3A_132 : memref<1x128xi32, #tpu.memory_space<vmem>> -> memref<128xi32, #tpu.memory_space<vmem>>
        %dma_wait3A_134 = arith.constant 0 : i32
        %dma_wait3A_135 = arith.constant 0 : i32
        %dma_wait3A_136 = tpu.memref_slice %arg10[%dma_wait3A_134, %dma_wait3A_135] : memref<10240x128xf32, #tpu.memory_space<vmem_shared>> -> memref<10240x128xf32, #tpu.memory_space<vmem_shared>>
        tpu.wait_indirect_dma semaphore(%run_scoped3A : memref<!tpu.dma_semaphore, #tpu.memory_space<semaphore_mem>>) src(%arg9 : memref<128x128xf32, #tpu.memory_space<vmem>>) dst(%dma_wait3A_136 : memref<10240x128xf32, #tpu.memory_space<vmem_shared>>)
        tpu.yield
      }) : () -> ()
      %add3A_116 = arith.constant 3 : i32
      %add3A_117 = arith.addi %mul3A_91, %add3A_116 : i32
      %dma_start3A_118 = arith.constant 0 : i32
      %dma_start3A_119 = tpu.memref_slice %arg6[%add3A_117, %dma_start3A_118] : memref<42x128xi32, #tpu.memory_space<vmem>> -> memref<1x128xi32, #tpu.memory_space<vmem>>
      %dma_start3A_120 = tpu.memref_squeeze %dma_start3A_119 : memref<1x128xi32, #tpu.memory_space<vmem>> -> memref<128xi32, #tpu.memory_space<vmem>>
      %dma_start3A_121 = arith.constant 0 : i32
      %dma_start3A_122 = arith.constant 0 : i32
      %dma_start3A_123 = tpu.memref_slice %arg2[%dma_start3A_121, %dma_start3A_122] : memref<20480x128xf32, #tpu.memory_space<hbm>> -> memref<20480x128xf32, #tpu.memory_space<hbm>>
      tpu.enqueue_indirect_dma source(%dma_start3A_123 : memref<20480x128xf32, #tpu.memory_space<hbm>>) target(%arg9 : memref<128x128xf32, #tpu.memory_space<vmem>>) offsets(%dma_start3A_120 : memref<128xi32, #tpu.memory_space<vmem>>) semaphore(%arg12 : memref<!tpu.dma_semaphore, #tpu.memory_space<semaphore_mem>>)
      %scan3A_124 = arith.constant 0 : i32
      scf.yield %scan3A_124 : i32
    }
    %scan3A_65 = arith.constant 20 : i32
    %dma_wait3A_66 = arith.constant 0 : i32
    %dma_wait3A_67 = arith.constant 0 : i32
    %dma_wait3A_68 = tpu.memref_slice %arg6[%dma_wait3A_66, %dma_wait3A_67] : memref<42x128xi32, #tpu.memory_space<vmem>> -> memref<1x128xi32, #tpu.memory_space<vmem>>
    %dma_wait3A_69 = tpu.memref_squeeze %dma_wait3A_68 : memref<1x128xi32, #tpu.memory_space<vmem>> -> memref<128xi32, #tpu.memory_space<vmem>>
    %dma_wait3A_70 = arith.constant 0 : i32
    %dma_wait3A_71 = arith.constant 0 : i32
    %dma_wait3A_72 = tpu.memref_slice %arg2[%dma_wait3A_70, %dma_wait3A_71] : memref<20480x128xf32, #tpu.memory_space<hbm>> -> memref<20480x128xf32, #tpu.memory_space<hbm>>
    tpu.wait_indirect_dma semaphore(%arg11 : memref<!tpu.dma_semaphore, #tpu.memory_space<semaphore_mem>>) src(%dma_wait3A_72 : memref<20480x128xf32, #tpu.memory_space<hbm>>) dst(%arg8 : memref<128x128xf32, #tpu.memory_space<vmem>>)
    %dma_wait3A_73 = arith.constant 1 : i32
    %dma_wait3A_74 = arith.constant 0 : i32
    %dma_wait3A_75 = tpu.memref_slice %arg6[%dma_wait3A_73, %dma_wait3A_74] : memref<42x128xi32, #tpu.memory_space<vmem>> -> memref<1x128xi32, #tpu.memory_space<vmem>>
    %dma_wait3A_76 = tpu.memref_squeeze %dma_wait3A_75 : memref<1x128xi32, #tpu.memory_space<vmem>> -> memref<128xi32, #tpu.memory_space<vmem>>
    %dma_wait3A_77 = arith.constant 0 : i32
    %dma_wait3A_78 = arith.constant 0 : i32
    %dma_wait3A_79 = tpu.memref_slice %arg2[%dma_wait3A_77, %dma_wait3A_78] : memref<20480x128xf32, #tpu.memory_space<hbm>> -> memref<20480x128xf32, #tpu.memory_space<hbm>>
    tpu.wait_indirect_dma semaphore(%arg12 : memref<!tpu.dma_semaphore, #tpu.memory_space<semaphore_mem>>) src(%dma_wait3A_79 : memref<20480x128xf32, #tpu.memory_space<hbm>>) dst(%arg9 : memref<128x128xf32, #tpu.memory_space<vmem>>)
    %barrier3A_80 = arith.constant 0 : index
    tpu.barrier barrier_id(%barrier3A_80)
    %mul3A_81 = arith.constant 640 : i32
    %mul3A_82 = arith.muli %arg1, %mul3A_81 : i32
    %mul3A_83 = arith.constant 10240 : i32
    %mul3A_84 = arith.muli %arg0, %mul3A_83 : i32
    %mul3A_85 = arith.constant 640 : i32
    %mul3A_86 = arith.muli %arg1, %mul3A_85 : i32
    %add3A_87 = arith.addi %mul3A_84, %mul3A_86 : i32
    "tpu.region"() ({
      %run_scoped3A = tpu.sem_alloc : memref<!tpu.dma_semaphore, #tpu.memory_space<semaphore_mem>>
      %dma_start3A_88 = arith.constant 0 : i32
      %dma_start3A_89 = tpu.memref_slice %arg5[%add3A_87, %dma_start3A_88] : memref<20480x128xf32, #tpu.memory_space<hbm>> -> memref<640x128xf32, #tpu.memory_space<hbm>>
      %dma_start3A_90 = arith.constant 0 : i32
      %dma_start3A_91 = tpu.memref_slice %arg10[%mul3A_82, %dma_start3A_90] : memref<10240x128xf32, #tpu.memory_space<vmem_shared>> -> memref<640x128xf32, #tpu.memory_space<vmem_shared>>
      tpu.enqueue_dma source(%dma_start3A_91 : memref<640x128xf32, #tpu.memory_space<vmem_shared>>) target(%dma_start3A_89 : memref<640x128xf32, #tpu.memory_space<hbm>>) target_semaphore(%run_scoped3A : memref<!tpu.dma_semaphore, #tpu.memory_space<semaphore_mem>>)
      %dma_wait3A_92 = arith.constant 0 : i32
      %dma_wait3A_93 = tpu.memref_slice %arg5[%add3A_87, %dma_wait3A_92] : memref<20480x128xf32, #tpu.memory_space<hbm>> -> memref<640x128xf32, #tpu.memory_space<hbm>>
      %dma_wait3A_94 = arith.constant 0 : i32
      %dma_wait3A_95 = tpu.memref_slice %arg10[%mul3A_82, %dma_wait3A_94] : memref<10240x128xf32, #tpu.memory_space<vmem_shared>> -> memref<640x128xf32, #tpu.memory_space<vmem_shared>>
      tpu.wait_dma2 semaphore(%run_scoped3A : memref<!tpu.dma_semaphore, #tpu.memory_space<semaphore_mem>>) src(%dma_wait3A_95 : memref<640x128xf32, #tpu.memory_space<vmem_shared>>) dst(%dma_wait3A_93 : memref<640x128xf32, #tpu.memory_space<hbm>>)
      tpu.yield
    }) : () -> ()
    return
  }
}

module attributes {stable_mosaic.version = 14 : i64} {
  func.func @body(%arg0: i32, %arg1: memref<256x256xf32, #tpu.memory_space<vmem>>, %arg2: memref<256x1xf32, #tpu.memory_space<vmem>>, %arg3: memref<2x256x128xf32, #tpu.memory_space<vmem>>) attributes {dimension_semantics = [#tpu.dimension_semantics<arbitrary>], iteration_bounds = array<i64: 40>, scalar_prefetch = 0 : i64, scratch_operands = 0 : i64, tpu.core_type = #tpu.core_type<tc>, window_params = [{transform_indices = @transform_0, window_bounds = array<i64: 256, 256>}, {transform_indices = @transform_1, window_bounds = array<i64: 256, 1>}, {transform_indices = @transform_2, window_bounds = array<i64: 2, 256, 128>}]} {
    %get3A = arith.constant 0 : index
    %get3A_0 = arith.constant 0 : index
    %get3A_1 = vector.load %arg1[%get3A, %get3A_0] : memref<256x256xf32, #tpu.memory_space<vmem>>, vector<256x256xf32>
    %get3A_2 = arith.constant 0 : index
    %get3A_3 = arith.constant 0 : index
    %get3A_4 = vector.load %arg2[%get3A_2, %get3A_3] : memref<256x1xf32, #tpu.memory_space<vmem>>, vector<256x1xf32>
    %mul3A = vector.broadcast %get3A_4 : vector<256x1xf32> to vector<256x256xf32>
    %mul3A_5 = arith.mulf %get3A_1, %mul3A : vector<256x256xf32>
    %slice3A = vector.extract_strided_slice %mul3A_5 {offsets = [0, 0], sizes = [256, 128], strides = [1, 1]} : vector<256x256xf32> to vector<256x128xf32>
    %swap3A = arith.constant 0 : index
    %swap3A_6 = arith.constant 0 : index
    %swap3A_7 = arith.constant 0 : index
    %swap3A_8 = vector.load %arg3[%swap3A, %swap3A_6, %swap3A_7] : memref<2x256x128xf32, #tpu.memory_space<vmem>>, vector<1x256x128xf32>
    %swap3A_9 = vector.shape_cast %swap3A_8 : vector<1x256x128xf32> to vector<256x128xf32>
    %swap3A_10 = vector.shape_cast %slice3A : vector<256x128xf32> to vector<1x256x128xf32>
    tpu.vector_store %arg3[%swap3A, %swap3A_6, %swap3A_7], %swap3A_10 {strides = array<i32>} : memref<2x256x128xf32, #tpu.memory_space<vmem>>, vector<1x256x128xf32>,
    %slice3A_11 = vector.extract_strided_slice %mul3A_5 {offsets = [0, 128], sizes = [256, 128], strides = [1, 1]} : vector<256x256xf32> to vector<256x128xf32>
    %swap3A_12 = arith.constant 1 : index
    %swap3A_13 = arith.constant 0 : index
    %swap3A_14 = arith.constant 0 : index
    %swap3A_15 = vector.load %arg3[%swap3A_12, %swap3A_13, %swap3A_14] : memref<2x256x128xf32, #tpu.memory_space<vmem>>, vector<1x256x128xf32>
    %swap3A_16 = vector.shape_cast %swap3A_15 : vector<1x256x128xf32> to vector<256x128xf32>
    %swap3A_17 = vector.shape_cast %slice3A_11 : vector<256x128xf32> to vector<1x256x128xf32>
    tpu.vector_store %arg3[%swap3A_12, %swap3A_13, %swap3A_14], %swap3A_17 {strides = array<i32>} : memref<2x256x128xf32, #tpu.memory_space<vmem>>, vector<1x256x128xf32>,
    return
  }
  func.func @transform_0(%arg0: i32) -> (i32, i32) {
    %c0_i32 = arith.constant 0 : i32
    %c0_i32_0 = arith.constant 0 : i32
    return %arg0, %c0_i32 : i32, i32
  }
  func.func @transform_1(%arg0: i32) -> (i32, i32) {
    %c0_i32 = arith.constant 0 : i32
    %c0_i32_0 = arith.constant 0 : i32
    return %arg0, %c0_i32 : i32, i32
  }
  func.func @transform_2(%arg0: i32) -> (i32, i32, i32) {
    %c0_i32 = arith.constant 0 : i32
    %c0_i32_0 = arith.constant 0 : i32
    %c0_i32_1 = arith.constant 0 : i32
    return %c0_i32, %arg0, %c0_i32_0 : i32, i32, i32
  }
}

module attributes {stable_mosaic.version = 14 : i64} {
  func.func @body(%arg0: i32, %arg1: memref<1x256x128xf32, #tpu.memory_space<vmem>>, %arg2: memref<1x256x128xf32, #tpu.memory_space<vmem>>, %arg3: memref<256x1xf32, #tpu.memory_space<vmem>>, %arg4: memref<256x512xf32, #tpu.memory_space<vmem>>, %arg5: memref<1x512xf32, #tpu.memory_space<vmem>>, %arg6: memref<512x256xf32, #tpu.memory_space<vmem>>, %arg7: memref<2x256x128xf32, #tpu.memory_space<vmem>>) attributes {dimension_semantics = [#tpu.dimension_semantics<arbitrary>], iteration_bounds = array<i64: 40>, scalar_prefetch = 0 : i64, scratch_operands = 0 : i64, tpu.core_type = #tpu.core_type<tc>, window_params = [{transform_indices = @transform_0, window_bounds = array<i64: 1, 256, 128>}, {transform_indices = @transform_1, window_bounds = array<i64: 1, 256, 128>}, {transform_indices = @transform_2, window_bounds = array<i64: 256, 1>}, {pipeline_mode = #tpu.pipeline_mode<synchronous>, transform_indices = @transform_3, window_bounds = array<i64: 256, 512>}, {pipeline_mode = #tpu.pipeline_mode<synchronous>, transform_indices = @transform_4, window_bounds = array<i64: 1, 512>}, {pipeline_mode = #tpu.pipeline_mode<synchronous>, transform_indices = @transform_5, window_bounds = array<i64: 512, 256>}, {transform_indices = @transform_6, window_bounds = array<i64: 2, 256, 128>}]} {
    %get3A = arith.constant 0 : index
    %get3A_0 = arith.constant 0 : index
    %get3A_1 = arith.constant 0 : index
    %get3A_2 = vector.load %arg1[%get3A, %get3A_0, %get3A_1] : memref<1x256x128xf32, #tpu.memory_space<vmem>>, vector<1x256x128xf32>
    %get3A_3 = vector.shape_cast %get3A_2 : vector<1x256x128xf32> to vector<256x128xf32>
    %get3A_4 = arith.constant 0 : index
    %get3A_5 = arith.constant 0 : index
    %get3A_6 = arith.constant 0 : index
    %get3A_7 = vector.load %arg2[%get3A_4, %get3A_5, %get3A_6] : memref<1x256x128xf32, #tpu.memory_space<vmem>>, vector<1x256x128xf32>
    %get3A_8 = vector.shape_cast %get3A_7 : vector<1x256x128xf32> to vector<256x128xf32>
    %concatenate3A = tpu.concatenate %get3A_3, %get3A_8 in 1 : vector<256x128xf32>, vector<256x128xf32> -> vector<256x256xf32>
    %get3A_9 = arith.constant 0 : index
    %get3A_10 = arith.constant 0 : index
    %get3A_11 = vector.load %arg3[%get3A_9, %get3A_10] : memref<256x1xf32, #tpu.memory_space<vmem>>, vector<256x1xf32>
    %mul3A = vector.broadcast %get3A_11 : vector<256x1xf32> to vector<256x256xf32>
    %mul3A_12 = arith.mulf %concatenate3A, %mul3A : vector<256x256xf32>
    %get3A_13 = arith.constant 0 : index
    %get3A_14 = arith.constant 0 : index
    %get3A_15 = vector.load %arg4[%get3A_13, %get3A_14] : memref<256x512xf32, #tpu.memory_space<vmem>>, vector<256x512xf32>
    %dot_general3A = arith.constant dense<0.000000e+00> : vector<256x512xf32>
    %dot_general3A_16 = tpu.matmul %mul3A_12, %get3A_15, %dot_general3A {dimension_numbers = #tpu.dot_dimension_numbers<[1], [0], [0], [1], [0, 0, 1, 1], [], []>, transpose_lhs_hint = false} : vector<256x256xf32>, vector<256x512xf32>, vector<256x512xf32> -> vector<256x512xf32>
    %get3A_17 = arith.constant 0 : index
    %get3A_18 = arith.constant 0 : index
    %get3A_19 = vector.load %arg5[%get3A_17, %get3A_18] : memref<1x512xf32, #tpu.memory_space<vmem>>, vector<1x512xf32>
    %add3A = vector.broadcast %get3A_19 : vector<1x512xf32> to vector<256x512xf32>
    %add3A_20 = arith.addf %dot_general3A_16, %add3A : vector<256x512xf32>
    %jit3A = arith.constant 0.000000e+00 : f32
    %jit3A_21 = arith.constant 6.000000e+00 : f32
    %max3A = vector.broadcast %jit3A : f32 to vector<256x512xf32>
    %max3A_22 = arith.maximumf %max3A, %add3A_20 : vector<256x512xf32>
    %min3A = vector.broadcast %jit3A_21 : f32 to vector<256x512xf32>
    %min3A_23 = arith.minimumf %min3A, %max3A_22 : vector<256x512xf32>
    %get3A_24 = arith.constant 0 : index
    %get3A_25 = arith.constant 0 : index
    %get3A_26 = vector.load %arg6[%get3A_24, %get3A_25] : memref<512x256xf32, #tpu.memory_space<vmem>>, vector<512x256xf32>
    %dot_general3A_27 = arith.constant dense<0.000000e+00> : vector<256x256xf32>
    %dot_general3A_28 = tpu.matmul %min3A_23, %get3A_26, %dot_general3A_27 {dimension_numbers = #tpu.dot_dimension_numbers<[1], [0], [0], [1], [0, 0, 1, 1], [], []>, transpose_lhs_hint = false} : vector<256x512xf32>, vector<512x256xf32>, vector<256x256xf32> -> vector<256x256xf32>
    %get3A_29 = arith.constant 0 : index
    %get3A_30 = arith.constant 0 : index
    %get3A_31 = vector.load %arg3[%get3A_29, %get3A_30] : memref<256x1xf32, #tpu.memory_space<vmem>>, vector<256x1xf32>
    %mul3A_32 = vector.broadcast %get3A_31 : vector<256x1xf32> to vector<256x256xf32>
    %mul3A_33 = arith.mulf %dot_general3A_28, %mul3A_32 : vector<256x256xf32>
    %slice3A = vector.extract_strided_slice %mul3A_33 {offsets = [0, 0], sizes = [256, 128], strides = [1, 1]} : vector<256x256xf32> to vector<256x128xf32>
    %swap3A = arith.constant 0 : index
    %swap3A_34 = arith.constant 0 : index
    %swap3A_35 = arith.constant 0 : index
    %swap3A_36 = vector.load %arg7[%swap3A, %swap3A_34, %swap3A_35] : memref<2x256x128xf32, #tpu.memory_space<vmem>>, vector<1x256x128xf32>
    %swap3A_37 = vector.shape_cast %swap3A_36 : vector<1x256x128xf32> to vector<256x128xf32>
    %swap3A_38 = vector.shape_cast %slice3A : vector<256x128xf32> to vector<1x256x128xf32>
    tpu.vector_store %arg7[%swap3A, %swap3A_34, %swap3A_35], %swap3A_38 {strides = array<i32>} : memref<2x256x128xf32, #tpu.memory_space<vmem>>, vector<1x256x128xf32>,
    %slice3A_39 = vector.extract_strided_slice %mul3A_33 {offsets = [0, 128], sizes = [256, 128], strides = [1, 1]} : vector<256x256xf32> to vector<256x128xf32>
    %swap3A_40 = arith.constant 1 : index
    %swap3A_41 = arith.constant 0 : index
    %swap3A_42 = arith.constant 0 : index
    %swap3A_43 = vector.load %arg7[%swap3A_40, %swap3A_41, %swap3A_42] : memref<2x256x128xf32, #tpu.memory_space<vmem>>, vector<1x256x128xf32>
    %swap3A_44 = vector.shape_cast %swap3A_43 : vector<1x256x128xf32> to vector<256x128xf32>
    %swap3A_45 = vector.shape_cast %slice3A_39 : vector<256x128xf32> to vector<1x256x128xf32>
    tpu.vector_store %arg7[%swap3A_40, %swap3A_41, %swap3A_42], %swap3A_45 {strides = array<i32>} : memref<2x256x128xf32, #tpu.memory_space<vmem>>, vector<1x256x128xf32>,
    return
  }
  func.func @transform_0(%arg0: i32) -> (i32, i32, i32) {
    %c0_i32 = arith.constant 0 : i32
    %c0_i32_0 = arith.constant 0 : i32
    %c0_i32_1 = arith.constant 0 : i32
    return %c0_i32, %arg0, %c0_i32_0 : i32, i32, i32
  }
  func.func @transform_1(%arg0: i32) -> (i32, i32, i32) {
    %c1_i32 = arith.constant 1 : i32
    %c0_i32 = arith.constant 0 : i32
    %c0_i32_0 = arith.constant 0 : i32
    return %c1_i32, %arg0, %c0_i32 : i32, i32, i32
  }
  func.func @transform_2(%arg0: i32) -> (i32, i32) {
    %c0_i32 = arith.constant 0 : i32
    %c0_i32_0 = arith.constant 0 : i32
    return %arg0, %c0_i32 : i32, i32
  }
  func.func @transform_3(%arg0: i32) -> (i32, i32) {
    %c0_i32 = arith.constant 0 : i32
    %c0_i32_0 = arith.constant 0 : i32
    %c0_i32_1 = arith.constant 0 : i32
    return %c0_i32, %c0_i32_0 : i32, i32
  }
  func.func @transform_4(%arg0: i32) -> (i32, i32) {
    %c0_i32 = arith.constant 0 : i32
    %c0_i32_0 = arith.constant 0 : i32
    %c0_i32_1 = arith.constant 0 : i32
    return %c0_i32, %c0_i32_0 : i32, i32
  }
  func.func @transform_5(%arg0: i32) -> (i32, i32) {
    %c0_i32 = arith.constant 0 : i32
    %c0_i32_0 = arith.constant 0 : i32
    %c0_i32_1 = arith.constant 0 : i32
    return %c0_i32, %c0_i32_0 : i32, i32
  }
  func.func @transform_6(%arg0: i32) -> (i32, i32, i32) {
    %c0_i32 = arith.constant 0 : i32
    %c0_i32_0 = arith.constant 0 : i32
    %c0_i32_1 = arith.constant 0 : i32
    return %c0_i32, %arg0, %c0_i32_0 : i32, i32, i32
  }
}

module attributes {stable_mosaic.version = 14 : i64} {
  func.func @body(%arg0: i32, %arg1: memref<1x256x128xf32, #tpu.memory_space<vmem>>, %arg2: memref<1x256x128xf32, #tpu.memory_space<vmem>>, %arg3: memref<256x1xf32, #tpu.memory_space<vmem>>, %arg4: memref<1x256xf32, #tpu.memory_space<vmem>>, %arg5: memref<256x128xf32, #tpu.memory_space<vmem>>, %arg6: memref<256x128xf32, #tpu.memory_space<vmem>>) attributes {dimension_semantics = [#tpu.dimension_semantics<arbitrary>], iteration_bounds = array<i64: 40>, scalar_prefetch = 0 : i64, scratch_operands = 0 : i64, tpu.core_type = #tpu.core_type<tc>, window_params = [{transform_indices = @transform_0, window_bounds = array<i64: 1, 256, 128>}, {transform_indices = @transform_1, window_bounds = array<i64: 1, 256, 128>}, {transform_indices = @transform_2, window_bounds = array<i64: 256, 1>}, {pipeline_mode = #tpu.pipeline_mode<synchronous>, transform_indices = @transform_3, window_bounds = array<i64: 1, 256>}, {pipeline_mode = #tpu.pipeline_mode<synchronous>, transform_indices = @transform_4, window_bounds = array<i64: 256, 128>}, {transform_indices = @transform_5, window_bounds = array<i64: 256, 128>}]} {
    %get3A = arith.constant 0 : index
    %get3A_0 = arith.constant 0 : index
    %get3A_1 = arith.constant 0 : index
    %get3A_2 = vector.load %arg1[%get3A, %get3A_0, %get3A_1] : memref<1x256x128xf32, #tpu.memory_space<vmem>>, vector<1x256x128xf32>
    %get3A_3 = vector.shape_cast %get3A_2 : vector<1x256x128xf32> to vector<256x128xf32>
    %get3A_4 = arith.constant 0 : index
    %get3A_5 = arith.constant 0 : index
    %get3A_6 = arith.constant 0 : index
    %get3A_7 = vector.load %arg2[%get3A_4, %get3A_5, %get3A_6] : memref<1x256x128xf32, #tpu.memory_space<vmem>>, vector<1x256x128xf32>
    %get3A_8 = vector.shape_cast %get3A_7 : vector<1x256x128xf32> to vector<256x128xf32>
    %concatenate3A = tpu.concatenate %get3A_3, %get3A_8 in 1 : vector<256x128xf32>, vector<256x128xf32> -> vector<256x256xf32>
    %get3A_9 = arith.constant 0 : index
    %get3A_10 = arith.constant 0 : index
    %get3A_11 = vector.load %arg3[%get3A_9, %get3A_10] : memref<256x1xf32, #tpu.memory_space<vmem>>, vector<256x1xf32>
    %mul3A = vector.broadcast %get3A_11 : vector<256x1xf32> to vector<256x256xf32>
    %mul3A_12 = arith.mulf %concatenate3A, %mul3A : vector<256x256xf32>
    %get3A_13 = arith.constant 0 : index
    %get3A_14 = arith.constant 0 : index
    %get3A_15 = vector.load %arg4[%get3A_13, %get3A_14] : memref<1x256xf32, #tpu.memory_space<vmem>>, vector<1x256xf32>
    %add3A = vector.broadcast %get3A_15 : vector<1x256xf32> to vector<256x256xf32>
    %add3A_16 = arith.addf %mul3A_12, %add3A : vector<256x256xf32>
    %jit3A = arith.constant 0.000000e+00 : f32
    %jit3A_17 = arith.constant 6.000000e+00 : f32
    %max3A = vector.broadcast %jit3A : f32 to vector<256x256xf32>
    %max3A_18 = arith.maximumf %max3A, %add3A_16 : vector<256x256xf32>
    %min3A = vector.broadcast %jit3A_17 : f32 to vector<256x256xf32>
    %min3A_19 = arith.minimumf %min3A, %max3A_18 : vector<256x256xf32>
    %get3A_20 = arith.constant 0 : index
    %get3A_21 = arith.constant 0 : index
    %get3A_22 = vector.load %arg5[%get3A_20, %get3A_21] : memref<256x128xf32, #tpu.memory_space<vmem>>, vector<256x128xf32>
    %dot_general3A = arith.constant dense<0.000000e+00> : vector<256x128xf32>
    %dot_general3A_23 = tpu.matmul %min3A_19, %get3A_22, %dot_general3A {dimension_numbers = #tpu.dot_dimension_numbers<[1], [0], [0], [1], [0, 0, 1, 1], [], []>, transpose_lhs_hint = false} : vector<256x256xf32>, vector<256x128xf32>, vector<256x128xf32> -> vector<256x128xf32>
    %get3A_24 = arith.constant 0 : index
    %get3A_25 = arith.constant 0 : index
    %get3A_26 = vector.load %arg3[%get3A_24, %get3A_25] : memref<256x1xf32, #tpu.memory_space<vmem>>, vector<256x1xf32>
    %mul3A_27 = vector.broadcast %get3A_26 : vector<256x1xf32> to vector<256x128xf32>
    %mul3A_28 = arith.mulf %dot_general3A_23, %mul3A_27 : vector<256x128xf32>
    %swap3A = arith.constant 0 : index
    %swap3A_29 = arith.constant 0 : index
    %swap3A_30 = vector.load %arg6[%swap3A, %swap3A_29] : memref<256x128xf32, #tpu.memory_space<vmem>>, vector<256x128xf32>
    tpu.vector_store %arg6[%swap3A, %swap3A_29], %mul3A_28 {strides = array<i32>} : memref<256x128xf32, #tpu.memory_space<vmem>>, vector<256x128xf32>,
    return
  }
  func.func @transform_0(%arg0: i32) -> (i32, i32, i32) {
    %c0_i32 = arith.constant 0 : i32
    %c0_i32_0 = arith.constant 0 : i32
    %c0_i32_1 = arith.constant 0 : i32
    return %c0_i32, %arg0, %c0_i32_0 : i32, i32, i32
  }
  func.func @transform_1(%arg0: i32) -> (i32, i32, i32) {
    %c1_i32 = arith.constant 1 : i32
    %c0_i32 = arith.constant 0 : i32
    %c0_i32_0 = arith.constant 0 : i32
    return %c1_i32, %arg0, %c0_i32 : i32, i32, i32
  }
  func.func @transform_2(%arg0: i32) -> (i32, i32) {
    %c0_i32 = arith.constant 0 : i32
    %c0_i32_0 = arith.constant 0 : i32
    return %arg0, %c0_i32 : i32, i32
  }
  func.func @transform_3(%arg0: i32) -> (i32, i32) {
    %c0_i32 = arith.constant 0 : i32
    %c0_i32_0 = arith.constant 0 : i32
    %c0_i32_1 = arith.constant 0 : i32
    return %c0_i32, %c0_i32_0 : i32, i32
  }
  func.func @transform_4(%arg0: i32) -> (i32, i32) {
    %c0_i32 = arith.constant 0 : i32
    %c0_i32_0 = arith.constant 0 : i32
    %c0_i32_1 = arith.constant 0 : i32
    return %c0_i32, %c0_i32_0 : i32, i32
  }
  func.func @transform_5(%arg0: i32) -> (i32, i32) {
    %c0_i32 = arith.constant 0 : i32
    %c0_i32_0 = arith.constant 0 : i32
    return %arg0, %c0_i32 : i32, i32
  }
}

module attributes {stable_mosaic.version = 14 : i64} {
  func.func @body(%arg0: i32, %arg1: memref<1x256x128xf32, #tpu.memory_space<vmem>>, %arg2: memref<1x256x128xf32, #tpu.memory_space<vmem>>, %arg3: memref<256x1xf32, #tpu.memory_space<vmem>>, %arg4: memref<1x128xf32, #tpu.memory_space<vmem>>, %arg5: memref<128x128xf32, #tpu.memory_space<vmem>>, %arg6: memref<1x128xf32, #tpu.memory_space<vmem>>, %arg7: memref<256x128xf32, #tpu.memory_space<vmem>>) attributes {dimension_semantics = [#tpu.dimension_semantics<arbitrary>], iteration_bounds = array<i64: 40>, scalar_prefetch = 0 : i64, scratch_operands = 0 : i64, tpu.core_type = #tpu.core_type<tc>, window_params = [{transform_indices = @transform_0, window_bounds = array<i64: 1, 256, 128>}, {transform_indices = @transform_1, window_bounds = array<i64: 1, 256, 128>}, {transform_indices = @transform_2, window_bounds = array<i64: 256, 1>}, {pipeline_mode = #tpu.pipeline_mode<synchronous>, transform_indices = @transform_3, window_bounds = array<i64: 1, 128>}, {pipeline_mode = #tpu.pipeline_mode<synchronous>, transform_indices = @transform_4, window_bounds = array<i64: 128, 128>}, {pipeline_mode = #tpu.pipeline_mode<synchronous>, transform_indices = @transform_5, window_bounds = array<i64: 1, 128>}, {transform_indices = @transform_6, window_bounds = array<i64: 256, 128>}]} {
    %get3A = arith.constant 0 : index
    %get3A_0 = arith.constant 0 : index
    %get3A_1 = arith.constant 0 : index
    %get3A_2 = vector.load %arg1[%get3A, %get3A_0, %get3A_1] : memref<1x256x128xf32, #tpu.memory_space<vmem>>, vector<1x256x128xf32>
    %get3A_3 = vector.shape_cast %get3A_2 : vector<1x256x128xf32> to vector<256x128xf32>
    %get3A_4 = arith.constant 0 : index
    %get3A_5 = arith.constant 0 : index
    %get3A_6 = arith.constant 0 : index
    %get3A_7 = vector.load %arg2[%get3A_4, %get3A_5, %get3A_6] : memref<1x256x128xf32, #tpu.memory_space<vmem>>, vector<1x256x128xf32>
    %get3A_8 = vector.shape_cast %get3A_7 : vector<1x256x128xf32> to vector<256x128xf32>
    %add3A = arith.addf %get3A_3, %get3A_8 : vector<256x128xf32>
    %get3A_9 = arith.constant 0 : index
    %get3A_10 = arith.constant 0 : index
    %get3A_11 = vector.load %arg3[%get3A_9, %get3A_10] : memref<256x1xf32, #tpu.memory_space<vmem>>, vector<256x1xf32>
    %mul3A = vector.broadcast %get3A_11 : vector<256x1xf32> to vector<256x128xf32>
    %mul3A_12 = arith.mulf %add3A, %mul3A : vector<256x128xf32>
    %get3A_13 = arith.constant 0 : index
    %get3A_14 = arith.constant 0 : index
    %get3A_15 = vector.load %arg4[%get3A_13, %get3A_14] : memref<1x128xf32, #tpu.memory_space<vmem>>, vector<1x128xf32>
    %add3A_16 = vector.broadcast %get3A_15 : vector<1x128xf32> to vector<256x128xf32>
    %add3A_17 = arith.addf %mul3A_12, %add3A_16 : vector<256x128xf32>
    %jit3A = arith.constant 0.000000e+00 : f32
    %jit3A_18 = arith.constant 6.000000e+00 : f32
    %max3A = vector.broadcast %jit3A : f32 to vector<256x128xf32>
    %max3A_19 = arith.maximumf %max3A, %add3A_17 : vector<256x128xf32>
    %min3A = vector.broadcast %jit3A_18 : f32 to vector<256x128xf32>
    %min3A_20 = arith.minimumf %min3A, %max3A_19 : vector<256x128xf32>
    %get3A_21 = arith.constant 0 : index
    %get3A_22 = arith.constant 0 : index
    %get3A_23 = vector.load %arg5[%get3A_21, %get3A_22] : memref<128x128xf32, #tpu.memory_space<vmem>>, vector<128x128xf32>
    %dot_general3A = arith.constant dense<0.000000e+00> : vector<256x128xf32>
    %dot_general3A_24 = tpu.matmul %min3A_20, %get3A_23, %dot_general3A {dimension_numbers = #tpu.dot_dimension_numbers<[1], [0], [0], [1], [0, 0, 1, 1], [], []>, transpose_lhs_hint = false} : vector<256x128xf32>, vector<128x128xf32>, vector<256x128xf32> -> vector<256x128xf32>
    %get3A_25 = arith.constant 0 : index
    %get3A_26 = arith.constant 0 : index
    %get3A_27 = vector.load %arg6[%get3A_25, %get3A_26] : memref<1x128xf32, #tpu.memory_space<vmem>>, vector<1x128xf32>
    %add3A_28 = vector.broadcast %get3A_27 : vector<1x128xf32> to vector<256x128xf32>
    %add3A_29 = arith.addf %dot_general3A_24, %add3A_28 : vector<256x128xf32>
    %logistic3A = arith.negf %add3A_29 : vector<256x128xf32>
    %logistic3A_30 = math.exp %logistic3A : vector<256x128xf32>
    %logistic3A_31 = arith.constant 1.000000e+00 : f32
    %logistic3A_32 = vector.broadcast %logistic3A_31 : f32 to vector<256x128xf32>
    %logistic3A_33 = arith.addf %logistic3A_32, %logistic3A_30 : vector<256x128xf32>
    %logistic3A_34 = arith.divf %logistic3A_32, %logistic3A_33 : vector<256x128xf32>
    %swap3A = arith.constant 0 : index
    %swap3A_35 = arith.constant 0 : index
    %swap3A_36 = vector.load %arg7[%swap3A, %swap3A_35] : memref<256x128xf32, #tpu.memory_space<vmem>>, vector<256x128xf32>
    tpu.vector_store %arg7[%swap3A, %swap3A_35], %logistic3A_34 {strides = array<i32>} : memref<256x128xf32, #tpu.memory_space<vmem>>, vector<256x128xf32>,
    return
  }
  func.func @transform_0(%arg0: i32) -> (i32, i32, i32) {
    %c0_i32 = arith.constant 0 : i32
    %c0_i32_0 = arith.constant 0 : i32
    %c0_i32_1 = arith.constant 0 : i32
    return %c0_i32, %arg0, %c0_i32_0 : i32, i32, i32
  }
  func.func @transform_1(%arg0: i32) -> (i32, i32, i32) {
    %c1_i32 = arith.constant 1 : i32
    %c0_i32 = arith.constant 0 : i32
    %c0_i32_0 = arith.constant 0 : i32
    return %c1_i32, %arg0, %c0_i32 : i32, i32, i32
  }
  func.func @transform_2(%arg0: i32) -> (i32, i32) {
    %c0_i32 = arith.constant 0 : i32
    %c0_i32_0 = arith.constant 0 : i32
    return %arg0, %c0_i32 : i32, i32
  }
  func.func @transform_3(%arg0: i32) -> (i32, i32) {
    %c0_i32 = arith.constant 0 : i32
    %c0_i32_0 = arith.constant 0 : i32
    %c0_i32_1 = arith.constant 0 : i32
    return %c0_i32, %c0_i32_0 : i32, i32
  }
  func.func @transform_4(%arg0: i32) -> (i32, i32) {
    %c0_i32 = arith.constant 0 : i32
    %c0_i32_0 = arith.constant 0 : i32
    %c0_i32_1 = arith.constant 0 : i32
    return %c0_i32, %c0_i32_0 : i32, i32
  }
  func.func @transform_5(%arg0: i32) -> (i32, i32) {
    %c0_i32 = arith.constant 0 : i32
    %c0_i32_0 = arith.constant 0 : i32
    %c0_i32_1 = arith.constant 0 : i32
    return %c0_i32, %c0_i32_0 : i32, i32
  }
  func.func @transform_6(%arg0: i32) -> (i32, i32) {
    %c0_i32 = arith.constant 0 : i32
    %c0_i32_0 = arith.constant 0 : i32
    return %arg0, %c0_i32 : i32, i32
  }
}

</mosaic_0001>

<sc_bundles>
// kernel: kernel.10.cloned.1.call-start
scs
__scs_entry_jumppad:
0x0: {  	(pc) =	sbr.rel $0x88, $3  }
0x1: {  	(tag) =	ssettag $0x0;
	lr =	simm.s32 $0x1  }
0x2: {  	[smem:$0x3F96] =	sst lr;
	_ =	strace $0xD0000000  }
0x3: {  	_ = 	snop  }
0x4: {  	_ = 	snop  }
0x5: {  	_ = 	snop  }
0x6: {  	_ = 	snop  }
0x7: {  	_ = 	snop  }
__scs_overlays_trampoline_lowered:
0x8: {  	[smem:$0x3FA5] =	sst s0  }
0x9: {  	[smem:$0x3FA6] =	sst s1  }
0xa: {  	[smem:$0x3FA7] =	sst s2  }
0xb: {  	[smem:$0x3FA8] =	sst s3  }
0xc: {  	[smem:$0x3FA9] =	sst s4  }
0xd: {  	[smem:$0x3FAA] =	sst s5  }
0xe: {  	[smem:$0x3FAB] =	sst s6  }
0xf: {  	[smem:$0x3FAC] =	sst s7  }
0x10: {  	[smem:$0x3FAD] =	sst s8  }
0x11: {  	[smem:$0x3FAE] =	sst s9;
	s0 =	simm.s32 @!p0 $0x0  }
0x12: {  	s1 =	sld [smem:$0x3F94];
	s0 =	simm.s32 @p0 $0x1  }
0x13: {  	[smem:$0x3FAF] =	sst s0;
	s0 =	simm.s32 @!p1 $0x0  }
0x14: {  	s2 =	sld [smem:$0x3F93];
	s0 =	simm.s32 @p1 $0x1  }
0x15: {  	[smem:$0x3FB0] =	sst s0;
	s0 =	simm.s32 @!p2 $0x0  }
0x16: {  	s3 =	sld [smem:$0x3FDB];
	s0 =	simm.s32 @p2 $0x1  }
0x17: {  	s4 =	simm.s32 $0x1BF5;
	[smem:$0x3FB2] =	sst s0  }
0x18: {  	s0 =	sld [smem:$0x3F95];
	_ =	swait.ge [sflag:s4], $0x0  }
0x19: {  	s7 =	sld [smem:$0x3F96]  }
0x1a: {  	s8 =	sadd.s32 $0xFFFFE003, lr  }
0x1b: {  	s9 =	sadd.s32 $0xFFFFFEF7, lr;
	s5 =	simm.s32 $0xFFFFFFFF;
	p2 =	slt.u32 s8, $0xFFFFF086  }
0x1c: {  	p1 =	slt.u32 s9, $0xF7A;
	s5 =	simm.s32 @!p2 $0x0  }
0x1d: {  	s5 =	simm.s32 @p1 $0x1;
	p0 =	seq.s32 s7, s2  }
0x1e: {  	s7 =	smul.u32 @!p0 $0xF7A, s2;
	p2 =	seq.s32 @!p0 s5, $0x0  }
0x1f: {  	s9 =	smul.u32 $0xF7A, s1;
	s8 =	simm.s32 @!p0 $0x1BF5;
	p2 =	por !p2, p0  }
0x20: {  	[sflag:s8] =	ssyncset.s32 @!p0 $0xFFFFF086;
	s6 =	sadd.s32 @!p0 s3, s7;
	s7 =	simm.s32 @!p0 $0x108  }
0x21: {  	s3 =	sadd.s32 s3, s9;
	s6 =	sadd.s32 @!p0 $0x88, s6;
	s7 =	simm.s32 @p2 $0x1082  }
0x22: {  	[simem:s7], [sflag:s8] =	dma.local @!p0 [hbm:s6], $0xF7A  }
0x23: {  	s9 =	sor.u32 $0xD0000000, s2;
	s6 =	simm.s32 $0x108;
	_ =	swait.ge @!p0 [sflag:s8], $0x0  }
0x24: {  	s3 =	sadd.s32 $0x88, s3;
	s6 =	simm.s32 @!p1 $0x1082;
	[sflag:s4] =	ssyncset.s32 $0xFFFFF086  }
0x25: {  	[simem:s6], [sflag:s4] =	dma.local [hbm:s3], $0xF7A  }
0x26: {  	[smem:$0x3F96] =	sst s1;
	(tag) =	ssettag s2;
	_ =	strace s9  }
0x27: {  	s1 =	sld [smem:$0x3FA6]  }
0x28: {  	s2 =	sld [smem:$0x3FA7]  }
0x29: {  	s4 =	sld [smem:$0x3FA9]  }
0x2a: {  	p0 =	seq.s32 s5, $0x0;
	s5 =	sld [smem:$0x3FAA]  }
0x2b: {  	s6 =	sld [smem:$0x3FAB]  }
0x2c: {  	s7 =	sld [smem:$0x3FAC]  }
0x2d: {  	s3 =	simm.s32 $0x108;
	s8 =	sld [smem:$0x3FAD]  }
0x2e: {  	s3 =	simm.s32 @!p0 $0x1082;
	s9 =	sld [smem:$0x3FAE]  }
0x2f: {  	lr =	sadd.s32 s0, s3;
	s0 =	sld [smem:$0x3FA5]  }
0x30: {  	s3 =	sld [smem:$0x3FA8]  }
0x31: {  	[smem:$0x3FB1] =	sst s10  }
0x32: {  	s10 =	sld [smem:$0x3FAF];
	_ =	sdelay $0x3  }
0x33: {  	p0 =	seq.s32 s10, $0x1;
	s10 =	sld [smem:$0x3FB1];
	_ =	sdelay $0x3  }
0x34: {  	[smem:$0x3FB1] =	sst s10  }
0x35: {  	s10 =	sld [smem:$0x3FB0];
	_ =	sdelay $0x3  }
0x36: {  	p1 =	seq.s32 s10, $0x1;
	s10 =	sld [smem:$0x3FB1];
	_ =	sdelay $0x3  }
0x37: {  	[smem:$0x3FB1] =	sst s10  }
0x38: {  	s10 =	sld [smem:$0x3FB2]  }
0x39: {  	_ = 	snop;
	(pc) =	sbr.ind lr, $3  }
0x3a: {  	_ = 	snop  }
0x3b: {  	_ = 	snop  }
0x3c: {  	p2 =	seq.s32 s10, $0x1;
	s10 =	sld [smem:$0x3FB1]  }
0x3d: {  	_ =	shalt  }
0x3e: {  	_ =	shalt  }
0x3f: {  	_ =	shalt  }
0x40: {  	_ =	shalt  }
0x41: {  	_ =	shalt  }
0x42: {  	_ =	shalt  }
0x43: {  	_ =	shalt  }
0x44: {  	_ =	shalt  }
0x45: {  	_ =	shalt  }
0x46: {  	_ =	shalt  }
0x47: {  	_ =	shalt  }
0x48: {  	_ =	shalt  }
0x49: {  	_ =	shalt  }
0x4a: {  	_ =	shalt  }
0x4b: {  	_ =	shalt  }
0x4c: {  	_ =	shalt  }
0x4d: {  	_ =	shalt  }
0x4e: {  	_ =	shalt  }
0x4f: {  	_ =	shalt  }
0x50: {  	_ =	shalt  }
0x51: {  	_ =	shalt  }
0x52: {  	_ =	shalt  }
0x53: {  	_ =	shalt  }
0x54: {  	_ =	shalt  }
0x55: {  	_ =	shalt  }
0x56: {  	_ =	shalt  }
0x57: {  	_ =	shalt  }
0x58: {  	_ =	shalt  }
0x59: {  	_ =	shalt  }
0x5a: {  	_ =	shalt  }
0x5b: {  	_ =	shalt  }
0x5c: {  	_ =	shalt  }
0x5d: {  	_ =	shalt  }
0x5e: {  	_ =	shalt  }
0x5f: {  	_ =	shalt  }
0x60: {  	_ =	shalt  }
0x61: {  	_ =	shalt  }
0x62: {  	_ =	shalt  }
0x63: {  	_ =	shalt  }
0x64: {  	_ =	shalt  }
0x65: {  	_ =	shalt  }
0x66: {  	_ =	shalt  }
0x67: {  	_ =	shalt  }
0x68: {  	_ =	shalt  }
0x69: {  	_ =	shalt  }
0x6a: {  	_ =	shalt  }
0x6b: {  	_ =	shalt  }
0x6c: {  	_ =	shalt  }
0x6d: {  	_ =	shalt  }
0x6e: {  	_ =	shalt  }
0x6f: {  	_ =	shalt  }
0x70: {  	_ =	shalt  }
0x71: {  	_ =	shalt  }
0x72: {  	_ =	shalt  }
0x73: {  	_ =	shalt  }
0x74: {  	_ =	shalt  }
0x75: {  	_ =	shalt  }
0x76: {  	_ =	shalt  }
0x77: {  	_ =	shalt  }
0x78: {  	_ =	shalt  }
0x79: {  	_ =	shalt  }
0x7a: {  	_ =	shalt  }
0x7b: {  	_ =	shalt  }
0x7c: {  	_ =	shalt  }
0x7d: {  	_ =	shalt  }
0x7e: {  	_ =	shalt  }
0x7f: {  	_ =	shalt  }
0x80: {  	_ =	shalt  }
0x81: {  	_ =	shalt  }
0x82: {  	_ =	shalt  }
0x83: {  	_ =	shalt  }
0x84: {  	_ =	shalt  }
0x85: {  	_ =	shalt  }
0x86: {  	_ =	shalt  }
0x87: {  	_ =	shalt  }
.Lfunc_end0:
.L_simem_size_0:
called_computation_lowered:
.L_overlay_start_0:
0x88: {  	s2 =	sld [smem:$0x3FD9]  }
0x89: {  	s3 =	sld [smem:$0x3FFE];
	_ =	sdelay $0x1  }
0x8a: {  	s1 =	srdreg.scid  }
0x8b: {  	s0 =	sand.u32 $0x1, s1  }
0x8c: {  	s14 =	sshll.u32 s0, $0xA;
	s2 =	sadd.s32 s3, s2  }
0x8d: {  	s2 =	sadd.s32 s2, s14  }
0x8e: {  	[smem:$0x3FBD] =	sst s2  }
0x8f: {  	_ = 	snop  }
0x90: {  	s2 =	sld [smem:$0x3FD0];
	_ =	sdelay $0x2  }
0x91: {  	s15 =	simm.s32 $0xA;
	s4 =	simm.s32 $0x10  }
0x92: {  	[smem:s4], [sflag:s15] =	dma.local [hbm:s2], $0x1  }
0x93: {  	_ =	swait.eq [sflag:s15], $0x1  }
0x94: {  	s16 =	sld [smem:$0x10];
	[sflag:s15] =	ssyncset.done $0x0  }
0x95: {  	s17 =	sld [smem:$0x11];
	[sflag:s15] =	ssyncadd.s32 $0xFFFFFFFF  }
0x96: {  	s18 =	sld [smem:$0x12];
	(tm) =	ssettm $0x1  }
0x97: {  	s5 =	sld [smem:$0x3FFB];
	_ =	sdelay $0x3  }
0x98: {  	_ =	strace s5  }
0x99: {  	s5 =	sld [smem:$0x3FFC];
	_ =	sdelay $0x3  }
0x9a: {  	_ =	strace s5  }
0x9b: {  	s5 =	sld [smem:$0x3FFD];
	_ =	sdelay $0x3  }
0x9c: {  	_ =	strace s5  }
0x9d: {  	_ =	strace $0x8FFFFFFF  }
0x9e: {  	s19 =	sld [smem:$0x3FDB];
	_ =	sdelay $0x1  }
0x9f: {  	s6 =	simm.s32 $_scs_section_size  }
0xa0: {  	s7 =	simm.s32 $_size__tile_overlayer_lowered;
	s8 =	simm.s32 $_tile_overlayer_lowered  }
0xa1: {  	s22 =	simm.s32 $0x1BFF;
	s21 =	sshll.u32 s8, $0x1;
	s5 =	sadd.s32 s6, s19  }
0xa2: {  	s9 =	simm.s32 $0x0;
	s20 =	sshll.u32 s7, $0x1;
	s7 =	sadd.s32 s21, s5  }
0xa3: {  	[timem:s9], [sflag:s22] =	dma.local [hbm:s7], s20  }
0xa4: {  	_ =	swait.ge [sflag:s22], s20  }
0xa5: {  	s6 =	ssub.s32 $0x0, s20;
	[sflag:s22] =	ssyncset.done $0x0  }
0xa6: {  	[sflag:s22] =	ssyncadd.s32 s6;
	_ =	sdelay $0x1  }
0xa7: {  	s23 =	simm.s32 $0x1B8B  }
0xa8: {  	_ =	swait.ge [sflag:s23], $0x1  }
0xa9: {  	[sflag:s23] =	ssyncset.done $0x0  }
0xaa: {  	s25 =	simm.s32 $0x1B8E;
	s24 =	sld [smem:$0x3FFE];
	[sflag:s23] =	ssyncadd.s32 $0xFFFFFFFF  }
0xab: {  	s26 =	simm.s32 $execute0_lowered;
	[smem:$0x3FD2] =	sst s25  }
0xac: {  	s7 =	sshll.u32 s26, $0x1;
	_ =	strace $0x80000046;
	[dreg:$0x1] =	wrdreg $0xFFFFFFFF  }
0xad: {  	s28 =	simm.s32 $_size_execute0_lowered;
	s5 =	sadd.s32 s5, s7;
	[dreg:$0x0] =	wrdreg $0x0  }
0xae: {  	s7 =	sshll.u32 s28, $0x1;
	[dreg:$0x2] =	wrdreg s5  }
0xaf: {  	[dreg:$0x3] =	wrdreg s7  }
0xb0: {  	[dreg:$0x4] =	wrdreg $0xC0  }
0xb1: {  	_ =	task [dreg:s9], $0x5FFFF  }
0xb2: {  	[dreg:$0x1] =	wrdreg $0xFFFFFFFF  }
0xb3: {  	[dreg:$0x0] =	wrdreg $0x60  }
0xb4: {  	[dreg:$0x2] =	wrdreg s17  }
0xb5: {  	[dreg:$0x3] =	wrdreg s24  }
0xb6: {  	[dreg:$0x4] =	wrdreg s18  }
0xb7: {  	[dreg:$0x5] =	wrdreg s16  }
0xb8: {  	[dreg:$0x6] =	wrdreg $0x14800  }
0xb9: {  	[dreg:$0x7] =	wrdreg $0x9  }
0xba: {  	_ =	task.clear_ibuf [dreg:s9], $0x8FFFF;
	_ =	strace $0x90000046  }
0xbb: {  	s29 =	simm.s32 $0x9;
	_ =	strace $0x80000048  }
0xbc: {  	_ =	swait.ge [sflag:s29], $0x1  }
0xbd: {  	[sflag:s29] =	ssyncadd.s32 $0xFFFFFFFF  }
0xbe: {  	_ =	strace $0x90000048  }
0xbf: {  	_ =	sfence  }
0xc0: {  	s30 =	sld [smem:$0x0];
	_ =	sdelay $0x2  }
0xc1: {  	s31 =	sshll.u32 s1, $0xD;
	s1 =	sshrl.u32 s1, $0x2  }
0xc2: {  	s3 =	sand.u32 $0x4000, s31;
	s1 =	sadd.s32 s1, s30  }
0xc3: {  	s0 =	sor.u32 s3, s0;
	s1 =	sshll.u32 s1, $0x11  }
0xc4: {  	s0 =	sor.u32 s1, s0  }
0xc5: {  	s0 =	sadd.s32 $0x8F2B, s0  }
0xc6: {  	[sflag:s0] =	ssyncadd.remote.s32 $0x1  }
0xc7: {  	_ =	sfence.sel $0xFFFF  }
0xc8: {  	[dreg:$0x0] =	wrdreg $0xFFFFFFFF;
	(pc) =	sbr.abs _section_cstart, $3  }
0xc9: {  	[dreg:$0x1] =	wrdreg $0xFFFFFFFF  }
0xca: {  	_ =	task.clear_ibuf [dreg:s9], $0x2FFFF;
	_ =	strace $0x9FFFFFFF  }
0xcb: {  	(tm) =	ssettm $0x7FFFFFFF  }
tec
execute0_lowered:
.L_overlay_start_1:
0x0: {  	(tag) =	ssettag $0x1  }
0x1: {  	s7 =	rddreg [dreg:$0x0]  }
0x2: {  	s5 =	rddreg [dreg:$0x1]  }
0x3: {  	s1 =	rddreg [dreg:$0x2]  }
0x4: {  	s8 =	rddreg [dreg:$0x3]  }
0x5: {  	s2 =	rddreg [dreg:$0x4]  }
0x6: {  	s0 =	rddreg [dreg:$0x5];
	s4 =	simm.s32 $0x0  }
0x7: {  	s6 =	srdreg.scid;
	s3 =	stileid.u32;
	s14 =	simm.s32 $0x0  }
0x8: {  	[smem:$0x7FF] =	sst s4;
	s6 =	sand.u32 $0x1, s6;
	s9 =	smul.u32 $0x280, s3  }
0x9: {  	s5 =	sadd.s32 $0x1200, s5;
	s31 =	sshll.u32 s3, $0x6;
	_ =	strace $0x80000047  }
0xa: {  	s10 =	ssub.s32 $0x2, s6;
	s11 =	sshll.u32 s6, $0x4;
	s6 =	smul.u32 $0x2800, s6  }
0xb: {  	s12 =	sshrl.u32 s10, $0x1;
	s11 =	sor.u32 s3, s11;
	s30 =	sadd.s32 s9, s2  }
0xc: {  	s10 =	ssub.s32 s10, s12;
	s11 =	smul.u32 $0x280, s11;
	s6 =	sadd.s32 s9, s6  }
0xd: {  	s12 =	simm.s32 $0x1400;
	s13 =	sshrl.u32 s6, $0x3;
	s6 =	sor.u32 $0x1C01, s31  }
0xe: {  	s9 =	smax.u32 s10, $0x1;
	s10 =	sshrl.u32 s30, $0x3;
	s7 =	sadd.s32 s7, s11  }
0xf: {  	s8 =	sadd.s32 s8, s13;
	s11 =	simm.s32 $0x1;
	s13 =	simm.s32 $0x80  }
.LBB2_1:
0x10: {  	[spmem:s10], [sflag:s6] =	dma.local [hbm:s1], $0x50  }
0x11: {  	_ =	swait.ge [sflag:s11], $0x50  }
0x12: {  	[sflag:s11] =	ssyncset.done $0x0  }
0x13: {  	[sflag:s11] =	ssyncadd.s32 $0xFFFFFFB0  }
0x14: {  	[tilespmem:s4], [sflag:$0x1] =	stream.linear.gather [hbm4b:s7+s4], $0x1400, $0x38;
	[tilespmem:$0x1700] =	vst v63  }
0x15: {  	_ =	swait.ge [sflag:s11], $0x1400  }
0x16: {  	[sflag:s11] =	ssyncset.done $0x0  }
0x17: {  	[sflag:s11] =	ssyncadd.s32 $0xFFFFEC00  }
0x18: {  	[tilespmem:s12], [sflag:$0x1] =	stream.linear.gather [hbm4b:s5+s4], $0x80, $0x38;
	[tilespmem:$0x1700] =	vst v63  }
0x19: {  	_ =	swait.ge [sflag:s11], $0x80  }
0x1a: {  	[sflag:s11] =	ssyncset.done $0x0  }
0x1b: {  	[sflag:s11] =	ssyncadd.s32 $0xFFFFFF80  }
0x1c: {  	s15 =	simm.s32 $0x0;
	[bflag:$0x0] =	sbarrier.arrive $0xFFFF  }
0x1d: {  	[spmem:s2] =	stream.indirect.scatter.add.f32 [tilespmem:s12], [sflag:$0x1], $0x1, s15, s13, $0xb8;
	[tilespmem:$0x1700] =	vst v63  }
0x1e: {  	_ =	swait.ge [sflag:s11], $0x80  }
0x1f: {  	s15 =	simm.s32 $0x200;
	[sflag:s11] =	ssyncset.done $0x0  }
.LBB2_2:
0x20: {  	s16 =	sshra.s32 s15, $0x2;
	[sflag:s11] =	ssyncadd.s32 $0xFFFFFF80;
	p0 =	sne.s32 s15, $0x4E00  }
0x21: {  	[spmem:s2] =	stream.indirect.scatter.add.f32 [tilespmem:s12], [sflag:$0x1], $0x1, s16, s13, $0xb8;
	[tilespmem:$0x1700] =	vst v63  }
.Ltmp0:
0x22: {  	_ = 	snop;
	(pc) =	sbr.rel @p0 .LBB2_2-.Ltmp0, $4  }
0x23: {  	_ = 	snop  }
0x24: {  	s15 =	sadd.s32 $0x200, s15  }
0x25: {  	_ =	swait.ge [sflag:s11], $0x80  }
0x26: {  	[sflag:s11] =	ssyncset.done $0x0  }
0x27: {  	s14 =	sadd.s32 $0x1, s14  }
0x28: {  	[sflag:s11] =	ssyncadd.s32 $0xFFFFFF80;
	p0 =	sne.s32 s14, s9  }
.Ltmp1:
0x29: {  	[bflag:$0x0] =	sbarrier.arrive $0xFFFF;
	(pc) =	sbr.rel @p0 .LBB2_1-.Ltmp1, $4  }
0x2a: {  	[hbm:s8], [sflag:s6] =	dma.local [spmem:s10], $0x50  }
0x2b: {  	_ =	swait.ge [sflag:s11], $0x50  }
0x2c: {  	[sflag:s11] =	ssyncset.done $0x0  }
0x2d: {  	[sflag:s11] =	ssyncadd.s32 $0xFFFFFFB0  }
0x2e: {  	_ =	sfence.sel $0x180000  }
0x2f: {  	[bflag:$0x0] =	sbarrier.arrive $0xFFFF  }
0x30: {  	p0 =	sne.s32 s3, $0x0;
	_ =	strace $0x90000047  }
0x31: {  	s0 =	sadd.s32 @!p0 $0x100000, s0;
	[bflag:$0x2] =	sbarrier.arrive $0xFFFF  }
0x32: {  	[sflag:s0] =	ssyncadd.tile.s32 @!p0 $0x1;
	_ =	shalt  }
.Lfunc_end2:
_tile_overlayer_lowered:
.L_overlay_start_2:
0x33: {  	(tag) =	ssettag $0x2  }
0x34: {  	s0 =	rddreg [dreg:$0x0];
	s2 =	stileid.u32  }
0x35: {  	s1 =	rddreg [dreg:$0x1];
	p0 =	sne.s32 s2, $0x0  }
0x36: {  	s3 =	rddreg [dreg:$0x2];
	[bflag:$0x3] =	sbarrier.arrive $0xFFFF;
	s2 =	simm.s32 @!p0 $0x1C01  }
0x37: {  	[timem:s3], [sflag:s2] =	dma.local @!p0 [hbm:s0], s1  }
0x38: {  	s0 =	simm.s32 @!p0 $0x1  }
0x39: {  	_ =	swait.ge @!p0 [sflag:s0], s1  }
0x3a: {  	s1 =	ssub.s32 @!p0 $0x0, s1;
	[sflag:s0] =	ssyncset.done @!p0 $0x0  }
0x3b: {  	[sflag:s0] =	ssyncadd.s32 @!p0 s1  }
0x3c: {  	[bflag:$0x3] =	sbarrier.arrive $0xFFFF  }
0x3d: {  	_ =	shalt  }

// kernel: kernel.13.cloned.1.call-start
scs
__scs_entry_jumppad:
0x0: {  	(pc) =	sbr.rel $0x88, $3  }
0x1: {  	(tag) =	ssettag $0x0;
	lr =	simm.s32 $0x1  }
0x2: {  	[smem:$0x3F96] =	sst lr;
	_ =	strace $0xD0000000  }
0x3: {  	_ = 	snop  }
0x4: {  	_ = 	snop  }
0x5: {  	_ = 	snop  }
0x6: {  	_ = 	snop  }
0x7: {  	_ = 	snop  }
__scs_overlays_trampoline_lowered:
0x8: {  	[smem:$0x3FA5] =	sst s0  }
0x9: {  	[smem:$0x3FA6] =	sst s1  }
0xa: {  	[smem:$0x3FA7] =	sst s2  }
0xb: {  	[smem:$0x3FA8] =	sst s3  }
0xc: {  	[smem:$0x3FA9] =	sst s4  }
0xd: {  	[smem:$0x3FAA] =	sst s5  }
0xe: {  	[smem:$0x3FAB] =	sst s6  }
0xf: {  	[smem:$0x3FAC] =	sst s7  }
0x10: {  	[smem:$0x3FAD] =	sst s8  }
0x11: {  	[smem:$0x3FAE] =	sst s9;
	s0 =	simm.s32 @!p0 $0x0  }
0x12: {  	s1 =	sld [smem:$0x3F94];
	s0 =	simm.s32 @p0 $0x1  }
0x13: {  	[smem:$0x3FAF] =	sst s0;
	s0 =	simm.s32 @!p1 $0x0  }
0x14: {  	s2 =	sld [smem:$0x3F93];
	s0 =	simm.s32 @p1 $0x1  }
0x15: {  	[smem:$0x3FB0] =	sst s0;
	s0 =	simm.s32 @!p2 $0x0  }
0x16: {  	s3 =	sld [smem:$0x3FDB];
	s0 =	simm.s32 @p2 $0x1  }
0x17: {  	s4 =	simm.s32 $0x1BF5;
	[smem:$0x3FB2] =	sst s0  }
0x18: {  	s0 =	sld [smem:$0x3F95];
	_ =	swait.ge [sflag:s4], $0x0  }
0x19: {  	s7 =	sld [smem:$0x3F96]  }
0x1a: {  	s8 =	sadd.s32 $0xFFFFE003, lr  }
0x1b: {  	s9 =	sadd.s32 $0xFFFFFEF7, lr;
	s5 =	simm.s32 $0xFFFFFFFF;
	p2 =	slt.u32 s8, $0xFFFFF086  }
0x1c: {  	p1 =	slt.u32 s9, $0xF7A;
	s5 =	simm.s32 @!p2 $0x0  }
0x1d: {  	s5 =	simm.s32 @p1 $0x1;
	p0 =	seq.s32 s7, s2  }
0x1e: {  	s7 =	smul.u32 @!p0 $0xF7A, s2;
	p2 =	seq.s32 @!p0 s5, $0x0  }
0x1f: {  	s9 =	smul.u32 $0xF7A, s1;
	s8 =	simm.s32 @!p0 $0x1BF5;
	p2 =	por !p2, p0  }
0x20: {  	[sflag:s8] =	ssyncset.s32 @!p0 $0xFFFFF086;
	s6 =	sadd.s32 @!p0 s3, s7;
	s7 =	simm.s32 @!p0 $0x108  }
0x21: {  	s3 =	sadd.s32 s3, s9;
	s6 =	sadd.s32 @!p0 $0x88, s6;
	s7 =	simm.s32 @p2 $0x1082  }
0x22: {  	[simem:s7], [sflag:s8] =	dma.local @!p0 [hbm:s6], $0xF7A  }
0x23: {  	s9 =	sor.u32 $0xD0000000, s2;
	s6 =	simm.s32 $0x108;
	_ =	swait.ge @!p0 [sflag:s8], $0x0  }
0x24: {  	s3 =	sadd.s32 $0x88, s3;
	s6 =	simm.s32 @!p1 $0x1082;
	[sflag:s4] =	ssyncset.s32 $0xFFFFF086  }
0x25: {  	[simem:s6], [sflag:s4] =	dma.local [hbm:s3], $0xF7A  }
0x26: {  	[smem:$0x3F96] =	sst s1;
	(tag) =	ssettag s2;
	_ =	strace s9  }
0x27: {  	s1 =	sld [smem:$0x3FA6]  }
0x28: {  	s2 =	sld [smem:$0x3FA7]  }
0x29: {  	s4 =	sld [smem:$0x3FA9]  }
0x2a: {  	p0 =	seq.s32 s5, $0x0;
	s5 =	sld [smem:$0x3FAA]  }
0x2b: {  	s6 =	sld [smem:$0x3FAB]  }
0x2c: {  	s7 =	sld [smem:$0x3FAC]  }
0x2d: {  	s3 =	simm.s32 $0x108;
	s8 =	sld [smem:$0x3FAD]  }
0x2e: {  	s3 =	simm.s32 @!p0 $0x1082;
	s9 =	sld [smem:$0x3FAE]  }
0x2f: {  	lr =	sadd.s32 s0, s3;
	s0 =	sld [smem:$0x3FA5]  }
0x30: {  	s3 =	sld [smem:$0x3FA8]  }
0x31: {  	[smem:$0x3FB1] =	sst s10  }
0x32: {  	s10 =	sld [smem:$0x3FAF];
	_ =	sdelay $0x3  }
0x33: {  	p0 =	seq.s32 s10, $0x1;
	s10 =	sld [smem:$0x3FB1];
	_ =	sdelay $0x3  }
0x34: {  	[smem:$0x3FB1] =	sst s10  }
0x35: {  	s10 =	sld [smem:$0x3FB0];
	_ =	sdelay $0x3  }
0x36: {  	p1 =	seq.s32 s10, $0x1;
	s10 =	sld [smem:$0x3FB1];
	_ =	sdelay $0x3  }
0x37: {  	[smem:$0x3FB1] =	sst s10  }
0x38: {  	s10 =	sld [smem:$0x3FB2]  }
0x39: {  	_ = 	snop;
	(pc) =	sbr.ind lr, $3  }
0x3a: {  	_ = 	snop  }
0x3b: {  	_ = 	snop  }
0x3c: {  	p2 =	seq.s32 s10, $0x1;
	s10 =	sld [smem:$0x3FB1]  }
0x3d: {  	_ =	shalt  }
0x3e: {  	_ =	shalt  }
0x3f: {  	_ =	shalt  }
0x40: {  	_ =	shalt  }
0x41: {  	_ =	shalt  }
0x42: {  	_ =	shalt  }
0x43: {  	_ =	shalt  }
0x44: {  	_ =	shalt  }
0x45: {  	_ =	shalt  }
0x46: {  	_ =	shalt  }
0x47: {  	_ =	shalt  }
0x48: {  	_ =	shalt  }
0x49: {  	_ =	shalt  }
0x4a: {  	_ =	shalt  }
0x4b: {  	_ =	shalt  }
0x4c: {  	_ =	shalt  }
0x4d: {  	_ =	shalt  }
0x4e: {  	_ =	shalt  }
0x4f: {  	_ =	shalt  }
0x50: {  	_ =	shalt  }
0x51: {  	_ =	shalt  }
0x52: {  	_ =	shalt  }
0x53: {  	_ =	shalt  }
0x54: {  	_ =	shalt  }
0x55: {  	_ =	shalt  }
0x56: {  	_ =	shalt  }
0x57: {  	_ =	shalt  }
0x58: {  	_ =	shalt  }
0x59: {  	_ =	shalt  }
0x5a: {  	_ =	shalt  }
0x5b: {  	_ =	shalt  }
0x5c: {  	_ =	shalt  }
0x5d: {  	_ =	shalt  }
0x5e: {  	_ =	shalt  }
0x5f: {  	_ =	shalt  }
0x60: {  	_ =	shalt  }
0x61: {  	_ =	shalt  }
0x62: {  	_ =	shalt  }
0x63: {  	_ =	shalt  }
0x64: {  	_ =	shalt  }
0x65: {  	_ =	shalt  }
0x66: {  	_ =	shalt  }
0x67: {  	_ =	shalt  }
0x68: {  	_ =	shalt  }
0x69: {  	_ =	shalt  }
0x6a: {  	_ =	shalt  }
0x6b: {  	_ =	shalt  }
0x6c: {  	_ =	shalt  }
0x6d: {  	_ =	shalt  }
0x6e: {  	_ =	shalt  }
0x6f: {  	_ =	shalt  }
0x70: {  	_ =	shalt  }
0x71: {  	_ =	shalt  }
0x72: {  	_ =	shalt  }
0x73: {  	_ =	shalt  }
0x74: {  	_ =	shalt  }
0x75: {  	_ =	shalt  }
0x76: {  	_ =	shalt  }
0x77: {  	_ =	shalt  }
0x78: {  	_ =	shalt  }
0x79: {  	_ =	shalt  }
0x7a: {  	_ =	shalt  }
0x7b: {  	_ =	shalt  }
0x7c: {  	_ =	shalt  }
0x7d: {  	_ =	shalt  }
0x7e: {  	_ =	shalt  }
0x7f: {  	_ =	shalt  }
0x80: {  	_ =	shalt  }
0x81: {  	_ =	shalt  }
0x82: {  	_ =	shalt  }
0x83: {  	_ =	shalt  }
0x84: {  	_ =	shalt  }
0x85: {  	_ =	shalt  }
0x86: {  	_ =	shalt  }
0x87: {  	_ =	shalt  }
.Lfunc_end0:
.L_simem_size_0:
called_computation.1_lowered:
.L_overlay_start_0:
0x88: {  	s2 =	sld [smem:$0x3FD9]  }
0x89: {  	s3 =	sld [smem:$0x3FFE];
	_ =	sdelay $0x1  }
0x8a: {  	s1 =	srdreg.scid  }
0x8b: {  	s0 =	sand.u32 $0x1, s1  }
0x8c: {  	s14 =	sshll.u32 s0, $0xA;
	s2 =	sadd.s32 s3, s2  }
0x8d: {  	s2 =	sadd.s32 s2, s14  }
0x8e: {  	[smem:$0x3FBD] =	sst s2  }
0x8f: {  	_ = 	snop  }
0x90: {  	s2 =	sld [smem:$0x3FD0];
	_ =	sdelay $0x2  }
0x91: {  	s15 =	simm.s32 $0xA;
	s4 =	simm.s32 $0x10  }
0x92: {  	[smem:s4], [sflag:s15] =	dma.local [hbm:s2], $0x1  }
0x93: {  	_ =	swait.eq [sflag:s15], $0x1  }
0x94: {  	[sflag:s15] =	ssyncset.done $0x0  }
0x95: {  	[sflag:s15] =	ssyncadd.s32 $0xFFFFFFFF  }
0x96: {  	s16 =	sld [smem:$0x11];
	(tm) =	ssettm $0x1  }
0x97: {  	s17 =	sld [smem:$0x3FFB];
	_ =	sdelay $0x3  }
0x98: {  	_ =	strace s17  }
0x99: {  	s3 =	sld [smem:$0x3FFC];
	_ =	sdelay $0x3  }
0x9a: {  	_ =	strace s3  }
0x9b: {  	s3 =	sld [smem:$0x3FFD];
	_ =	sdelay $0x3  }
0x9c: {  	_ =	strace s3  }
0x9d: {  	_ =	strace $0x8FFFFFFF  }
0x9e: {  	s18 =	sld [smem:$0x3FDB];
	_ =	sdelay $0x1  }
0x9f: {  	s19 =	simm.s32 $_scs_section_size  }
0xa0: {  	s5 =	simm.s32 $_size__tile_overlayer_lowered;
	s6 =	simm.s32 $_tile_overlayer_lowered  }
0xa1: {  	s22 =	simm.s32 $0x1BFF;
	s21 =	sshll.u32 s6, $0x1;
	s3 =	sadd.s32 s19, s18  }
0xa2: {  	s7 =	simm.s32 $0x0;
	s20 =	sshll.u32 s5, $0x1;
	s5 =	sadd.s32 s21, s3  }
0xa3: {  	[timem:s7], [sflag:s22] =	dma.local [hbm:s5], s20  }
0xa4: {  	_ =	swait.ge [sflag:s22], s20  }
0xa5: {  	s4 =	ssub.s32 $0x0, s20;
	[sflag:s22] =	ssyncset.done $0x0  }
0xa6: {  	[sflag:s22] =	ssyncadd.s32 s4;
	_ =	sdelay $0x1  }
0xa7: {  	s23 =	simm.s32 $0x1B8B  }
0xa8: {  	_ =	swait.ge [sflag:s23], $0x1  }
0xa9: {  	[sflag:s23] =	ssyncset.done $0x0  }
0xaa: {  	s25 =	simm.s32 $0x1B8E;
	s24 =	sld [smem:$0x3FFE];
	[sflag:s23] =	ssyncadd.s32 $0xFFFFFFFF  }
0xab: {  	s26 =	simm.s32 $execute0_lowered;
	[smem:$0x3FD2] =	sst s25  }
0xac: {  	s5 =	sshll.u32 s26, $0x1;
	_ =	strace $0x80000049;
	[dreg:$0x1] =	wrdreg $0xFFFFFFFF  }
0xad: {  	s28 =	simm.s32 $_size_execute0_lowered;
	s3 =	sadd.s32 s3, s5;
	[dreg:$0x0] =	wrdreg $0x0  }
0xae: {  	s5 =	sshll.u32 s28, $0x1;
	[dreg:$0x2] =	wrdreg s3  }
0xaf: {  	[dreg:$0x3] =	wrdreg s5  }
0xb0: {  	[dreg:$0x4] =	wrdreg $0xC0  }
0xb1: {  	_ =	task [dreg:s7], $0x5FFFF  }
0xb2: {  	[dreg:$0x1] =	wrdreg $0xFFFFFFFF  }
0xb3: {  	[dreg:$0x0] =	wrdreg $0x60  }
0xb4: {  	[dreg:$0x2] =	wrdreg s24  }
0xb5: {  	[dreg:$0x3] =	wrdreg s16  }
0xb6: {  	[dreg:$0x4] =	wrdreg $0xAC000  }
0xb7: {  	[dreg:$0x5] =	wrdreg $0x9  }
0xb8: {  	_ =	task.clear_ibuf [dreg:s7], $0x6FFFF;
	_ =	strace $0x90000049  }
0xb9: {  	s29 =	simm.s32 $0x9;
	_ =	strace $0x8000004B  }
0xba: {  	_ =	swait.ge [sflag:s29], $0x1  }
0xbb: {  	[sflag:s29] =	ssyncadd.s32 $0xFFFFFFFF  }
0xbc: {  	_ =	strace $0x9000004B  }
0xbd: {  	_ =	sfence  }
0xbe: {  	s30 =	sld [smem:$0x0];
	_ =	sdelay $0x2  }
0xbf: {  	s31 =	sshll.u32 s1, $0xD;
	s1 =	sshrl.u32 s1, $0x2  }
0xc0: {  	s3 =	sand.u32 $0x4000, s31;
	s1 =	sadd.s32 s1, s30  }
0xc1: {  	s0 =	sor.u32 s3, s0;
	s1 =	sshll.u32 s1, $0x11  }
0xc2: {  	s0 =	sor.u32 s1, s0  }
0xc3: {  	s0 =	sadd.s32 $0x8F2B, s0  }
0xc4: {  	[sflag:s0] =	ssyncadd.remote.s32 $0x1  }
0xc5: {  	_ =	sfence.sel $0xFFFF  }
0xc6: {  	[dreg:$0x0] =	wrdreg $0xFFFFFFFF;
	(pc) =	sbr.abs _section_cstart, $3  }
0xc7: {  	[dreg:$0x1] =	wrdreg $0xFFFFFFFF  }
0xc8: {  	_ =	task.clear_ibuf [dreg:s7], $0x2FFFF;
	_ =	strace $0x9FFFFFFF  }
0xc9: {  	(tm) =	ssettm $0x7FFFFFFF  }
tec
execute0_lowered:
.L_overlay_start_1:
0x0: {  	(tag) =	ssettag $0x1  }
0x1: {  	s5 =	rddreg [dreg:$0x0]  }
0x2: {  	s11 =	rddreg [dreg:$0x1];
	s0 =	srdreg.scid  }
0x3: {  	s2 =	rddreg [dreg:$0x2];
	s1 =	stileid.u32  }
0x4: {  	s3 =	simm.s32 $0x0;
	s18 =	simm.s32 $0x80;
	s19 =	simm.s32 $0x2C00  }
0x5: {  	s20 =	simm.s32 $0x6C00;
	s21 =	simm.s32 $0x1;
	s22 =	simm.s32 $0x2  }
0x6: {  	s6 =	sand.u32 $0x1, s0;
	s0 =	rddreg [dreg:$0x3];
	s8 =	smul.u32 $0x280, s1  }
0x7: {  	s23 =	simm.s32 $0x0;
	[smem:$0x7FF] =	sst s3;
	s25 =	smul.u32 $0x50000, s1  }
0x8: {  	s4 =	sadd.s32 $0x10400, s5;
	s10 =	sadd.s32 $0x6400, s5;
	s13 =	smul.u32 $0x2800, s1  }
0x9: {  	s29 =	sshll.u32 s1, $0x6;
	s7 =	smul.u32 $0x2800, s6;
	_ =	strace $0x8000004A  }
0xa: {  	s26 =	ssub.s32 $0x2, s6;
	s9 =	smul.u32 $0x28000, s6;
	s6 =	sor.u32 $0x1C03, s29  }
0xb: {  	s28 =	sshrl.u32 s26, $0x1;
	s16 =	sadd.s32 $0x1400, s13;
	s7 =	sadd.s32 s8, s7  }
0xc: {  	s8 =	sshrl.u32 s25, $0x2;
	s14 =	ssub.s32 s26, s28;
	s30 =	sadd.s32 s13, s9  }
0xd: {  	s31 =	sshrl.u32 s9, $0x3;
	s9 =	sadd.s32 s9, s16;
	s13 =	sshrl.u32 s13, $0x3  }
0xe: {  	s16 =	sshrl.u32 s16, $0x3;
	s7 =	sshll.u32 s7, $0x4;
	s15 =	sadd.s32 s8, s2  }
0xf: {  	s8 =	sadd.s32 s10, s31;
	s17 =	sshrl.u32 s9, $0x3;
	s9 =	sadd.s32 s11, s13  }
0x10: {  	s11 =	sadd.s32 s11, s16;
	s13 =	smax.u32 s14, $0x1;
	s16 =	simm.s32 $0x1400  }
0x11: {  	s12 =	sadd.s32 s7, s5;
	s5 =	sadd.s32 s4, s7;
	s7 =	sshrl.u32 s30, $0x3  }
0x12: {  	s14 =	sshrl.u32 s15, $0x3;
	s15 =	simm.s32 $0x3;
	s7 =	sadd.s32 s10, s7  }
0x13: {  	s10 =	sadd.s32 s10, s17;
	s12 =	sadd.s32 $0x60400, s12;
	s17 =	simm.s32 $0x1800  }
.LBB2_1:
0x14: {  	[spmem:s14], [sflag:s6] =	dma.local [hbm:s5], $0x2800  }
0x15: {  	_ =	swait.ge [sflag:s15], $0x2800  }
0x16: {  	[sflag:s15] =	ssyncset.done $0x0  }
0x17: {  	[sflag:s15] =	ssyncadd.s32 $0xFFFFD800  }
0x18: {  	[bflag:$0x0] =	sbarrier.arrive $0xFFFF  }
0x19: {  	[tilespmem:s3], [sflag:$0x3] =	stream.linear.gather [hbm4b:s7+s3], $0x1400, $0x38;
	[tilespmem:$0x1EC00] =	vst v63  }
0x1a: {  	_ =	swait.ge [sflag:s15], $0x1400  }
0x1b: {  	[sflag:s15] =	ssyncset.done $0x0  }
0x1c: {  	[sflag:s15] =	ssyncadd.s32 $0xFFFFEC00  }
0x1d: {  	[tilespmem:s16], [sflag:$0x3] =	stream.linear.gather [hbm4b:s8+s3], $0x100, $0x38;
	[tilespmem:$0x1EC00] =	vst v63  }
0x1e: {  	_ =	swait.ge [sflag:s15], $0x100  }
0x1f: {  	[sflag:s15] =	ssyncset.done $0x0  }
0x20: {  	[sflag:s15] =	ssyncadd.s32 $0xFFFFFF00  }
0x21: {  	[tilespmem:s17], [sflag:$0x3] =	stream.linear.gather [hbm4b:s9+s3], $0x1400, $0x38;
	[tilespmem:$0x1EC00] =	vst v63  }
0x22: {  	_ =	swait.ge [sflag:s15], $0x1400  }
0x23: {  	[sflag:s15] =	ssyncset.done $0x0  }
0x24: {  	[sflag:s15] =	ssyncadd.s32 $0xFFFFEC00  }
0x25: {  	[tilespmem:s19], [sflag:$0x1] =	stream.indirect.gather [hbm4b:s4+s18], $0x80, s3, s18, $0xb8;
	[tilespmem:$0x1EC00] =	vst v63  }
0x26: {  	_ = 	snop  }
0x27: {  	[tilespmem:s20], [sflag:$0x2] =	stream.indirect.gather [hbm4b:s4+s18], $0x80, s18, s18, $0xb8;
	[tilespmem:$0x1EC00] =	vst v63  }
0x28: {  	_ =	swait.ge [sflag:s21], $0x4000  }
0x29: {  	[sflag:s21] =	ssyncset.done $0x0  }
0x2a: {  	s24 =	simm.s32 $0x1800;
	[sflag:s21] =	ssyncadd.s32 $0xFFFFC000  }
0x2b: {  	[spmem:s2] =	stream.indirect.scatter.add.f32 [tilespmem:s19], [sflag:$0x3], $0x80, s24, s18, $0xb8;
	[tilespmem:$0x1EC00] =	vst v63  }
0x2c: {  	_ =	swait.ge [sflag:s15], $0x4000  }
0x2d: {  	[sflag:s15] =	ssyncset.done $0x0  }
0x2e: {  	s30 =	simm.s32 $0x100;
	[sflag:s15] =	ssyncadd.s32 $0xFFFFC000  }
0x2f: {  	[tilespmem:s19], [sflag:$0x1] =	stream.indirect.gather [hbm4b:s4+s18], $0x80, s30, s18, $0xb8;
	[tilespmem:$0x1EC00] =	vst v63  }
0x30: {  	_ =	swait.ge [sflag:s22], $0x4000  }
0x31: {  	[sflag:s22] =	ssyncset.done $0x0  }
0x32: {  	s31 =	simm.s32 $0x1880;
	[sflag:s22] =	ssyncadd.s32 $0xFFFFC000  }
0x33: {  	[spmem:s2] =	stream.indirect.scatter.add.f32 [tilespmem:s20], [sflag:$0x3], $0x80, s31, s18, $0xb8;
	[tilespmem:$0x1EC00] =	vst v63  }
0x34: {  	_ =	swait.ge [sflag:s15], $0x4000  }
0x35: {  	[sflag:s15] =	ssyncset.done $0x0  }
0x36: {  	s25 =	simm.s32 $0x180;
	s24 =	simm.s32 $0x400;
	[sflag:s15] =	ssyncadd.s32 $0xFFFFC000  }
.LBB2_2:
0x37: {  	[tilespmem:s20], [sflag:$0x2] =	stream.indirect.gather [hbm4b:s4+s18], $0x80, s25, s18, $0xb8;
	[tilespmem:$0x1EC00] =	vst v63  }
0x38: {  	s25 =	smov.u32 s24  }
0x39: {  	p0 =	sne.s32 s24, $0x4C00;
	s24 =	sadd.s32 $0x400, s24;
	_ =	swait.ge [sflag:s21], $0x4000  }
0x3a: {  	s25 =	sshra.s32 s25, $0x2;
	[sflag:s21] =	ssyncset.done $0x0  }
0x3b: {  	s26 =	sadd.s32 $0x1800, s25;
	[sflag:s21] =	ssyncadd.s32 $0xFFFFC000  }
0x3c: {  	[spmem:s2] =	stream.indirect.scatter.add.f32 [tilespmem:s19], [sflag:$0x3], $0x80, s26, s18, $0xb8;
	[tilespmem:$0x1EC00] =	vst v63  }
0x3d: {  	_ =	swait.ge [sflag:s15], $0x4000  }
0x3e: {  	[sflag:s15] =	ssyncset.done $0x0  }
0x3f: {  	s26 =	sadd.s32 $0x100, s25;
	[sflag:s15] =	ssyncadd.s32 $0xFFFFC000  }
0x40: {  	[tilespmem:s19], [sflag:$0x1] =	stream.indirect.gather [hbm4b:s4+s18], $0x80, s26, s18, $0xb8;
	[tilespmem:$0x1EC00] =	vst v63  }
0x41: {  	_ =	swait.ge [sflag:s22], $0x4000  }
0x42: {  	[sflag:s22] =	ssyncset.done $0x0  }
.Ltmp0:
0x43: {  	s26 =	sadd.s32 $0x1880, s25;
	[sflag:s22] =	ssyncadd.s32 $0xFFFFC000;
	(pc) =	sbr.rel @p0 .LBB2_2-.Ltmp0, $4  }
0x44: {  	[spmem:s2] =	stream.indirect.scatter.add.f32 [tilespmem:s20], [sflag:$0x3], $0x80, s26, s18, $0xb8;
	[tilespmem:$0x1EC00] =	vst v63  }
0x45: {  	_ =	swait.ge [sflag:s15], $0x4000  }
0x46: {  	[sflag:s15] =	ssyncset.done $0x0  }
0x47: {  	s25 =	sadd.s32 $0x180, s25;
	[sflag:s15] =	ssyncadd.s32 $0xFFFFC000  }
0x48: {  	[tilespmem:s20], [sflag:$0x2] =	stream.indirect.gather [hbm4b:s4+s18], $0x80, s25, s18, $0xb8;
	[tilespmem:$0x1EC00] =	vst v63  }
0x49: {  	_ =	swait.ge [sflag:s21], $0x4000  }
0x4a: {  	[sflag:s21] =	ssyncset.done $0x0  }
0x4b: {  	[sflag:s21] =	ssyncadd.s32 $0xFFFFC000  }
0x4c: {  	_ =	swait.ge [sflag:s22], $0x4000  }
0x4d: {  	[sflag:s22] =	ssyncset.done $0x0  }
0x4e: {  	s24 =	simm.s32 $0x0;
	[sflag:s22] =	ssyncadd.s32 $0xFFFFC000  }
0x4f: {  	[tilespmem:s24], [sflag:$0x3] =	stream.linear.gather [hbm4b:s10+s24], $0x1400, $0x38;
	[tilespmem:$0x1EC00] =	vst v63  }
0x50: {  	_ =	swait.ge [sflag:s15], $0x1400  }
0x51: {  	[sflag:s15] =	ssyncset.done $0x0  }
0x52: {  	[sflag:s15] =	ssyncadd.s32 $0xFFFFEC00  }
0x53: {  	[tilespmem:s16], [sflag:$0x3] =	stream.linear.gather [hbm4b:s8+s24], $0x100, $0x38;
	[tilespmem:$0x1EC00] =	vst v63  }
0x54: {  	_ =	swait.ge [sflag:s15], $0x100  }
0x55: {  	[sflag:s15] =	ssyncset.done $0x0  }
0x56: {  	[sflag:s15] =	ssyncadd.s32 $0xFFFFFF00  }
0x57: {  	[tilespmem:s17], [sflag:$0x3] =	stream.linear.gather [hbm4b:s11+s24], $0x1400, $0x38;
	[tilespmem:$0x1EC00] =	vst v63  }
0x58: {  	_ =	swait.ge [sflag:s15], $0x1400  }
0x59: {  	[sflag:s15] =	ssyncset.done $0x0  }
0x5a: {  	[sflag:s15] =	ssyncadd.s32 $0xFFFFEC00  }
0x5b: {  	[tilespmem:s19], [sflag:$0x1] =	stream.indirect.gather [hbm4b:s4+s18], $0x80, s24, s18, $0xb8;
	[tilespmem:$0x1EC00] =	vst v63  }
0x5c: {  	_ = 	snop  }
0x5d: {  	[tilespmem:s20], [sflag:$0x2] =	stream.indirect.gather [hbm4b:s4+s18], $0x80, s18, s18, $0xb8;
	[tilespmem:$0x1EC00] =	vst v63  }
0x5e: {  	_ =	swait.ge [sflag:s21], $0x4000  }
0x5f: {  	[sflag:s21] =	ssyncset.done $0x0  }
0x60: {  	s29 =	simm.s32 $0x1800;
	[sflag:s21] =	ssyncadd.s32 $0xFFFFC000  }
0x61: {  	[spmem:s2] =	stream.indirect.scatter.add.f32 [tilespmem:s19], [sflag:$0x3], $0x80, s29, s18, $0xb8;
	[tilespmem:$0x1EC00] =	vst v63  }
0x62: {  	_ =	swait.ge [sflag:s15], $0x4000  }
0x63: {  	[sflag:s15] =	ssyncset.done $0x0  }
0x64: {  	s30 =	simm.s32 $0x100;
	[sflag:s15] =	ssyncadd.s32 $0xFFFFC000  }
0x65: {  	[tilespmem:s19], [sflag:$0x1] =	stream.indirect.gather [hbm4b:s4+s18], $0x80, s30, s18, $0xb8;
	[tilespmem:$0x1EC00] =	vst v63  }
0x66: {  	_ =	swait.ge [sflag:s22], $0x4000  }
0x67: {  	[sflag:s22] =	ssyncset.done $0x0  }
0x68: {  	s31 =	simm.s32 $0x1880;
	[sflag:s22] =	ssyncadd.s32 $0xFFFFC000  }
0x69: {  	[spmem:s2] =	stream.indirect.scatter.add.f32 [tilespmem:s20], [sflag:$0x3], $0x80, s31, s18, $0xb8;
	[tilespmem:$0x1EC00] =	vst v63  }
0x6a: {  	_ =	swait.ge [sflag:s15], $0x4000  }
0x6b: {  	[sflag:s15] =	ssyncset.done $0x0  }
0x6c: {  	s25 =	simm.s32 $0x180;
	s24 =	simm.s32 $0x400;
	[sflag:s15] =	ssyncadd.s32 $0xFFFFC000  }
.LBB2_4:
0x6d: {  	[tilespmem:s20], [sflag:$0x2] =	stream.indirect.gather [hbm4b:s4+s18], $0x80, s25, s18, $0xb8;
	[tilespmem:$0x1EC00] =	vst v63  }
0x6e: {  	s25 =	smov.u32 s24  }
0x6f: {  	p0 =	sne.s32 s24, $0x4C00;
	s24 =	sadd.s32 $0x400, s24;
	_ =	swait.ge [sflag:s21], $0x4000  }
0x70: {  	s25 =	sshra.s32 s25, $0x2;
	[sflag:s21] =	ssyncset.done $0x0  }
0x71: {  	s26 =	sadd.s32 $0x1800, s25;
	[sflag:s21] =	ssyncadd.s32 $0xFFFFC000  }
0x72: {  	[spmem:s2] =	stream.indirect.scatter.add.f32 [tilespmem:s19], [sflag:$0x3], $0x80, s26, s18, $0xb8;
	[tilespmem:$0x1EC00] =	vst v63  }
0x73: {  	_ =	swait.ge [sflag:s15], $0x4000  }
0x74: {  	[sflag:s15] =	ssyncset.done $0x0  }
0x75: {  	s26 =	sadd.s32 $0x100, s25;
	[sflag:s15] =	ssyncadd.s32 $0xFFFFC000  }
0x76: {  	[tilespmem:s19], [sflag:$0x1] =	stream.indirect.gather [hbm4b:s4+s18], $0x80, s26, s18, $0xb8;
	[tilespmem:$0x1EC00] =	vst v63  }
0x77: {  	_ =	swait.ge [sflag:s22], $0x4000  }
0x78: {  	[sflag:s22] =	ssyncset.done $0x0  }
.Ltmp1:
0x79: {  	s26 =	sadd.s32 $0x1880, s25;
	[sflag:s22] =	ssyncadd.s32 $0xFFFFC000;
	(pc) =	sbr.rel @p0 .LBB2_4-.Ltmp1, $4  }
0x7a: {  	[spmem:s2] =	stream.indirect.scatter.add.f32 [tilespmem:s20], [sflag:$0x3], $0x80, s26, s18, $0xb8;
	[tilespmem:$0x1EC00] =	vst v63  }
0x7b: {  	_ =	swait.ge [sflag:s15], $0x4000  }
0x7c: {  	[sflag:s15] =	ssyncset.done $0x0  }
0x7d: {  	s25 =	sadd.s32 $0x180, s25;
	[sflag:s15] =	ssyncadd.s32 $0xFFFFC000  }
0x7e: {  	[tilespmem:s20], [sflag:$0x2] =	stream.indirect.gather [hbm4b:s4+s18], $0x80, s25, s18, $0xb8;
	[tilespmem:$0x1EC00] =	vst v63  }
0x7f: {  	_ =	swait.ge [sflag:s21], $0x4000  }
0x80: {  	[sflag:s21] =	ssyncset.done $0x0  }
0x81: {  	[sflag:s21] =	ssyncadd.s32 $0xFFFFC000  }
0x82: {  	_ =	swait.ge [sflag:s22], $0x4000  }
0x83: {  	s23 =	sadd.s32 $0x1, s23;
	[sflag:s22] =	ssyncset.done $0x0  }
0x84: {  	p0 =	sne.s32 s23, s13;
	[sflag:s22] =	ssyncadd.s32 $0xFFFFC000  }
.Ltmp2:
0x85: {  	[bflag:$0x0] =	sbarrier.arrive $0xFFFF;
	(pc) =	sbr.rel @p0 .LBB2_1-.Ltmp2, $4  }
0x86: {  	[hbm:s12], [sflag:s6] =	dma.local [spmem:s14], $0x2800  }
0x87: {  	_ =	swait.ge [sflag:s15], $0x2800  }
0x88: {  	[sflag:s15] =	ssyncset.done $0x0  }
0x89: {  	[sflag:s15] =	ssyncadd.s32 $0xFFFFD800  }
0x8a: {  	_ =	sfence.sel $0x180000  }
0x8b: {  	[bflag:$0x0] =	sbarrier.arrive $0xFFFF  }
0x8c: {  	p0 =	sne.s32 s1, $0x0;
	_ =	strace $0x9000004A  }
0x8d: {  	s0 =	sadd.s32 @!p0 $0x100000, s0;
	[bflag:$0x2] =	sbarrier.arrive $0xFFFF  }
0x8e: {  	[sflag:s0] =	ssyncadd.tile.s32 @!p0 $0x1;
	_ =	shalt  }
.Lfunc_end2:
_tile_overlayer_lowered:
.L_overlay_start_2:
0x8f: {  	(tag) =	ssettag $0x2  }
0x90: {  	s0 =	rddreg [dreg:$0x0];
	s2 =	stileid.u32  }
0x91: {  	s1 =	rddreg [dreg:$0x1];
	p0 =	sne.s32 s2, $0x0  }
0x92: {  	s3 =	rddreg [dreg:$0x2];
	[bflag:$0x3] =	sbarrier.arrive $0xFFFF;
	s2 =	simm.s32 @!p0 $0x1C03  }
0x93: {  	[timem:s3], [sflag:s2] =	dma.local @!p0 [hbm:s0], s1  }
0x94: {  	s0 =	simm.s32 @!p0 $0x3  }
0x95: {  	_ =	swait.ge @!p0 [sflag:s0], s1  }
0x96: {  	s1 =	ssub.s32 @!p0 $0x0, s1;
	[sflag:s0] =	ssyncset.done @!p0 $0x0  }
0x97: {  	[sflag:s0] =	ssyncadd.s32 @!p0 s1  }
0x98: {  	[bflag:$0x3] =	sbarrier.arrive $0xFFFF  }
0x99: {  	_ =	shalt  }

// kernel: kernel.16.cloned.1.call-start
scs
__scs_entry_jumppad:
0x0: {  	(pc) =	sbr.rel $0x88, $3  }
0x1: {  	(tag) =	ssettag $0x0;
	lr =	simm.s32 $0x1  }
0x2: {  	[smem:$0x3F96] =	sst lr;
	_ =	strace $0xD0000000  }
0x3: {  	_ = 	snop  }
0x4: {  	_ = 	snop  }
0x5: {  	_ = 	snop  }
0x6: {  	_ = 	snop  }
0x7: {  	_ = 	snop  }
__scs_overlays_trampoline_lowered:
0x8: {  	[smem:$0x3FA5] =	sst s0  }
0x9: {  	[smem:$0x3FA6] =	sst s1  }
0xa: {  	[smem:$0x3FA7] =	sst s2  }
0xb: {  	[smem:$0x3FA8] =	sst s3  }
0xc: {  	[smem:$0x3FA9] =	sst s4  }
0xd: {  	[smem:$0x3FAA] =	sst s5  }
0xe: {  	[smem:$0x3FAB] =	sst s6  }
0xf: {  	[smem:$0x3FAC] =	sst s7  }
0x10: {  	[smem:$0x3FAD] =	sst s8  }
0x11: {  	[smem:$0x3FAE] =	sst s9;
	s0 =	simm.s32 @!p0 $0x0  }
0x12: {  	s1 =	sld [smem:$0x3F94];
	s0 =	simm.s32 @p0 $0x1  }
0x13: {  	[smem:$0x3FAF] =	sst s0;
	s0 =	simm.s32 @!p1 $0x0  }
0x14: {  	s2 =	sld [smem:$0x3F93];
	s0 =	simm.s32 @p1 $0x1  }
0x15: {  	[smem:$0x3FB0] =	sst s0;
	s0 =	simm.s32 @!p2 $0x0  }
0x16: {  	s3 =	sld [smem:$0x3FDB];
	s0 =	simm.s32 @p2 $0x1  }
0x17: {  	s4 =	simm.s32 $0x1BF5;
	[smem:$0x3FB2] =	sst s0  }
0x18: {  	s0 =	sld [smem:$0x3F95];
	_ =	swait.ge [sflag:s4], $0x0  }
0x19: {  	s7 =	sld [smem:$0x3F96]  }
0x1a: {  	s8 =	sadd.s32 $0xFFFFE003, lr  }
0x1b: {  	s9 =	sadd.s32 $0xFFFFFEF7, lr;
	s5 =	simm.s32 $0xFFFFFFFF;
	p2 =	slt.u32 s8, $0xFFFFF086  }
0x1c: {  	p1 =	slt.u32 s9, $0xF7A;
	s5 =	simm.s32 @!p2 $0x0  }
0x1d: {  	s5 =	simm.s32 @p1 $0x1;
	p0 =	seq.s32 s7, s2  }
0x1e: {  	s7 =	smul.u32 @!p0 $0xF7A, s2;
	p2 =	seq.s32 @!p0 s5, $0x0  }
0x1f: {  	s9 =	smul.u32 $0xF7A, s1;
	s8 =	simm.s32 @!p0 $0x1BF5;
	p2 =	por !p2, p0  }
0x20: {  	[sflag:s8] =	ssyncset.s32 @!p0 $0xFFFFF086;
	s6 =	sadd.s32 @!p0 s3, s7;
	s7 =	simm.s32 @!p0 $0x108  }
0x21: {  	s3 =	sadd.s32 s3, s9;
	s6 =	sadd.s32 @!p0 $0x88, s6;
	s7 =	simm.s32 @p2 $0x1082  }
0x22: {  	[simem:s7], [sflag:s8] =	dma.local @!p0 [hbm:s6], $0xF7A  }
0x23: {  	s9 =	sor.u32 $0xD0000000, s2;
	s6 =	simm.s32 $0x108;
	_ =	swait.ge @!p0 [sflag:s8], $0x0  }
0x24: {  	s3 =	sadd.s32 $0x88, s3;
	s6 =	simm.s32 @!p1 $0x1082;
	[sflag:s4] =	ssyncset.s32 $0xFFFFF086  }
0x25: {  	[simem:s6], [sflag:s4] =	dma.local [hbm:s3], $0xF7A  }
0x26: {  	[smem:$0x3F96] =	sst s1;
	(tag) =	ssettag s2;
	_ =	strace s9  }
0x27: {  	s1 =	sld [smem:$0x3FA6]  }
0x28: {  	s2 =	sld [smem:$0x3FA7]  }
0x29: {  	s4 =	sld [smem:$0x3FA9]  }
0x2a: {  	p0 =	seq.s32 s5, $0x0;
	s5 =	sld [smem:$0x3FAA]  }
0x2b: {  	s6 =	sld [smem:$0x3FAB]  }
0x2c: {  	s7 =	sld [smem:$0x3FAC]  }
0x2d: {  	s3 =	simm.s32 $0x108;
	s8 =	sld [smem:$0x3FAD]  }
0x2e: {  	s3 =	simm.s32 @!p0 $0x1082;
	s9 =	sld [smem:$0x3FAE]  }
0x2f: {  	lr =	sadd.s32 s0, s3;
	s0 =	sld [smem:$0x3FA5]  }
0x30: {  	s3 =	sld [smem:$0x3FA8]  }
0x31: {  	[smem:$0x3FB1] =	sst s10  }
0x32: {  	s10 =	sld [smem:$0x3FAF];
	_ =	sdelay $0x3  }
0x33: {  	p0 =	seq.s32 s10, $0x1;
	s10 =	sld [smem:$0x3FB1];
	_ =	sdelay $0x3  }
0x34: {  	[smem:$0x3FB1] =	sst s10  }
0x35: {  	s10 =	sld [smem:$0x3FB0];
	_ =	sdelay $0x3  }
0x36: {  	p1 =	seq.s32 s10, $0x1;
	s10 =	sld [smem:$0x3FB1];
	_ =	sdelay $0x3  }
0x37: {  	[smem:$0x3FB1] =	sst s10  }
0x38: {  	s10 =	sld [smem:$0x3FB2]  }
0x39: {  	_ = 	snop;
	(pc) =	sbr.ind lr, $3  }
0x3a: {  	_ = 	snop  }
0x3b: {  	_ = 	snop  }
0x3c: {  	p2 =	seq.s32 s10, $0x1;
	s10 =	sld [smem:$0x3FB1]  }
0x3d: {  	_ =	shalt  }
0x3e: {  	_ =	shalt  }
0x3f: {  	_ =	shalt  }
0x40: {  	_ =	shalt  }
0x41: {  	_ =	shalt  }
0x42: {  	_ =	shalt  }
0x43: {  	_ =	shalt  }
0x44: {  	_ =	shalt  }
0x45: {  	_ =	shalt  }
0x46: {  	_ =	shalt  }
0x47: {  	_ =	shalt  }
0x48: {  	_ =	shalt  }
0x49: {  	_ =	shalt  }
0x4a: {  	_ =	shalt  }
0x4b: {  	_ =	shalt  }
0x4c: {  	_ =	shalt  }
0x4d: {  	_ =	shalt  }
0x4e: {  	_ =	shalt  }
0x4f: {  	_ =	shalt  }
0x50: {  	_ =	shalt  }
0x51: {  	_ =	shalt  }
0x52: {  	_ =	shalt  }
0x53: {  	_ =	shalt  }
0x54: {  	_ =	shalt  }
0x55: {  	_ =	shalt  }
0x56: {  	_ =	shalt  }
0x57: {  	_ =	shalt  }
0x58: {  	_ =	shalt  }
0x59: {  	_ =	shalt  }
0x5a: {  	_ =	shalt  }
0x5b: {  	_ =	shalt  }
0x5c: {  	_ =	shalt  }
0x5d: {  	_ =	shalt  }
0x5e: {  	_ =	shalt  }
0x5f: {  	_ =	shalt  }
0x60: {  	_ =	shalt  }
0x61: {  	_ =	shalt  }
0x62: {  	_ =	shalt  }
0x63: {  	_ =	shalt  }
0x64: {  	_ =	shalt  }
0x65: {  	_ =	shalt  }
0x66: {  	_ =	shalt  }
0x67: {  	_ =	shalt  }
0x68: {  	_ =	shalt  }
0x69: {  	_ =	shalt  }
0x6a: {  	_ =	shalt  }
0x6b: {  	_ =	shalt  }
0x6c: {  	_ =	shalt  }
0x6d: {  	_ =	shalt  }
0x6e: {  	_ =	shalt  }
0x6f: {  	_ =	shalt  }
0x70: {  	_ =	shalt  }
0x71: {  	_ =	shalt  }
0x72: {  	_ =	shalt  }
0x73: {  	_ =	shalt  }
0x74: {  	_ =	shalt  }
0x75: {  	_ =	shalt  }
0x76: {  	_ =	shalt  }
0x77: {  	_ =	shalt  }
0x78: {  	_ =	shalt  }
0x79: {  	_ =	shalt  }
0x7a: {  	_ =	shalt  }
0x7b: {  	_ =	shalt  }
0x7c: {  	_ =	shalt  }
0x7d: {  	_ =	shalt  }
0x7e: {  	_ =	shalt  }
0x7f: {  	_ =	shalt  }
0x80: {  	_ =	shalt  }
0x81: {  	_ =	shalt  }
0x82: {  	_ =	shalt  }
0x83: {  	_ =	shalt  }
0x84: {  	_ =	shalt  }
0x85: {  	_ =	shalt  }
0x86: {  	_ =	shalt  }
0x87: {  	_ =	shalt  }
.Lfunc_end0:
.L_simem_size_0:
called_computation.2_lowered:
.L_overlay_start_0:
0x88: {  	s2 =	sld [smem:$0x3FD9]  }
0x89: {  	s3 =	sld [smem:$0x3FFE];
	_ =	sdelay $0x1  }
0x8a: {  	s1 =	srdreg.scid  }
0x8b: {  	s0 =	sand.u32 $0x1, s1  }
0x8c: {  	s14 =	sshll.u32 s0, $0xA;
	s2 =	sadd.s32 s3, s2  }
0x8d: {  	s2 =	sadd.s32 s2, s14  }
0x8e: {  	[smem:$0x3FBD] =	sst s2  }
0x8f: {  	_ = 	snop  }
0x90: {  	s2 =	sld [smem:$0x3FD0];
	_ =	sdelay $0x2  }
0x91: {  	s15 =	simm.s32 $0xA;
	s4 =	simm.s32 $0x10  }
0x92: {  	[smem:s4], [sflag:s15] =	dma.local [hbm:s2], $0x1  }
0x93: {  	_ =	swait.eq [sflag:s15], $0x1  }
0x94: {  	[sflag:s15] =	ssyncset.done $0x0  }
0x95: {  	[sflag:s15] =	ssyncadd.s32 $0xFFFFFFFF  }
0x96: {  	s16 =	sld [smem:$0x11];
	(tm) =	ssettm $0x1  }
0x97: {  	s17 =	sld [smem:$0x3FFB];
	_ =	sdelay $0x3  }
0x98: {  	_ =	strace s17  }
0x99: {  	s3 =	sld [smem:$0x3FFC];
	_ =	sdelay $0x3  }
0x9a: {  	_ =	strace s3  }
0x9b: {  	s3 =	sld [smem:$0x3FFD];
	_ =	sdelay $0x3  }
0x9c: {  	_ =	strace s3  }
0x9d: {  	_ =	strace $0x8FFFFFFF  }
0x9e: {  	s18 =	sld [smem:$0x3FDB];
	_ =	sdelay $0x1  }
0x9f: {  	s19 =	simm.s32 $_scs_section_size  }
0xa0: {  	s5 =	simm.s32 $_size__tile_overlayer_lowered;
	s6 =	simm.s32 $_tile_overlayer_lowered  }
0xa1: {  	s22 =	simm.s32 $0x1BFF;
	s21 =	sshll.u32 s6, $0x1;
	s3 =	sadd.s32 s19, s18  }
0xa2: {  	s7 =	simm.s32 $0x0;
	s20 =	sshll.u32 s5, $0x1;
	s5 =	sadd.s32 s21, s3  }
0xa3: {  	[timem:s7], [sflag:s22] =	dma.local [hbm:s5], s20  }
0xa4: {  	_ =	swait.ge [sflag:s22], s20  }
0xa5: {  	s4 =	ssub.s32 $0x0, s20;
	[sflag:s22] =	ssyncset.done $0x0  }
0xa6: {  	[sflag:s22] =	ssyncadd.s32 s4;
	_ =	sdelay $0x1  }
0xa7: {  	s23 =	simm.s32 $0x1B8B  }
0xa8: {  	_ =	swait.ge [sflag:s23], $0x1  }
0xa9: {  	[sflag:s23] =	ssyncset.done $0x0  }
0xaa: {  	s25 =	simm.s32 $0x1B8E;
	s24 =	sld [smem:$0x3FFE];
	[sflag:s23] =	ssyncadd.s32 $0xFFFFFFFF  }
0xab: {  	s26 =	simm.s32 $execute0_lowered;
	[smem:$0x3FD2] =	sst s25  }
0xac: {  	s5 =	sshll.u32 s26, $0x1;
	_ =	strace $0x8000004C;
	[dreg:$0x1] =	wrdreg $0xFFFFFFFF  }
0xad: {  	s28 =	simm.s32 $_size_execute0_lowered;
	s3 =	sadd.s32 s3, s5;
	[dreg:$0x0] =	wrdreg $0x0  }
0xae: {  	s5 =	sshll.u32 s28, $0x1;
	[dreg:$0x2] =	wrdreg s3  }
0xaf: {  	[dreg:$0x3] =	wrdreg s5  }
0xb0: {  	[dreg:$0x4] =	wrdreg $0xC0  }
0xb1: {  	_ =	task [dreg:s7], $0x5FFFF  }
0xb2: {  	[dreg:$0x1] =	wrdreg $0xFFFFFFFF  }
0xb3: {  	[dreg:$0x0] =	wrdreg $0x60  }
0xb4: {  	[dreg:$0x2] =	wrdreg s24  }
0xb5: {  	[dreg:$0x3] =	wrdreg s16  }
0xb6: {  	[dreg:$0x4] =	wrdreg $0xAC000  }
0xb7: {  	[dreg:$0x5] =	wrdreg $0x9  }
0xb8: {  	_ =	task.clear_ibuf [dreg:s7], $0x6FFFF;
	_ =	strace $0x9000004C  }
0xb9: {  	s29 =	simm.s32 $0x9;
	_ =	strace $0x8000004E  }
0xba: {  	_ =	swait.ge [sflag:s29], $0x1  }
0xbb: {  	[sflag:s29] =	ssyncadd.s32 $0xFFFFFFFF  }
0xbc: {  	_ =	strace $0x9000004E  }
0xbd: {  	_ =	sfence  }
0xbe: {  	s30 =	sld [smem:$0x0];
	_ =	sdelay $0x2  }
0xbf: {  	s31 =	sshll.u32 s1, $0xD;
	s1 =	sshrl.u32 s1, $0x2  }
0xc0: {  	s3 =	sand.u32 $0x4000, s31;
	s1 =	sadd.s32 s1, s30  }
0xc1: {  	s0 =	sor.u32 s3, s0;
	s1 =	sshll.u32 s1, $0x11  }
0xc2: {  	s0 =	sor.u32 s1, s0  }
0xc3: {  	s0 =	sadd.s32 $0x8F2B, s0  }
0xc4: {  	[sflag:s0] =	ssyncadd.remote.s32 $0x1  }
0xc5: {  	_ =	sfence.sel $0xFFFF  }
0xc6: {  	[dreg:$0x0] =	wrdreg $0xFFFFFFFF;
	(pc) =	sbr.abs _section_cstart, $3  }
0xc7: {  	[dreg:$0x1] =	wrdreg $0xFFFFFFFF  }
0xc8: {  	_ =	task.clear_ibuf [dreg:s7], $0x2FFFF;
	_ =	strace $0x9FFFFFFF  }
0xc9: {  	(tm) =	ssettm $0x7FFFFFFF  }
tec
execute0_lowered:
.L_overlay_start_1:
0x0: {  	(tag) =	ssettag $0x1  }
0x1: {  	s5 =	rddreg [dreg:$0x0]  }
0x2: {  	s11 =	rddreg [dreg:$0x1];
	s0 =	srdreg.scid  }
0x3: {  	s2 =	rddreg [dreg:$0x2];
	s1 =	stileid.u32  }
0x4: {  	s3 =	simm.s32 $0x0;
	s18 =	simm.s32 $0x80;
	s19 =	simm.s32 $0x2C00  }
0x5: {  	s20 =	simm.s32 $0x6C00;
	s21 =	simm.s32 $0x1;
	s22 =	simm.s32 $0x2  }
0x6: {  	s6 =	sand.u32 $0x1, s0;
	s0 =	rddreg [dreg:$0x3];
	s8 =	smul.u32 $0x280, s1  }
0x7: {  	s23 =	simm.s32 $0x0;
	[smem:$0x7FF] =	sst s3;
	s25 =	smul.u32 $0x50000, s1  }
0x8: {  	s4 =	sadd.s32 $0x10400, s5;
	s10 =	sadd.s32 $0x6400, s5;
	s13 =	smul.u32 $0x2800, s1  }
0x9: {  	s29 =	sshll.u32 s1, $0x6;
	s7 =	smul.u32 $0x2800, s6;
	_ =	strace $0x8000004D  }
0xa: {  	s26 =	ssub.s32 $0x2, s6;
	s9 =	smul.u32 $0x28000, s6;
	s6 =	sor.u32 $0x1C03, s29  }
0xb: {  	s28 =	sshrl.u32 s26, $0x1;
	s16 =	sadd.s32 $0x1400, s13;
	s7 =	sadd.s32 s8, s7  }
0xc: {  	s8 =	sshrl.u32 s25, $0x2;
	s14 =	ssub.s32 s26, s28;
	s30 =	sadd.s32 s13, s9  }
0xd: {  	s31 =	sshrl.u32 s9, $0x3;
	s9 =	sadd.s32 s9, s16;
	s13 =	sshrl.u32 s13, $0x3  }
0xe: {  	s16 =	sshrl.u32 s16, $0x3;
	s7 =	sshll.u32 s7, $0x4;
	s15 =	sadd.s32 s8, s2  }
0xf: {  	s8 =	sadd.s32 s10, s31;
	s17 =	sshrl.u32 s9, $0x3;
	s9 =	sadd.s32 s11, s13  }
0x10: {  	s11 =	sadd.s32 s11, s16;
	s13 =	smax.u32 s14, $0x1;
	s16 =	simm.s32 $0x1400  }
0x11: {  	s12 =	sadd.s32 s7, s5;
	s5 =	sadd.s32 s4, s7;
	s7 =	sshrl.u32 s30, $0x3  }
0x12: {  	s14 =	sshrl.u32 s15, $0x3;
	s15 =	simm.s32 $0x3;
	s7 =	sadd.s32 s10, s7  }
0x13: {  	s10 =	sadd.s32 s10, s17;
	s12 =	sadd.s32 $0x60400, s12;
	s17 =	simm.s32 $0x1800  }
.LBB2_1:
0x14: {  	[spmem:s14], [sflag:s6] =	dma.local [hbm:s5], $0x2800  }
0x15: {  	_ =	swait.ge [sflag:s15], $0x2800  }
0x16: {  	[sflag:s15] =	ssyncset.done $0x0  }
0x17: {  	[sflag:s15] =	ssyncadd.s32 $0xFFFFD800  }
0x18: {  	[bflag:$0x0] =	sbarrier.arrive $0xFFFF  }
0x19: {  	[tilespmem:s3], [sflag:$0x3] =	stream.linear.gather [hbm4b:s7+s3], $0x1400, $0x38;
	[tilespmem:$0x1EC00] =	vst v63  }
0x1a: {  	_ =	swait.ge [sflag:s15], $0x1400  }
0x1b: {  	[sflag:s15] =	ssyncset.done $0x0  }
0x1c: {  	[sflag:s15] =	ssyncadd.s32 $0xFFFFEC00  }
0x1d: {  	[tilespmem:s16], [sflag:$0x3] =	stream.linear.gather [hbm4b:s8+s3], $0x100, $0x38;
	[tilespmem:$0x1EC00] =	vst v63  }
0x1e: {  	_ =	swait.ge [sflag:s15], $0x100  }
0x1f: {  	[sflag:s15] =	ssyncset.done $0x0  }
0x20: {  	[sflag:s15] =	ssyncadd.s32 $0xFFFFFF00  }
0x21: {  	[tilespmem:s17], [sflag:$0x3] =	stream.linear.gather [hbm4b:s9+s3], $0x1400, $0x38;
	[tilespmem:$0x1EC00] =	vst v63  }
0x22: {  	_ =	swait.ge [sflag:s15], $0x1400  }
0x23: {  	[sflag:s15] =	ssyncset.done $0x0  }
0x24: {  	[sflag:s15] =	ssyncadd.s32 $0xFFFFEC00  }
0x25: {  	[tilespmem:s19], [sflag:$0x1] =	stream.indirect.gather [hbm4b:s4+s18], $0x80, s3, s18, $0xb8;
	[tilespmem:$0x1EC00] =	vst v63  }
0x26: {  	_ = 	snop  }
0x27: {  	[tilespmem:s20], [sflag:$0x2] =	stream.indirect.gather [hbm4b:s4+s18], $0x80, s18, s18, $0xb8;
	[tilespmem:$0x1EC00] =	vst v63  }
0x28: {  	_ =	swait.ge [sflag:s21], $0x4000  }
0x29: {  	[sflag:s21] =	ssyncset.done $0x0  }
0x2a: {  	s24 =	simm.s32 $0x1800;
	[sflag:s21] =	ssyncadd.s32 $0xFFFFC000  }
0x2b: {  	[spmem:s2] =	stream.indirect.scatter.add.f32 [tilespmem:s19], [sflag:$0x3], $0x80, s24, s18, $0xb8;
	[tilespmem:$0x1EC00] =	vst v63  }
0x2c: {  	_ =	swait.ge [sflag:s15], $0x4000  }
0x2d: {  	[sflag:s15] =	ssyncset.done $0x0  }
0x2e: {  	s30 =	simm.s32 $0x100;
	[sflag:s15] =	ssyncadd.s32 $0xFFFFC000  }
0x2f: {  	[tilespmem:s19], [sflag:$0x1] =	stream.indirect.gather [hbm4b:s4+s18], $0x80, s30, s18, $0xb8;
	[tilespmem:$0x1EC00] =	vst v63  }
0x30: {  	_ =	swait.ge [sflag:s22], $0x4000  }
0x31: {  	[sflag:s22] =	ssyncset.done $0x0  }
0x32: {  	s31 =	simm.s32 $0x1880;
	[sflag:s22] =	ssyncadd.s32 $0xFFFFC000  }
0x33: {  	[spmem:s2] =	stream.indirect.scatter.add.f32 [tilespmem:s20], [sflag:$0x3], $0x80, s31, s18, $0xb8;
	[tilespmem:$0x1EC00] =	vst v63  }
0x34: {  	_ =	swait.ge [sflag:s15], $0x4000  }
0x35: {  	[sflag:s15] =	ssyncset.done $0x0  }
0x36: {  	s25 =	simm.s32 $0x180;
	s24 =	simm.s32 $0x400;
	[sflag:s15] =	ssyncadd.s32 $0xFFFFC000  }
.LBB2_2:
0x37: {  	[tilespmem:s20], [sflag:$0x2] =	stream.indirect.gather [hbm4b:s4+s18], $0x80, s25, s18, $0xb8;
	[tilespmem:$0x1EC00] =	vst v63  }
0x38: {  	s25 =	smov.u32 s24  }
0x39: {  	p0 =	sne.s32 s24, $0x4C00;
	s24 =	sadd.s32 $0x400, s24;
	_ =	swait.ge [sflag:s21], $0x4000  }
0x3a: {  	s25 =	sshra.s32 s25, $0x2;
	[sflag:s21] =	ssyncset.done $0x0  }
0x3b: {  	s26 =	sadd.s32 $0x1800, s25;
	[sflag:s21] =	ssyncadd.s32 $0xFFFFC000  }
0x3c: {  	[spmem:s2] =	stream.indirect.scatter.add.f32 [tilespmem:s19], [sflag:$0x3], $0x80, s26, s18, $0xb8;
	[tilespmem:$0x1EC00] =	vst v63  }
0x3d: {  	_ =	swait.ge [sflag:s15], $0x4000  }
0x3e: {  	[sflag:s15] =	ssyncset.done $0x0  }
0x3f: {  	s26 =	sadd.s32 $0x100, s25;
	[sflag:s15] =	ssyncadd.s32 $0xFFFFC000  }
0x40: {  	[tilespmem:s19], [sflag:$0x1] =	stream.indirect.gather [hbm4b:s4+s18], $0x80, s26, s18, $0xb8;
	[tilespmem:$0x1EC00] =	vst v63  }
0x41: {  	_ =	swait.ge [sflag:s22], $0x4000  }
0x42: {  	[sflag:s22] =	ssyncset.done $0x0  }
.Ltmp0:
0x43: {  	s26 =	sadd.s32 $0x1880, s25;
	[sflag:s22] =	ssyncadd.s32 $0xFFFFC000;
	(pc) =	sbr.rel @p0 .LBB2_2-.Ltmp0, $4  }
0x44: {  	[spmem:s2] =	stream.indirect.scatter.add.f32 [tilespmem:s20], [sflag:$0x3], $0x80, s26, s18, $0xb8;
	[tilespmem:$0x1EC00] =	vst v63  }
0x45: {  	_ =	swait.ge [sflag:s15], $0x4000  }
0x46: {  	[sflag:s15] =	ssyncset.done $0x0  }
0x47: {  	s25 =	sadd.s32 $0x180, s25;
	[sflag:s15] =	ssyncadd.s32 $0xFFFFC000  }
0x48: {  	[tilespmem:s20], [sflag:$0x2] =	stream.indirect.gather [hbm4b:s4+s18], $0x80, s25, s18, $0xb8;
	[tilespmem:$0x1EC00] =	vst v63  }
0x49: {  	_ =	swait.ge [sflag:s21], $0x4000  }
0x4a: {  	[sflag:s21] =	ssyncset.done $0x0  }
0x4b: {  	[sflag:s21] =	ssyncadd.s32 $0xFFFFC000  }
0x4c: {  	_ =	swait.ge [sflag:s22], $0x4000  }
0x4d: {  	[sflag:s22] =	ssyncset.done $0x0  }
0x4e: {  	s24 =	simm.s32 $0x0;
	[sflag:s22] =	ssyncadd.s32 $0xFFFFC000  }
0x4f: {  	[tilespmem:s24], [sflag:$0x3] =	stream.linear.gather [hbm4b:s10+s24], $0x1400, $0x38;
	[tilespmem:$0x1EC00] =	vst v63  }
0x50: {  	_ =	swait.ge [sflag:s15], $0x1400  }
0x51: {  	[sflag:s15] =	ssyncset.done $0x0  }
0x52: {  	[sflag:s15] =	ssyncadd.s32 $0xFFFFEC00  }
0x53: {  	[tilespmem:s16], [sflag:$0x3] =	stream.linear.gather [hbm4b:s8+s24], $0x100, $0x38;
	[tilespmem:$0x1EC00] =	vst v63  }
0x54: {  	_ =	swait.ge [sflag:s15], $0x100  }
0x55: {  	[sflag:s15] =	ssyncset.done $0x0  }
0x56: {  	[sflag:s15] =	ssyncadd.s32 $0xFFFFFF00  }
0x57: {  	[tilespmem:s17], [sflag:$0x3] =	stream.linear.gather [hbm4b:s11+s24], $0x1400, $0x38;
	[tilespmem:$0x1EC00] =	vst v63  }
0x58: {  	_ =	swait.ge [sflag:s15], $0x1400  }
0x59: {  	[sflag:s15] =	ssyncset.done $0x0  }
0x5a: {  	[sflag:s15] =	ssyncadd.s32 $0xFFFFEC00  }
0x5b: {  	[tilespmem:s19], [sflag:$0x1] =	stream.indirect.gather [hbm4b:s4+s18], $0x80, s24, s18, $0xb8;
	[tilespmem:$0x1EC00] =	vst v63  }
0x5c: {  	_ = 	snop  }
0x5d: {  	[tilespmem:s20], [sflag:$0x2] =	stream.indirect.gather [hbm4b:s4+s18], $0x80, s18, s18, $0xb8;
	[tilespmem:$0x1EC00] =	vst v63  }
0x5e: {  	_ =	swait.ge [sflag:s21], $0x4000  }
0x5f: {  	[sflag:s21] =	ssyncset.done $0x0  }
0x60: {  	s29 =	simm.s32 $0x1800;
	[sflag:s21] =	ssyncadd.s32 $0xFFFFC000  }
0x61: {  	[spmem:s2] =	stream.indirect.scatter.add.f32 [tilespmem:s19], [sflag:$0x3], $0x80, s29, s18, $0xb8;
	[tilespmem:$0x1EC00] =	vst v63  }
0x62: {  	_ =	swait.ge [sflag:s15], $0x4000  }
0x63: {  	[sflag:s15] =	ssyncset.done $0x0  }
0x64: {  	s30 =	simm.s32 $0x100;
	[sflag:s15] =	ssyncadd.s32 $0xFFFFC000  }
0x65: {  	[tilespmem:s19], [sflag:$0x1] =	stream.indirect.gather [hbm4b:s4+s18], $0x80, s30, s18, $0xb8;
	[tilespmem:$0x1EC00] =	vst v63  }
0x66: {  	_ =	swait.ge [sflag:s22], $0x4000  }
0x67: {  	[sflag:s22] =	ssyncset.done $0x0  }
0x68: {  	s31 =	simm.s32 $0x1880;
	[sflag:s22] =	ssyncadd.s32 $0xFFFFC000  }
0x69: {  	[spmem:s2] =	stream.indirect.scatter.add.f32 [tilespmem:s20], [sflag:$0x3], $0x80, s31, s18, $0xb8;
	[tilespmem:$0x1EC00] =	vst v63  }
0x6a: {  	_ =	swait.ge [sflag:s15], $0x4000  }
0x6b: {  	[sflag:s15] =	ssyncset.done $0x0  }
0x6c: {  	s25 =	simm.s32 $0x180;
	s24 =	simm.s32 $0x400;
	[sflag:s15] =	ssyncadd.s32 $0xFFFFC000  }
.LBB2_4:
0x6d: {  	[tilespmem:s20], [sflag:$0x2] =	stream.indirect.gather [hbm4b:s4+s18], $0x80, s25, s18, $0xb8;
	[tilespmem:$0x1EC00] =	vst v63  }
0x6e: {  	s25 =	smov.u32 s24  }
0x6f: {  	p0 =	sne.s32 s24, $0x4C00;
	s24 =	sadd.s32 $0x400, s24;
	_ =	swait.ge [sflag:s21], $0x4000  }
0x70: {  	s25 =	sshra.s32 s25, $0x2;
	[sflag:s21] =	ssyncset.done $0x0  }
0x71: {  	s26 =	sadd.s32 $0x1800, s25;
	[sflag:s21] =	ssyncadd.s32 $0xFFFFC000  }
0x72: {  	[spmem:s2] =	stream.indirect.scatter.add.f32 [tilespmem:s19], [sflag:$0x3], $0x80, s26, s18, $0xb8;
	[tilespmem:$0x1EC00] =	vst v63  }
0x73: {  	_ =	swait.ge [sflag:s15], $0x4000  }
0x74: {  	[sflag:s15] =	ssyncset.done $0x0  }
0x75: {  	s26 =	sadd.s32 $0x100, s25;
	[sflag:s15] =	ssyncadd.s32 $0xFFFFC000  }
0x76: {  	[tilespmem:s19], [sflag:$0x1] =	stream.indirect.gather [hbm4b:s4+s18], $0x80, s26, s18, $0xb8;
	[tilespmem:$0x1EC00] =	vst v63  }
0x77: {  	_ =	swait.ge [sflag:s22], $0x4000  }
0x78: {  	[sflag:s22] =	ssyncset.done $0x0  }
.Ltmp1:
0x79: {  	s26 =	sadd.s32 $0x1880, s25;
	[sflag:s22] =	ssyncadd.s32 $0xFFFFC000;
	(pc) =	sbr.rel @p0 .LBB2_4-.Ltmp1, $4  }
0x7a: {  	[spmem:s2] =	stream.indirect.scatter.add.f32 [tilespmem:s20], [sflag:$0x3], $0x80, s26, s18, $0xb8;
	[tilespmem:$0x1EC00] =	vst v63  }
0x7b: {  	_ =	swait.ge [sflag:s15], $0x4000  }
0x7c: {  	[sflag:s15] =	ssyncset.done $0x0  }
0x7d: {  	s25 =	sadd.s32 $0x180, s25;
	[sflag:s15] =	ssyncadd.s32 $0xFFFFC000  }
0x7e: {  	[tilespmem:s20], [sflag:$0x2] =	stream.indirect.gather [hbm4b:s4+s18], $0x80, s25, s18, $0xb8;
	[tilespmem:$0x1EC00] =	vst v63  }
0x7f: {  	_ =	swait.ge [sflag:s21], $0x4000  }
0x80: {  	[sflag:s21] =	ssyncset.done $0x0  }
0x81: {  	[sflag:s21] =	ssyncadd.s32 $0xFFFFC000  }
0x82: {  	_ =	swait.ge [sflag:s22], $0x4000  }
0x83: {  	s23 =	sadd.s32 $0x1, s23;
	[sflag:s22] =	ssyncset.done $0x0  }
0x84: {  	p0 =	sne.s32 s23, s13;
	[sflag:s22] =	ssyncadd.s32 $0xFFFFC000  }
.Ltmp2:
0x85: {  	[bflag:$0x0] =	sbarrier.arrive $0xFFFF;
	(pc) =	sbr.rel @p0 .LBB2_1-.Ltmp2, $4  }
0x86: {  	[hbm:s12], [sflag:s6] =	dma.local [spmem:s14], $0x2800  }
0x87: {  	_ =	swait.ge [sflag:s15], $0x2800  }
0x88: {  	[sflag:s15] =	ssyncset.done $0x0  }
0x89: {  	[sflag:s15] =	ssyncadd.s32 $0xFFFFD800  }
0x8a: {  	_ =	sfence.sel $0x180000  }
0x8b: {  	[bflag:$0x0] =	sbarrier.arrive $0xFFFF  }
0x8c: {  	p0 =	sne.s32 s1, $0x0;
	_ =	strace $0x9000004D  }
0x8d: {  	s0 =	sadd.s32 @!p0 $0x100000, s0;
	[bflag:$0x2] =	sbarrier.arrive $0xFFFF  }
0x8e: {  	[sflag:s0] =	ssyncadd.tile.s32 @!p0 $0x1;
	_ =	shalt  }
.Lfunc_end2:
_tile_overlayer_lowered:
.L_overlay_start_2:
0x8f: {  	(tag) =	ssettag $0x2  }
0x90: {  	s0 =	rddreg [dreg:$0x0];
	s2 =	stileid.u32  }
0x91: {  	s1 =	rddreg [dreg:$0x1];
	p0 =	sne.s32 s2, $0x0  }
0x92: {  	s3 =	rddreg [dreg:$0x2];
	[bflag:$0x3] =	sbarrier.arrive $0xFFFF;
	s2 =	simm.s32 @!p0 $0x1C03  }
0x93: {  	[timem:s3], [sflag:s2] =	dma.local @!p0 [hbm:s0], s1  }
0x94: {  	s0 =	simm.s32 @!p0 $0x3  }
0x95: {  	_ =	swait.ge @!p0 [sflag:s0], s1  }
0x96: {  	s1 =	ssub.s32 @!p0 $0x0, s1;
	[sflag:s0] =	ssyncset.done @!p0 $0x0  }
0x97: {  	[sflag:s0] =	ssyncadd.s32 @!p0 s1  }
0x98: {  	[bflag:$0x3] =	sbarrier.arrive $0xFFFF  }
0x99: {  	_ =	shalt  }

// kernel: kernel.19.cloned.1.call-start
scs
__scs_entry_jumppad:
0x0: {  	(pc) =	sbr.rel $0x88, $3  }
0x1: {  	(tag) =	ssettag $0x0;
	lr =	simm.s32 $0x1  }
0x2: {  	[smem:$0x3F96] =	sst lr;
	_ =	strace $0xD0000000  }
0x3: {  	_ = 	snop  }
0x4: {  	_ = 	snop  }
0x5: {  	_ = 	snop  }
0x6: {  	_ = 	snop  }
0x7: {  	_ = 	snop  }
__scs_overlays_trampoline_lowered:
0x8: {  	[smem:$0x3FA5] =	sst s0  }
0x9: {  	[smem:$0x3FA6] =	sst s1  }
0xa: {  	[smem:$0x3FA7] =	sst s2  }
0xb: {  	[smem:$0x3FA8] =	sst s3  }
0xc: {  	[smem:$0x3FA9] =	sst s4  }
0xd: {  	[smem:$0x3FAA] =	sst s5  }
0xe: {  	[smem:$0x3FAB] =	sst s6  }
0xf: {  	[smem:$0x3FAC] =	sst s7  }
0x10: {  	[smem:$0x3FAD] =	sst s8  }
0x11: {  	[smem:$0x3FAE] =	sst s9;
	s0 =	simm.s32 @!p0 $0x0  }
0x12: {  	s1 =	sld [smem:$0x3F94];
	s0 =	simm.s32 @p0 $0x1  }
0x13: {  	[smem:$0x3FAF] =	sst s0;
	s0 =	simm.s32 @!p1 $0x0  }
0x14: {  	s2 =	sld [smem:$0x3F93];
	s0 =	simm.s32 @p1 $0x1  }
0x15: {  	[smem:$0x3FB0] =	sst s0;
	s0 =	simm.s32 @!p2 $0x0  }
0x16: {  	s3 =	sld [smem:$0x3FDB];
	s0 =	simm.s32 @p2 $0x1  }
0x17: {  	s4 =	simm.s32 $0x1BF5;
	[smem:$0x3FB2] =	sst s0  }
0x18: {  	s0 =	sld [smem:$0x3F95];
	_ =	swait.ge [sflag:s4], $0x0  }
0x19: {  	s7 =	sld [smem:$0x3F96]  }
0x1a: {  	s8 =	sadd.s32 $0xFFFFE003, lr  }
0x1b: {  	s9 =	sadd.s32 $0xFFFFFEF7, lr;
	s5 =	simm.s32 $0xFFFFFFFF;
	p2 =	slt.u32 s8, $0xFFFFF086  }
0x1c: {  	p1 =	slt.u32 s9, $0xF7A;
	s5 =	simm.s32 @!p2 $0x0  }
0x1d: {  	s5 =	simm.s32 @p1 $0x1;
	p0 =	seq.s32 s7, s2  }
0x1e: {  	s7 =	smul.u32 @!p0 $0xF7A, s2;
	p2 =	seq.s32 @!p0 s5, $0x0  }
0x1f: {  	s9 =	smul.u32 $0xF7A, s1;
	s8 =	simm.s32 @!p0 $0x1BF5;
	p2 =	por !p2, p0  }
0x20: {  	[sflag:s8] =	ssyncset.s32 @!p0 $0xFFFFF086;
	s6 =	sadd.s32 @!p0 s3, s7;
	s7 =	simm.s32 @!p0 $0x108  }
0x21: {  	s3 =	sadd.s32 s3, s9;
	s6 =	sadd.s32 @!p0 $0x88, s6;
	s7 =	simm.s32 @p2 $0x1082  }
0x22: {  	[simem:s7], [sflag:s8] =	dma.local @!p0 [hbm:s6], $0xF7A  }
0x23: {  	s9 =	sor.u32 $0xD0000000, s2;
	s6 =	simm.s32 $0x108;
	_ =	swait.ge @!p0 [sflag:s8], $0x0  }
0x24: {  	s3 =	sadd.s32 $0x88, s3;
	s6 =	simm.s32 @!p1 $0x1082;
	[sflag:s4] =	ssyncset.s32 $0xFFFFF086  }
0x25: {  	[simem:s6], [sflag:s4] =	dma.local [hbm:s3], $0xF7A  }
0x26: {  	[smem:$0x3F96] =	sst s1;
	(tag) =	ssettag s2;
	_ =	strace s9  }
0x27: {  	s1 =	sld [smem:$0x3FA6]  }
0x28: {  	s2 =	sld [smem:$0x3FA7]  }
0x29: {  	s4 =	sld [smem:$0x3FA9]  }
0x2a: {  	p0 =	seq.s32 s5, $0x0;
	s5 =	sld [smem:$0x3FAA]  }
0x2b: {  	s6 =	sld [smem:$0x3FAB]  }
0x2c: {  	s7 =	sld [smem:$0x3FAC]  }
0x2d: {  	s3 =	simm.s32 $0x108;
	s8 =	sld [smem:$0x3FAD]  }
0x2e: {  	s3 =	simm.s32 @!p0 $0x1082;
	s9 =	sld [smem:$0x3FAE]  }
0x2f: {  	lr =	sadd.s32 s0, s3;
	s0 =	sld [smem:$0x3FA5]  }
0x30: {  	s3 =	sld [smem:$0x3FA8]  }
0x31: {  	[smem:$0x3FB1] =	sst s10  }
0x32: {  	s10 =	sld [smem:$0x3FAF];
	_ =	sdelay $0x3  }
0x33: {  	p0 =	seq.s32 s10, $0x1;
	s10 =	sld [smem:$0x3FB1];
	_ =	sdelay $0x3  }
0x34: {  	[smem:$0x3FB1] =	sst s10  }
0x35: {  	s10 =	sld [smem:$0x3FB0];
	_ =	sdelay $0x3  }
0x36: {  	p1 =	seq.s32 s10, $0x1;
	s10 =	sld [smem:$0x3FB1];
	_ =	sdelay $0x3  }
0x37: {  	[smem:$0x3FB1] =	sst s10  }
0x38: {  	s10 =	sld [smem:$0x3FB2]  }
0x39: {  	_ = 	snop;
	(pc) =	sbr.ind lr, $3  }
0x3a: {  	_ = 	snop  }
0x3b: {  	_ = 	snop  }
0x3c: {  	p2 =	seq.s32 s10, $0x1;
	s10 =	sld [smem:$0x3FB1]  }
0x3d: {  	_ =	shalt  }
0x3e: {  	_ =	shalt  }
0x3f: {  	_ =	shalt  }
0x40: {  	_ =	shalt  }
0x41: {  	_ =	shalt  }
0x42: {  	_ =	shalt  }
0x43: {  	_ =	shalt  }
0x44: {  	_ =	shalt  }
0x45: {  	_ =	shalt  }
0x46: {  	_ =	shalt  }
0x47: {  	_ =	shalt  }
0x48: {  	_ =	shalt  }
0x49: {  	_ =	shalt  }
0x4a: {  	_ =	shalt  }
0x4b: {  	_ =	shalt  }
0x4c: {  	_ =	shalt  }
0x4d: {  	_ =	shalt  }
0x4e: {  	_ =	shalt  }
0x4f: {  	_ =	shalt  }
0x50: {  	_ =	shalt  }
0x51: {  	_ =	shalt  }
0x52: {  	_ =	shalt  }
0x53: {  	_ =	shalt  }
0x54: {  	_ =	shalt  }
0x55: {  	_ =	shalt  }
0x56: {  	_ =	shalt  }
0x57: {  	_ =	shalt  }
0x58: {  	_ =	shalt  }
0x59: {  	_ =	shalt  }
0x5a: {  	_ =	shalt  }
0x5b: {  	_ =	shalt  }
0x5c: {  	_ =	shalt  }
0x5d: {  	_ =	shalt  }
0x5e: {  	_ =	shalt  }
0x5f: {  	_ =	shalt  }
0x60: {  	_ =	shalt  }
0x61: {  	_ =	shalt  }
0x62: {  	_ =	shalt  }
0x63: {  	_ =	shalt  }
0x64: {  	_ =	shalt  }
0x65: {  	_ =	shalt  }
0x66: {  	_ =	shalt  }
0x67: {  	_ =	shalt  }
0x68: {  	_ =	shalt  }
0x69: {  	_ =	shalt  }
0x6a: {  	_ =	shalt  }
0x6b: {  	_ =	shalt  }
0x6c: {  	_ =	shalt  }
0x6d: {  	_ =	shalt  }
0x6e: {  	_ =	shalt  }
0x6f: {  	_ =	shalt  }
0x70: {  	_ =	shalt  }
0x71: {  	_ =	shalt  }
0x72: {  	_ =	shalt  }
0x73: {  	_ =	shalt  }
0x74: {  	_ =	shalt  }
0x75: {  	_ =	shalt  }
0x76: {  	_ =	shalt  }
0x77: {  	_ =	shalt  }
0x78: {  	_ =	shalt  }
0x79: {  	_ =	shalt  }
0x7a: {  	_ =	shalt  }
0x7b: {  	_ =	shalt  }
0x7c: {  	_ =	shalt  }
0x7d: {  	_ =	shalt  }
0x7e: {  	_ =	shalt  }
0x7f: {  	_ =	shalt  }
0x80: {  	_ =	shalt  }
0x81: {  	_ =	shalt  }
0x82: {  	_ =	shalt  }
0x83: {  	_ =	shalt  }
0x84: {  	_ =	shalt  }
0x85: {  	_ =	shalt  }
0x86: {  	_ =	shalt  }
0x87: {  	_ =	shalt  }
.Lfunc_end0:
.L_simem_size_0:
called_computation.3_lowered:
.L_overlay_start_0:
0x88: {  	s2 =	sld [smem:$0x3FD9]  }
0x89: {  	s3 =	sld [smem:$0x3FFE];
	_ =	sdelay $0x1  }
0x8a: {  	s1 =	srdreg.scid  }
0x8b: {  	s0 =	sand.u32 $0x1, s1  }
0x8c: {  	s14 =	sshll.u32 s0, $0xA;
	s2 =	sadd.s32 s3, s2  }
0x8d: {  	s2 =	sadd.s32 s2, s14  }
0x8e: {  	[smem:$0x3FBD] =	sst s2  }
0x8f: {  	_ = 	snop  }
0x90: {  	s2 =	sld [smem:$0x3FD0];
	_ =	sdelay $0x2  }
0x91: {  	s15 =	simm.s32 $0xA;
	s4 =	simm.s32 $0x10  }
0x92: {  	[smem:s4], [sflag:s15] =	dma.local [hbm:s2], $0x1  }
0x93: {  	_ =	swait.eq [sflag:s15], $0x1  }
0x94: {  	[sflag:s15] =	ssyncset.done $0x0  }
0x95: {  	[sflag:s15] =	ssyncadd.s32 $0xFFFFFFFF  }
0x96: {  	s16 =	sld [smem:$0x11];
	(tm) =	ssettm $0x1  }
0x97: {  	s17 =	sld [smem:$0x3FFB];
	_ =	sdelay $0x3  }
0x98: {  	_ =	strace s17  }
0x99: {  	s3 =	sld [smem:$0x3FFC];
	_ =	sdelay $0x3  }
0x9a: {  	_ =	strace s3  }
0x9b: {  	s3 =	sld [smem:$0x3FFD];
	_ =	sdelay $0x3  }
0x9c: {  	_ =	strace s3  }
0x9d: {  	_ =	strace $0x8FFFFFFF  }
0x9e: {  	s18 =	sld [smem:$0x3FDB];
	_ =	sdelay $0x1  }
0x9f: {  	s19 =	simm.s32 $_scs_section_size  }
0xa0: {  	s5 =	simm.s32 $_size__tile_overlayer_lowered;
	s6 =	simm.s32 $_tile_overlayer_lowered  }
0xa1: {  	s22 =	simm.s32 $0x1BFF;
	s21 =	sshll.u32 s6, $0x1;
	s3 =	sadd.s32 s19, s18  }
0xa2: {  	s7 =	simm.s32 $0x0;
	s20 =	sshll.u32 s5, $0x1;
	s5 =	sadd.s32 s21, s3  }
0xa3: {  	[timem:s7], [sflag:s22] =	dma.local [hbm:s5], s20  }
0xa4: {  	_ =	swait.ge [sflag:s22], s20  }
0xa5: {  	s4 =	ssub.s32 $0x0, s20;
	[sflag:s22] =	ssyncset.done $0x0  }
0xa6: {  	[sflag:s22] =	ssyncadd.s32 s4;
	_ =	sdelay $0x1  }
0xa7: {  	s23 =	simm.s32 $0x1B8B  }
0xa8: {  	_ =	swait.ge [sflag:s23], $0x1  }
0xa9: {  	[sflag:s23] =	ssyncset.done $0x0  }
0xaa: {  	s25 =	simm.s32 $0x1B8E;
	s24 =	sld [smem:$0x3FFE];
	[sflag:s23] =	ssyncadd.s32 $0xFFFFFFFF  }
0xab: {  	s26 =	simm.s32 $execute0_lowered;
	[smem:$0x3FD2] =	sst s25  }
0xac: {  	s5 =	sshll.u32 s26, $0x1;
	_ =	strace $0x8000004F;
	[dreg:$0x1] =	wrdreg $0xFFFFFFFF  }
0xad: {  	s28 =	simm.s32 $_size_execute0_lowered;
	s3 =	sadd.s32 s3, s5;
	[dreg:$0x0] =	wrdreg $0x0  }
0xae: {  	s5 =	sshll.u32 s28, $0x1;
	[dreg:$0x2] =	wrdreg s3  }
0xaf: {  	[dreg:$0x3] =	wrdreg s5  }
0xb0: {  	[dreg:$0x4] =	wrdreg $0xC0  }
0xb1: {  	_ =	task [dreg:s7], $0x5FFFF  }
0xb2: {  	[dreg:$0x1] =	wrdreg $0xFFFFFFFF  }
0xb3: {  	[dreg:$0x0] =	wrdreg $0x60  }
0xb4: {  	[dreg:$0x2] =	wrdreg s24  }
0xb5: {  	[dreg:$0x3] =	wrdreg s16  }
0xb6: {  	[dreg:$0x4] =	wrdreg $0xAC000  }
0xb7: {  	[dreg:$0x5] =	wrdreg $0x9  }
0xb8: {  	_ =	task.clear_ibuf [dreg:s7], $0x6FFFF;
	_ =	strace $0x9000004F  }
0xb9: {  	s29 =	simm.s32 $0x9;
	_ =	strace $0x80000051  }
0xba: {  	_ =	swait.ge [sflag:s29], $0x1  }
0xbb: {  	[sflag:s29] =	ssyncadd.s32 $0xFFFFFFFF  }
0xbc: {  	_ =	strace $0x90000051  }
0xbd: {  	_ =	sfence  }
0xbe: {  	s30 =	sld [smem:$0x0];
	_ =	sdelay $0x2  }
0xbf: {  	s31 =	sshll.u32 s1, $0xD;
	s1 =	sshrl.u32 s1, $0x2  }
0xc0: {  	s3 =	sand.u32 $0x4000, s31;
	s1 =	sadd.s32 s1, s30  }
0xc1: {  	s0 =	sor.u32 s3, s0;
	s1 =	sshll.u32 s1, $0x11  }
0xc2: {  	s0 =	sor.u32 s1, s0  }
0xc3: {  	s0 =	sadd.s32 $0x8F2B, s0  }
0xc4: {  	[sflag:s0] =	ssyncadd.remote.s32 $0x1  }
0xc5: {  	_ =	sfence.sel $0xFFFF  }
0xc6: {  	[dreg:$0x0] =	wrdreg $0xFFFFFFFF;
	(pc) =	sbr.abs _section_cstart, $3  }
0xc7: {  	[dreg:$0x1] =	wrdreg $0xFFFFFFFF  }
0xc8: {  	_ =	task.clear_ibuf [dreg:s7], $0x2FFFF;
	_ =	strace $0x9FFFFFFF  }
0xc9: {  	(tm) =	ssettm $0x7FFFFFFF  }
tec
execute0_lowered:
.L_overlay_start_1:
0x0: {  	(tag) =	ssettag $0x1  }
0x1: {  	s6 =	rddreg [dreg:$0x0]  }
0x2: {  	s8 =	rddreg [dreg:$0x1]  }
0x3: {  	s2 =	rddreg [dreg:$0x2]  }
0x4: {  	s0 =	rddreg [dreg:$0x3];
	s3 =	simm.s32 $0x0;
	s4 =	srdreg.scid  }
0x5: {  	s1 =	stileid.u32;
	s15 =	simm.s32 $0x1800;
	s16 =	simm.s32 $0x80  }
0x6: {  	s17 =	simm.s32 $0x2C00;
	s18 =	simm.s32 $0x6C00;
	s19 =	simm.s32 $0x1  }
0x7: {  	s20 =	simm.s32 $0x2;
	s21 =	simm.s32 $0x0;
	[smem:$0x7FF] =	sst s3  }
0x8: {  	s7 =	sand.u32 $0x1, s4;
	s9 =	smul.u32 $0x2800, s1;
	s4 =	sadd.s32 $0x6400, s6  }
0x9: {  	s5 =	sadd.s32 $0x1400, s6;
	s11 =	sadd.s32 $0x2E400, s6;
	s13 =	smul.u32 $0x50000, s1  }
0xa: {  	s31 =	sshll.u32 s1, $0x6;
	_ =	strace $0x80000050;
	s10 =	smul.u32 $0x28000, s7  }
0xb: {  	s12 =	sshll.u32 s7, $0x4;
	s30 =	ssub.s32 $0x2, s7;
	p0 =	seq.s32 s7, $0x1  }
0xc: {  	s12 =	sor.u32 s1, s12;
	s14 =	sshrl.u32 s30, $0x1;
	s13 =	sshrl.u32 s13, $0x2  }
0xd: {  	s10 =	sadd.s32 s9, s10;
	s12 =	smul.u32 $0x280, s12;
	s14 =	ssub.s32 s30, s14  }
0xe: {  	s13 =	sadd.s32 s13, s2;
	s10 =	sadd.s32 s10, s6;
	s6 =	sadd.s32 s4, s9  }
0xf: {  	s7 =	sadd.s32 s5, s12;
	s8 =	sadd.s32 s8, s12;
	s9 =	sadd.s32 $0x30C00, s10  }
0x10: {  	s10 =	smax.u32 s14, $0x1;
	s6 =	smov.u32 @p0 s11;
	s11 =	sor.u32 $0x1C03, s31  }
0x11: {  	s12 =	sshrl.u32 s13, $0x3;
	s13 =	simm.s32 $0x3;
	s14 =	simm.s32 $0x1400  }
.LBB2_1:
0x12: {  	[spmem:s12], [sflag:s11] =	dma.local [hbm:s6], $0x2800  }
0x13: {  	_ =	swait.ge [sflag:s13], $0x2800  }
0x14: {  	[sflag:s13] =	ssyncset.done $0x0  }
0x15: {  	[sflag:s13] =	ssyncadd.s32 $0xFFFFD800  }
0x16: {  	[tilespmem:s3], [sflag:$0x3] =	stream.linear.gather [hbm4b:s7+s3], $0x1400, $0x38;
	[tilespmem:$0x1EC00] =	vst v63  }
0x17: {  	_ =	swait.ge [sflag:s13], $0x1400  }
0x18: {  	[sflag:s13] =	ssyncset.done $0x0  }
0x19: {  	[sflag:s13] =	ssyncadd.s32 $0xFFFFEC00  }
0x1a: {  	[tilespmem:s14], [sflag:$0x3] =	stream.linear.gather [hbm4b:s5+s3], $0x100, $0x38;
	[tilespmem:$0x1EC00] =	vst v63  }
0x1b: {  	_ =	swait.ge [sflag:s13], $0x100  }
0x1c: {  	[sflag:s13] =	ssyncset.done $0x0  }
0x1d: {  	[sflag:s13] =	ssyncadd.s32 $0xFFFFFF00  }
0x1e: {  	[tilespmem:s15], [sflag:$0x3] =	stream.linear.gather [hbm4b:s8+s3], $0x1400, $0x38;
	[tilespmem:$0x1EC00] =	vst v63  }
0x1f: {  	_ =	swait.ge [sflag:s13], $0x1400  }
0x20: {  	[sflag:s13] =	ssyncset.done $0x0  }
0x21: {  	[sflag:s13] =	ssyncadd.s32 $0xFFFFEC00  }
0x22: {  	[bflag:$0x0] =	sbarrier.arrive $0xFFFF  }
0x23: {  	[tilespmem:s17], [sflag:$0x1] =	stream.indirect.gather [hbm4b:s4+s16], $0x80, s3, s16, $0xb8;
	[tilespmem:$0x1EC00] =	vst v63  }
0x24: {  	_ = 	snop  }
0x25: {  	[tilespmem:s18], [sflag:$0x2] =	stream.indirect.gather [hbm4b:s4+s16], $0x80, s16, s16, $0xb8;
	[tilespmem:$0x1EC00] =	vst v63  }
0x26: {  	_ =	swait.ge [sflag:s19], $0x4000  }
0x27: {  	[sflag:s19] =	ssyncset.done $0x0  }
0x28: {  	s22 =	simm.s32 $0x1800;
	[sflag:s19] =	ssyncadd.s32 $0xFFFFC000  }
0x29: {  	[spmem:s2] =	stream.indirect.scatter.add.f32 [tilespmem:s17], [sflag:$0x3], $0x80, s22, s16, $0xb8;
	[tilespmem:$0x1EC00] =	vst v63  }
0x2a: {  	_ =	swait.ge [sflag:s13], $0x4000  }
0x2b: {  	[sflag:s13] =	ssyncset.done $0x0  }
0x2c: {  	s30 =	simm.s32 $0x100;
	[sflag:s13] =	ssyncadd.s32 $0xFFFFC000  }
0x2d: {  	[tilespmem:s17], [sflag:$0x1] =	stream.indirect.gather [hbm4b:s4+s16], $0x80, s30, s16, $0xb8;
	[tilespmem:$0x1EC00] =	vst v63  }
0x2e: {  	_ =	swait.ge [sflag:s20], $0x4000  }
0x2f: {  	[sflag:s20] =	ssyncset.done $0x0  }
0x30: {  	s31 =	simm.s32 $0x1880;
	[sflag:s20] =	ssyncadd.s32 $0xFFFFC000  }
0x31: {  	[spmem:s2] =	stream.indirect.scatter.add.f32 [tilespmem:s18], [sflag:$0x3], $0x80, s31, s16, $0xb8;
	[tilespmem:$0x1EC00] =	vst v63  }
0x32: {  	_ =	swait.ge [sflag:s13], $0x4000  }
0x33: {  	[sflag:s13] =	ssyncset.done $0x0  }
0x34: {  	s23 =	simm.s32 $0x180;
	s22 =	simm.s32 $0x400;
	[sflag:s13] =	ssyncadd.s32 $0xFFFFC000  }
.LBB2_2:
0x35: {  	[tilespmem:s18], [sflag:$0x2] =	stream.indirect.gather [hbm4b:s4+s16], $0x80, s23, s16, $0xb8;
	[tilespmem:$0x1EC00] =	vst v63  }
0x36: {  	s23 =	smov.u32 s22  }
0x37: {  	p0 =	sne.s32 s22, $0x4C00;
	s22 =	sadd.s32 $0x400, s22;
	_ =	swait.ge [sflag:s19], $0x4000  }
0x38: {  	s23 =	sshra.s32 s23, $0x2;
	[sflag:s19] =	ssyncset.done $0x0  }
0x39: {  	s24 =	sadd.s32 $0x1800, s23;
	[sflag:s19] =	ssyncadd.s32 $0xFFFFC000  }
0x3a: {  	[spmem:s2] =	stream.indirect.scatter.add.f32 [tilespmem:s17], [sflag:$0x3], $0x80, s24, s16, $0xb8;
	[tilespmem:$0x1EC00] =	vst v63  }
0x3b: {  	_ =	swait.ge [sflag:s13], $0x4000  }
0x3c: {  	[sflag:s13] =	ssyncset.done $0x0  }
0x3d: {  	s24 =	sadd.s32 $0x100, s23;
	[sflag:s13] =	ssyncadd.s32 $0xFFFFC000  }
0x3e: {  	[tilespmem:s17], [sflag:$0x1] =	stream.indirect.gather [hbm4b:s4+s16], $0x80, s24, s16, $0xb8;
	[tilespmem:$0x1EC00] =	vst v63  }
0x3f: {  	_ =	swait.ge [sflag:s20], $0x4000  }
0x40: {  	[sflag:s20] =	ssyncset.done $0x0  }
.Ltmp0:
0x41: {  	s24 =	sadd.s32 $0x1880, s23;
	[sflag:s20] =	ssyncadd.s32 $0xFFFFC000;
	(pc) =	sbr.rel @p0 .LBB2_2-.Ltmp0, $4  }
0x42: {  	[spmem:s2] =	stream.indirect.scatter.add.f32 [tilespmem:s18], [sflag:$0x3], $0x80, s24, s16, $0xb8;
	[tilespmem:$0x1EC00] =	vst v63  }
0x43: {  	_ =	swait.ge [sflag:s13], $0x4000  }
0x44: {  	[sflag:s13] =	ssyncset.done $0x0  }
0x45: {  	s23 =	sadd.s32 $0x180, s23;
	[sflag:s13] =	ssyncadd.s32 $0xFFFFC000  }
0x46: {  	[tilespmem:s18], [sflag:$0x2] =	stream.indirect.gather [hbm4b:s4+s16], $0x80, s23, s16, $0xb8;
	[tilespmem:$0x1EC00] =	vst v63  }
0x47: {  	_ =	swait.ge [sflag:s19], $0x4000  }
0x48: {  	[sflag:s19] =	ssyncset.done $0x0  }
0x49: {  	[sflag:s19] =	ssyncadd.s32 $0xFFFFC000  }
0x4a: {  	_ =	swait.ge [sflag:s20], $0x4000  }
0x4b: {  	s21 =	sadd.s32 $0x1, s21;
	[sflag:s20] =	ssyncset.done $0x0  }
0x4c: {  	p0 =	sne.s32 s21, s10;
	[sflag:s20] =	ssyncadd.s32 $0xFFFFC000  }
.Ltmp1:
0x4d: {  	[bflag:$0x0] =	sbarrier.arrive $0xFFFF;
	(pc) =	sbr.rel @p0 .LBB2_1-.Ltmp1, $4  }
0x4e: {  	[hbm:s9], [sflag:s11] =	dma.local [spmem:s12], $0x2800  }
0x4f: {  	_ =	swait.ge [sflag:s13], $0x2800  }
0x50: {  	[sflag:s13] =	ssyncset.done $0x0  }
0x51: {  	[sflag:s13] =	ssyncadd.s32 $0xFFFFD800  }
0x52: {  	_ =	sfence.sel $0x180000  }
0x53: {  	[bflag:$0x0] =	sbarrier.arrive $0xFFFF  }
0x54: {  	p0 =	sne.s32 s1, $0x0;
	_ =	strace $0x90000050  }
0x55: {  	s0 =	sadd.s32 @!p0 $0x100000, s0;
	[bflag:$0x2] =	sbarrier.arrive $0xFFFF  }
0x56: {  	[sflag:s0] =	ssyncadd.tile.s32 @!p0 $0x1;
	_ =	shalt  }
.Lfunc_end2:
_tile_overlayer_lowered:
.L_overlay_start_2:
0x57: {  	(tag) =	ssettag $0x2  }
0x58: {  	s0 =	rddreg [dreg:$0x0];
	s2 =	stileid.u32  }
0x59: {  	s1 =	rddreg [dreg:$0x1];
	p0 =	sne.s32 s2, $0x0  }
0x5a: {  	s3 =	rddreg [dreg:$0x2];
	[bflag:$0x3] =	sbarrier.arrive $0xFFFF;
	s2 =	simm.s32 @!p0 $0x1C03  }
0x5b: {  	[timem:s3], [sflag:s2] =	dma.local @!p0 [hbm:s0], s1  }
0x5c: {  	s0 =	simm.s32 @!p0 $0x3  }
0x5d: {  	_ =	swait.ge @!p0 [sflag:s0], s1  }
0x5e: {  	s1 =	ssub.s32 @!p0 $0x0, s1;
	[sflag:s0] =	ssyncset.done @!p0 $0x0  }
0x5f: {  	[sflag:s0] =	ssyncadd.s32 @!p0 s1  }
0x60: {  	[bflag:$0x3] =	sbarrier.arrive $0xFFFF  }
0x61: {  	_ =	shalt  }

</sc_bundles>
